<compile_context>
chip_gen: v7x
topology: tpu7x:2x2x1
jax: 0.10.2.dev20260603
libtpu: 0.0.44.dev20260713+nightly
codegen_flags: <defaults>
</compile_context>

<pallas_src>
import functools

import jax
import jax.numpy as jnp
from jax import lax
from jax.experimental import pallas as pl
from jax.experimental.pallas import tpu as pltpu
from jax.experimental.pallas import tpu_sc as plsc

_NC = 2
_NS = 16
_R = 16


def _sc_add_kernel(T, x_hbm, pos_hbm, out_hbm, xb0, xb1, xb2, xb3, posbuf,
                   in_s0, in_s1, in_s2, in_s3, out_s0, out_s1, out_s2, out_s3):
    B = x_hbm.shape[0]
    D = x_hbm.shape[2]
    nw = _NC * _NS
    strip = T // nw
    wid = lax.axis_index("s") * _NC + lax.axis_index("c")
    t0 = wid * strip
    nslice = D // 16
    nchunk = strip // _R
    xbufs = (xb0, xb1, xb2, xb3)
    in_sems = (in_s0, in_s1, in_s2, in_s3)
    out_sems = (out_s0, out_s1, out_s2, out_s3)

    units = [(c, b) for c in range(nchunk) for b in range(B)]
    n_units = len(units)

    def start_in(u):
        c, b = units[u]
        k = u % 4
        return pltpu.async_copy(
            x_hbm.at[b, pl.ds(t0 + c * _R, _R), :], xbufs[k], in_sems[k])

    def start_out(u):
        c, b = units[u]
        k = u % 4
        return pltpu.async_copy(
            xbufs[k], out_hbm.at[b, pl.ds(t0 + c * _R, _R), :], out_sems[k])

    def compute(u):
        k = u % 2
        buf = xbufs[k]

        nsub = 4
        per = nslice // nsub

        @plsc.parallel_loop(0, _R * nsub, 1, unroll=1)
        def qrow_body(i):
            r = i // nsub
            col0 = (i % nsub) * (per * 16)
            for j in range(per):
                v = posbuf[r, pl.ds(col0 + j * 16, 16)]
                plsc.addupdate(buf.at[r, pl.ds(col0 + j * 16, 16)], v)

    in_dma = [None] * n_units
    out_dma = [None] * n_units
    for p in range(min(3, n_units)):
        in_dma[p] = start_in(p)
    for u in range(n_units):
        c, b = units[u]
        if b == 0:
            pltpu.sync_copy(pos_hbm.at[pl.ds(t0 + c * _R, _R), :], posbuf)
        if u + 3 < n_units:
            if u - 1 >= 0:
                out_dma[u - 1].wait()
            in_dma[u + 3] = start_in(u + 3)
        in_dma[u].wait()
        out_dma[u] = start_out(u)
    for u in range(max(0, n_units - 3), n_units):
        if out_dma[u] is not None:
            out_dma[u].wait()


def kernel(x, pos_embedding):
    B, T, D = x.shape
    mesh = plsc.VectorSubcoreMesh(core_axis_name="c", subcore_axis_name="s")
    f = functools.partial(
        pl.kernel,
        mesh=mesh,
        out_type=jax.ShapeDtypeStruct((B, T, D), x.dtype),
        scratch_types=[
            pltpu.VMEM((_R, D), jnp.float32),
            pltpu.VMEM((_R, D), jnp.float32),
            pltpu.VMEM((_R, D), jnp.float32),
            pltpu.VMEM((_R, D), jnp.float32),
            pltpu.VMEM((_R, D), jnp.float32),
            pltpu.SemaphoreType.DMA,
            pltpu.SemaphoreType.DMA,
            pltpu.SemaphoreType.DMA,
            pltpu.SemaphoreType.DMA,
            pltpu.SemaphoreType.DMA,
            pltpu.SemaphoreType.DMA,
            pltpu.SemaphoreType.DMA,
            pltpu.SemaphoreType.DMA,
        ],
    )(functools.partial(_sc_add_kernel, T))
    return f(x, pos_embedding)

# --- scband reference (transcript-rebuilt; emitter-appended) ---
"""Pipeline reference for scband-learned-positional-encoding-37014028157029 (READ-ONLY COPY).

The authoritative reference and input builder live on the scoring server;
editing this copy changes nothing except your own understanding.
"""

import jax, jax.numpy as jnp
import numpy as np

D_MODEL = 1024
MAX_LEN = 8192
B, T = 4, 4096

def setup_inputs(seed: int = 0) -> dict:
    key = jax.random.key(seed)
    k1, k2 = jax.random.split(key)
    x = jax.random.normal(k1, (B, T, D_MODEL), dtype=jnp.float32)
    # nn.Embedding default init: N(0, 1)
    pos_embedding = jax.random.normal(k2, (MAX_LEN, D_MODEL), dtype=jnp.float32)
    return {"x": x, "pos_embedding": pos_embedding}

def reference(x, pos_embedding):
    Bx, Tx, Dx = x.shape
    positions = jnp.arange(Tx)[None, :]  # [1, T]
    pos_emb = jnp.take(pos_embedding, positions, axis=0)  # [1, T, D]
    pos_emb = jnp.broadcast_to(pos_emb, (Bx, Tx, Dx))
    return x + pos_emb

if __name__ == "__main__":
    import jax
    _d = setup_inputs()
    print(jax.jit(kernel)(*tuple(_d.values())))

</pallas_src>

<mosaic_0001>
#map = affine_map<(d0, d1) -> (0, 0, 0)>
#map1 = affine_map<(d0, d1) -> (0, 0)>
module attributes {stable_mosaic.version = 14 : i64} {
  func.func @_sc_add_kernel(%arg0: i32, %arg1: i32, %arg2: memref<4x4096x1024xf32, #tpu.memory_space<hbm>>, %arg3: memref<8192x1024xf32, #tpu.memory_space<hbm>>, %arg4: memref<4x4096x1024xf32, #tpu.memory_space<hbm>>, %arg5: memref<16x1024xf32, #tpu.memory_space<vmem>>, %arg6: memref<16x1024xf32, #tpu.memory_space<vmem>>, %arg7: memref<16x1024xf32, #tpu.memory_space<vmem>>, %arg8: memref<16x1024xf32, #tpu.memory_space<vmem>>, %arg9: memref<16x1024xf32, #tpu.memory_space<vmem>>, %arg10: memref<!tpu.dma_semaphore, #tpu.memory_space<semaphore_mem>>, %arg11: memref<!tpu.dma_semaphore, #tpu.memory_space<semaphore_mem>>, %arg12: memref<!tpu.dma_semaphore, #tpu.memory_space<semaphore_mem>>, %arg13: memref<!tpu.dma_semaphore, #tpu.memory_space<semaphore_mem>>, %arg14: memref<!tpu.dma_semaphore, #tpu.memory_space<semaphore_mem>>, %arg15: memref<!tpu.dma_semaphore, #tpu.memory_space<semaphore_mem>>, %arg16: memref<!tpu.dma_semaphore, #tpu.memory_space<semaphore_mem>>, %arg17: memref<!tpu.dma_semaphore, #tpu.memory_space<semaphore_mem>>) attributes {dimension_semantics = [#tpu.dimension_semantics<core_parallel>, #tpu.dimension_semantics<subcore_parallel>], iteration_bounds = array<i64: 2, 16>, scalar_prefetch = 0 : i64, scratch_operands = 13 : i64, tpu.core_type = #tpu.core_type<sc_vector_subcore>, window_params = [{transform_indices = #map}, {transform_indices = #map1}, {transform_indices = #map}]} {
    %mul3A = arith.constant 2 : i32
    %mul3A_0 = arith.muli %arg1, %mul3A : i32
    %add3A = arith.addi %mul3A_0, %arg0 : i32
    %mul3A_1 = arith.constant 128 : i32
    %mul3A_2 = arith.muli %add3A, %mul3A_1 : i32
    %add3A_3 = arith.constant 0 : i32
    %add3A_4 = arith.addi %mul3A_2, %add3A_3 : i32
    %dma_start3A = arith.constant 0 : i32
    %dma_start3A_5 = arith.constant 0 : i32
    %dma_start3A_6 = tpu.memref_slice %arg2[%dma_start3A, %add3A_4, %dma_start3A_5] : memref<4x4096x1024xf32, #tpu.memory_space<hbm>> -> memref<1x16x1024xf32, #tpu.memory_space<hbm>>
    %dma_start3A_7 = tpu.memref_squeeze %dma_start3A_6 : memref<1x16x1024xf32, #tpu.memory_space<hbm>> -> memref<16x1024xf32, #tpu.memory_space<hbm>>
    %dma_start3A_8 = arith.constant 0 : i32
    %dma_start3A_9 = tpu.memref_slice %arg2[%dma_start3A, %add3A_4, %dma_start3A_8] : memref<4x4096x1024xf32, #tpu.memory_space<hbm>> -> memref<1x16x1024xf32, #tpu.memory_space<hbm>>
    %dma_start3A_10 = tpu.memref_squeeze %dma_start3A_9 : memref<1x16x1024xf32, #tpu.memory_space<hbm>> -> memref<16x1024xf32, #tpu.memory_space<hbm>>
    tpu.enqueue_dma source(%dma_start3A_10 : memref<16x1024xf32, #tpu.memory_space<hbm>>) target(%arg5 : memref<16x1024xf32, #tpu.memory_space<vmem>>) target_semaphore(%arg10 : memref<!tpu.dma_semaphore, #tpu.memory_space<semaphore_mem>>)
    %add3A_11 = arith.constant 0 : i32
    %add3A_12 = arith.addi %mul3A_2, %add3A_11 : i32
    %dma_start3A_13 = arith.constant 1 : i32
    %dma_start3A_14 = arith.constant 0 : i32
    %dma_start3A_15 = tpu.memref_slice %arg2[%dma_start3A_13, %add3A_12, %dma_start3A_14] : memref<4x4096x1024xf32, #tpu.memory_space<hbm>> -> memref<1x16x1024xf32, #tpu.memory_space<hbm>>
    %dma_start3A_16 = tpu.memref_squeeze %dma_start3A_15 : memref<1x16x1024xf32, #tpu.memory_space<hbm>> -> memref<16x1024xf32, #tpu.memory_space<hbm>>
    %dma_start3A_17 = arith.constant 0 : i32
    %dma_start3A_18 = tpu.memref_slice %arg2[%dma_start3A_13, %add3A_12, %dma_start3A_17] : memref<4x4096x1024xf32, #tpu.memory_space<hbm>> -> memref<1x16x1024xf32, #tpu.memory_space<hbm>>
    %dma_start3A_19 = tpu.memref_squeeze %dma_start3A_18 : memref<1x16x1024xf32, #tpu.memory_space<hbm>> -> memref<16x1024xf32, #tpu.memory_space<hbm>>
    tpu.enqueue_dma source(%dma_start3A_19 : memref<16x1024xf32, #tpu.memory_space<hbm>>) target(%arg6 : memref<16x1024xf32, #tpu.memory_space<vmem>>) target_semaphore(%arg11 : memref<!tpu.dma_semaphore, #tpu.memory_space<semaphore_mem>>)
    %add3A_20 = arith.constant 0 : i32
    %add3A_21 = arith.addi %mul3A_2, %add3A_20 : i32
    %dma_start3A_22 = arith.constant 2 : i32
    %dma_start3A_23 = arith.constant 0 : i32
    %dma_start3A_24 = tpu.memref_slice %arg2[%dma_start3A_22, %add3A_21, %dma_start3A_23] : memref<4x4096x1024xf32, #tpu.memory_space<hbm>> -> memref<1x16x1024xf32, #tpu.memory_space<hbm>>
    %dma_start3A_25 = tpu.memref_squeeze %dma_start3A_24 : memref<1x16x1024xf32, #tpu.memory_space<hbm>> -> memref<16x1024xf32, #tpu.memory_space<hbm>>
    %dma_start3A_26 = arith.constant 0 : i32
    %dma_start3A_27 = tpu.memref_slice %arg2[%dma_start3A_22, %add3A_21, %dma_start3A_26] : memref<4x4096x1024xf32, #tpu.memory_space<hbm>> -> memref<1x16x1024xf32, #tpu.memory_space<hbm>>
    %dma_start3A_28 = tpu.memref_squeeze %dma_start3A_27 : memref<1x16x1024xf32, #tpu.memory_space<hbm>> -> memref<16x1024xf32, #tpu.memory_space<hbm>>
    tpu.enqueue_dma source(%dma_start3A_28 : memref<16x1024xf32, #tpu.memory_space<hbm>>) target(%arg7 : memref<16x1024xf32, #tpu.memory_space<vmem>>) target_semaphore(%arg12 : memref<!tpu.dma_semaphore, #tpu.memory_space<semaphore_mem>>)
    %add3A_29 = arith.constant 0 : i32
    %add3A_30 = arith.addi %mul3A_2, %add3A_29 : i32
    "tpu.region"() ({
      %run_scoped3A = tpu.sem_alloc : memref<!tpu.dma_semaphore, #tpu.memory_space<semaphore_mem>>
      %dma_start3A_1034 = arith.constant 0 : i32
      %dma_start3A_1035 = tpu.memref_slice %arg3[%add3A_30, %dma_start3A_1034] : memref<8192x1024xf32, #tpu.memory_space<hbm>> -> memref<16x1024xf32, #tpu.memory_space<hbm>>
      %dma_start3A_1036 = arith.constant 0 : i32
      %dma_start3A_1037 = tpu.memref_slice %arg3[%add3A_30, %dma_start3A_1036] : memref<8192x1024xf32, #tpu.memory_space<hbm>> -> memref<16x1024xf32, #tpu.memory_space<hbm>>
      tpu.enqueue_dma source(%dma_start3A_1037 : memref<16x1024xf32, #tpu.memory_space<hbm>>) target(%arg9 : memref<16x1024xf32, #tpu.memory_space<vmem>>) target_semaphore(%run_scoped3A : memref<!tpu.dma_semaphore, #tpu.memory_space<semaphore_mem>>)
      %dma_wait3A_1038 = arith.constant 0 : i32
      %dma_wait3A_1039 = tpu.memref_slice %arg3[%add3A_30, %dma_wait3A_1038] : memref<8192x1024xf32, #tpu.memory_space<hbm>> -> memref<16x1024xf32, #tpu.memory_space<hbm>>
      %dma_wait3A_1040 = arith.constant 0 : i32
      %dma_wait3A_1041 = tpu.memref_slice %arg3[%add3A_30, %dma_wait3A_1040] : memref<8192x1024xf32, #tpu.memory_space<hbm>> -> memref<16x1024xf32, #tpu.memory_space<hbm>>
      tpu.wait_dma2 semaphore(%run_scoped3A : memref<!tpu.dma_semaphore, #tpu.memory_space<semaphore_mem>>) src(%dma_wait3A_1041 : memref<16x1024xf32, #tpu.memory_space<hbm>>) dst(%arg9 : memref<16x1024xf32, #tpu.memory_space<vmem>>)
      tpu.yield
    }) : () -> ()
    %add3A_31 = arith.constant 0 : i32
    %add3A_32 = arith.addi %mul3A_2, %add3A_31 : i32
    %dma_start3A_33 = arith.constant 3 : i32
    %dma_start3A_34 = arith.constant 0 : i32
    %dma_start3A_35 = tpu.memref_slice %arg2[%dma_start3A_33, %add3A_32, %dma_start3A_34] : memref<4x4096x1024xf32, #tpu.memory_space<hbm>> -> memref<1x16x1024xf32, #tpu.memory_space<hbm>>
    %dma_start3A_36 = tpu.memref_squeeze %dma_start3A_35 : memref<1x16x1024xf32, #tpu.memory_space<hbm>> -> memref<16x1024xf32, #tpu.memory_space<hbm>>
    %dma_start3A_37 = arith.constant 0 : i32
    %dma_start3A_38 = tpu.memref_slice %arg2[%dma_start3A_33, %add3A_32, %dma_start3A_37] : memref<4x4096x1024xf32, #tpu.memory_space<hbm>> -> memref<1x16x1024xf32, #tpu.memory_space<hbm>>
    %dma_start3A_39 = tpu.memref_squeeze %dma_start3A_38 : memref<1x16x1024xf32, #tpu.memory_space<hbm>> -> memref<16x1024xf32, #tpu.memory_space<hbm>>
    tpu.enqueue_dma source(%dma_start3A_39 : memref<16x1024xf32, #tpu.memory_space<hbm>>) target(%arg8 : memref<16x1024xf32, #tpu.memory_space<vmem>>) target_semaphore(%arg13 : memref<!tpu.dma_semaphore, #tpu.memory_space<semaphore_mem>>)
    %dma_wait3A = arith.constant 0 : i32
    %dma_wait3A_40 = arith.constant 0 : i32
    %dma_wait3A_41 = tpu.memref_slice %arg2[%dma_wait3A, %add3A_4, %dma_wait3A_40] : memref<4x4096x1024xf32, #tpu.memory_space<hbm>> -> memref<1x16x1024xf32, #tpu.memory_space<hbm>>
    %dma_wait3A_42 = tpu.memref_squeeze %dma_wait3A_41 : memref<1x16x1024xf32, #tpu.memory_space<hbm>> -> memref<16x1024xf32, #tpu.memory_space<hbm>>
    %dma_wait3A_43 = arith.constant 0 : i32
    %dma_wait3A_44 = tpu.memref_slice %arg2[%dma_wait3A, %add3A_4, %dma_wait3A_43] : memref<4x4096x1024xf32, #tpu.memory_space<hbm>> -> memref<1x16x1024xf32, #tpu.memory_space<hbm>>
    %dma_wait3A_45 = tpu.memref_squeeze %dma_wait3A_44 : memref<1x16x1024xf32, #tpu.memory_space<hbm>> -> memref<16x1024xf32, #tpu.memory_space<hbm>>
    tpu.wait_dma2 semaphore(%arg10 : memref<!tpu.dma_semaphore, #tpu.memory_space<semaphore_mem>>) src(%dma_wait3A_45 : memref<16x1024xf32, #tpu.memory_space<hbm>>) dst(%arg5 : memref<16x1024xf32, #tpu.memory_space<vmem>>)
    %add3A_46 = arith.constant 0 : i32
    %add3A_47 = arith.addi %mul3A_2, %add3A_46 : i32
    %dma_start3A_48 = arith.constant 0 : i32
    %dma_start3A_49 = arith.constant 0 : i32
    %dma_start3A_50 = tpu.memref_slice %arg4[%dma_start3A_48, %add3A_47, %dma_start3A_49] : memref<4x4096x1024xf32, #tpu.memory_space<hbm>> -> memref<1x16x1024xf32, #tpu.memory_space<hbm>>
    %dma_start3A_51 = tpu.memref_squeeze %dma_start3A_50 : memref<1x16x1024xf32, #tpu.memory_space<hbm>> -> memref<16x1024xf32, #tpu.memory_space<hbm>>
    %dma_start3A_52 = arith.constant 0 : i32
    %dma_start3A_53 = tpu.memref_slice %arg4[%dma_start3A_48, %add3A_47, %dma_start3A_52] : memref<4x4096x1024xf32, #tpu.memory_space<hbm>> -> memref<1x16x1024xf32, #tpu.memory_space<hbm>>
    %dma_start3A_54 = tpu.memref_squeeze %dma_start3A_53 : memref<1x16x1024xf32, #tpu.memory_space<hbm>> -> memref<16x1024xf32, #tpu.memory_space<hbm>>
    tpu.enqueue_dma source(%arg5 : memref<16x1024xf32, #tpu.memory_space<vmem>>) target(%dma_start3A_54 : memref<16x1024xf32, #tpu.memory_space<hbm>>) target_semaphore(%arg14 : memref<!tpu.dma_semaphore, #tpu.memory_space<semaphore_mem>>)
    %dma_wait3A_55 = arith.constant 0 : i32
    %dma_wait3A_56 = arith.constant 0 : i32
    %dma_wait3A_57 = tpu.memref_slice %arg4[%dma_wait3A_55, %add3A_47, %dma_wait3A_56] : memref<4x4096x1024xf32, #tpu.memory_space<hbm>> -> memref<1x16x1024xf32, #tpu.memory_space<hbm>>
    %dma_wait3A_58 = tpu.memref_squeeze %dma_wait3A_57 : memref<1x16x1024xf32, #tpu.memory_space<hbm>> -> memref<16x1024xf32, #tpu.memory_space<hbm>>
    %dma_wait3A_59 = arith.constant 0 : i32
    %dma_wait3A_60 = tpu.memref_slice %arg4[%dma_wait3A_55, %add3A_47, %dma_wait3A_59] : memref<4x4096x1024xf32, #tpu.memory_space<hbm>> -> memref<1x16x1024xf32, #tpu.memory_space<hbm>>
    %dma_wait3A_61 = tpu.memref_squeeze %dma_wait3A_60 : memref<1x16x1024xf32, #tpu.memory_space<hbm>> -> memref<16x1024xf32, #tpu.memory_space<hbm>>
    tpu.wait_dma2 semaphore(%arg14 : memref<!tpu.dma_semaphore, #tpu.memory_space<semaphore_mem>>) src(%arg5 : memref<16x1024xf32, #tpu.memory_space<vmem>>) dst(%dma_wait3A_61 : memref<16x1024xf32, #tpu.memory_space<hbm>>)
    %add3A_62 = arith.constant 16 : i32
    %add3A_63 = arith.addi %mul3A_2, %add3A_62 : i32
    %dma_start3A_64 = arith.constant 0 : i32
    %dma_start3A_65 = arith.constant 0 : i32
    %dma_start3A_66 = tpu.memref_slice %arg2[%dma_start3A_64, %add3A_63, %dma_start3A_65] : memref<4x4096x1024xf32, #tpu.memory_space<hbm>> -> memref<1x16x1024xf32, #tpu.memory_space<hbm>>
    %dma_start3A_67 = tpu.memref_squeeze %dma_start3A_66 : memref<1x16x1024xf32, #tpu.memory_space<hbm>> -> memref<16x1024xf32, #tpu.memory_space<hbm>>
    %dma_start3A_68 = arith.constant 0 : i32
    %dma_start3A_69 = tpu.memref_slice %arg2[%dma_start3A_64, %add3A_63, %dma_start3A_68] : memref<4x4096x1024xf32, #tpu.memory_space<hbm>> -> memref<1x16x1024xf32, #tpu.memory_space<hbm>>
    %dma_start3A_70 = tpu.memref_squeeze %dma_start3A_69 : memref<1x16x1024xf32, #tpu.memory_space<hbm>> -> memref<16x1024xf32, #tpu.memory_space<hbm>>
    tpu.enqueue_dma source(%dma_start3A_70 : memref<16x1024xf32, #tpu.memory_space<hbm>>) target(%arg5 : memref<16x1024xf32, #tpu.memory_space<vmem>>) target_semaphore(%arg10 : memref<!tpu.dma_semaphore, #tpu.memory_space<semaphore_mem>>)
    %dma_wait3A_71 = arith.constant 1 : i32
    %dma_wait3A_72 = arith.constant 0 : i32
    %dma_wait3A_73 = tpu.memref_slice %arg2[%dma_wait3A_71, %add3A_12, %dma_wait3A_72] : memref<4x4096x1024xf32, #tpu.memory_space<hbm>> -> memref<1x16x1024xf32, #tpu.memory_space<hbm>>
    %dma_wait3A_74 = tpu.memref_squeeze %dma_wait3A_73 : memref<1x16x1024xf32, #tpu.memory_space<hbm>> -> memref<16x1024xf32, #tpu.memory_space<hbm>>
    %dma_wait3A_75 = arith.constant 0 : i32
    %dma_wait3A_76 = tpu.memref_slice %arg2[%dma_wait3A_71, %add3A_12, %dma_wait3A_75] : memref<4x4096x1024xf32, #tpu.memory_space<hbm>> -> memref<1x16x1024xf32, #tpu.memory_space<hbm>>
    %dma_wait3A_77 = tpu.memref_squeeze %dma_wait3A_76 : memref<1x16x1024xf32, #tpu.memory_space<hbm>> -> memref<16x1024xf32, #tpu.memory_space<hbm>>
    tpu.wait_dma2 semaphore(%arg11 : memref<!tpu.dma_semaphore, #tpu.memory_space<semaphore_mem>>) src(%dma_wait3A_77 : memref<16x1024xf32, #tpu.memory_space<hbm>>) dst(%arg6 : memref<16x1024xf32, #tpu.memory_space<vmem>>)
    %add3A_78 = arith.constant 0 : i32
    %add3A_79 = arith.addi %mul3A_2, %add3A_78 : i32
    %dma_start3A_80 = arith.constant 1 : i32
    %dma_start3A_81 = arith.constant 0 : i32
    %dma_start3A_82 = tpu.memref_slice %arg4[%dma_start3A_80, %add3A_79, %dma_start3A_81] : memref<4x4096x1024xf32, #tpu.memory_space<hbm>> -> memref<1x16x1024xf32, #tpu.memory_space<hbm>>
    %dma_start3A_83 = tpu.memref_squeeze %dma_start3A_82 : memref<1x16x1024xf32, #tpu.memory_space<hbm>> -> memref<16x1024xf32, #tpu.memory_space<hbm>>
    %dma_start3A_84 = arith.constant 0 : i32
    %dma_start3A_85 = tpu.memref_slice %arg4[%dma_start3A_80, %add3A_79, %dma_start3A_84] : memref<4x4096x1024xf32, #tpu.memory_space<hbm>> -> memref<1x16x1024xf32, #tpu.memory_space<hbm>>
    %dma_start3A_86 = tpu.memref_squeeze %dma_start3A_85 : memref<1x16x1024xf32, #tpu.memory_space<hbm>> -> memref<16x1024xf32, #tpu.memory_space<hbm>>
    tpu.enqueue_dma source(%arg6 : memref<16x1024xf32, #tpu.memory_space<vmem>>) target(%dma_start3A_86 : memref<16x1024xf32, #tpu.memory_space<hbm>>) target_semaphore(%arg15 : memref<!tpu.dma_semaphore, #tpu.memory_space<semaphore_mem>>)
    %dma_wait3A_87 = arith.constant 1 : i32
    %dma_wait3A_88 = arith.constant 0 : i32
    %dma_wait3A_89 = tpu.memref_slice %arg4[%dma_wait3A_87, %add3A_79, %dma_wait3A_88] : memref<4x4096x1024xf32, #tpu.memory_space<hbm>> -> memref<1x16x1024xf32, #tpu.memory_space<hbm>>
    %dma_wait3A_90 = tpu.memref_squeeze %dma_wait3A_89 : memref<1x16x1024xf32, #tpu.memory_space<hbm>> -> memref<16x1024xf32, #tpu.memory_space<hbm>>
    %dma_wait3A_91 = arith.constant 0 : i32
    %dma_wait3A_92 = tpu.memref_slice %arg4[%dma_wait3A_87, %add3A_79, %dma_wait3A_91] : memref<4x4096x1024xf32, #tpu.memory_space<hbm>> -> memref<1x16x1024xf32, #tpu.memory_space<hbm>>
    %dma_wait3A_93 = tpu.memref_squeeze %dma_wait3A_92 : memref<1x16x1024xf32, #tpu.memory_space<hbm>> -> memref<16x1024xf32, #tpu.memory_space<hbm>>
    tpu.wait_dma2 semaphore(%arg15 : memref<!tpu.dma_semaphore, #tpu.memory_space<semaphore_mem>>) src(%arg6 : memref<16x1024xf32, #tpu.memory_space<vmem>>) dst(%dma_wait3A_93 : memref<16x1024xf32, #tpu.memory_space<hbm>>)
    %add3A_94 = arith.constant 16 : i32
    %add3A_95 = arith.addi %mul3A_2, %add3A_94 : i32
    %dma_start3A_96 = arith.constant 1 : i32
    %dma_start3A_97 = arith.constant 0 : i32
    %dma_start3A_98 = tpu.memref_slice %arg2[%dma_start3A_96, %add3A_95, %dma_start3A_97] : memref<4x4096x1024xf32, #tpu.memory_space<hbm>> -> memref<1x16x1024xf32, #tpu.memory_space<hbm>>
    %dma_start3A_99 = tpu.memref_squeeze %dma_start3A_98 : memref<1x16x1024xf32, #tpu.memory_space<hbm>> -> memref<16x1024xf32, #tpu.memory_space<hbm>>
    %dma_start3A_100 = arith.constant 0 : i32
    %dma_start3A_101 = tpu.memref_slice %arg2[%dma_start3A_96, %add3A_95, %dma_start3A_100] : memref<4x4096x1024xf32, #tpu.memory_space<hbm>> -> memref<1x16x1024xf32, #tpu.memory_space<hbm>>
    %dma_start3A_102 = tpu.memref_squeeze %dma_start3A_101 : memref<1x16x1024xf32, #tpu.memory_space<hbm>> -> memref<16x1024xf32, #tpu.memory_space<hbm>>
    tpu.enqueue_dma source(%dma_start3A_102 : memref<16x1024xf32, #tpu.memory_space<hbm>>) target(%arg6 : memref<16x1024xf32, #tpu.memory_space<vmem>>) target_semaphore(%arg11 : memref<!tpu.dma_semaphore, #tpu.memory_space<semaphore_mem>>)
    %dma_wait3A_103 = arith.constant 2 : i32
    %dma_wait3A_104 = arith.constant 0 : i32
    %dma_wait3A_105 = tpu.memref_slice %arg2[%dma_wait3A_103, %add3A_21, %dma_wait3A_104] : memref<4x4096x1024xf32, #tpu.memory_space<hbm>> -> memref<1x16x1024xf32, #tpu.memory_space<hbm>>
    %dma_wait3A_106 = tpu.memref_squeeze %dma_wait3A_105 : memref<1x16x1024xf32, #tpu.memory_space<hbm>> -> memref<16x1024xf32, #tpu.memory_space<hbm>>
    %dma_wait3A_107 = arith.constant 0 : i32
    %dma_wait3A_108 = tpu.memref_slice %arg2[%dma_wait3A_103, %add3A_21, %dma_wait3A_107] : memref<4x4096x1024xf32, #tpu.memory_space<hbm>> -> memref<1x16x1024xf32, #tpu.memory_space<hbm>>
    %dma_wait3A_109 = tpu.memref_squeeze %dma_wait3A_108 : memref<1x16x1024xf32, #tpu.memory_space<hbm>> -> memref<16x1024xf32, #tpu.memory_space<hbm>>
    tpu.wait_dma2 semaphore(%arg12 : memref<!tpu.dma_semaphore, #tpu.memory_space<semaphore_mem>>) src(%dma_wait3A_109 : memref<16x1024xf32, #tpu.memory_space<hbm>>) dst(%arg7 : memref<16x1024xf32, #tpu.memory_space<vmem>>)
    %add3A_110 = arith.constant 0 : i32
    %add3A_111 = arith.addi %mul3A_2, %add3A_110 : i32
    %dma_start3A_112 = arith.constant 2 : i32
    %dma_start3A_113 = arith.constant 0 : i32
    %dma_start3A_114 = tpu.memref_slice %arg4[%dma_start3A_112, %add3A_111, %dma_start3A_113] : memref<4x4096x1024xf32, #tpu.memory_space<hbm>> -> memref<1x16x1024xf32, #tpu.memory_space<hbm>>
    %dma_start3A_115 = tpu.memref_squeeze %dma_start3A_114 : memref<1x16x1024xf32, #tpu.memory_space<hbm>> -> memref<16x1024xf32, #tpu.memory_space<hbm>>
    %dma_start3A_116 = arith.constant 0 : i32
    %dma_start3A_117 = tpu.memref_slice %arg4[%dma_start3A_112, %add3A_111, %dma_start3A_116] : memref<4x4096x1024xf32, #tpu.memory_space<hbm>> -> memref<1x16x1024xf32, #tpu.memory_space<hbm>>
    %dma_start3A_118 = tpu.memref_squeeze %dma_start3A_117 : memref<1x16x1024xf32, #tpu.memory_space<hbm>> -> memref<16x1024xf32, #tpu.memory_space<hbm>>
    tpu.enqueue_dma source(%arg7 : memref<16x1024xf32, #tpu.memory_space<vmem>>) target(%dma_start3A_118 : memref<16x1024xf32, #tpu.memory_space<hbm>>) target_semaphore(%arg16 : memref<!tpu.dma_semaphore, #tpu.memory_space<semaphore_mem>>)
    %dma_wait3A_119 = arith.constant 2 : i32
    %dma_wait3A_120 = arith.constant 0 : i32
    %dma_wait3A_121 = tpu.memref_slice %arg4[%dma_wait3A_119, %add3A_111, %dma_wait3A_120] : memref<4x4096x1024xf32, #tpu.memory_space<hbm>> -> memref<1x16x1024xf32, #tpu.memory_space<hbm>>
    %dma_wait3A_122 = tpu.memref_squeeze %dma_wait3A_121 : memref<1x16x1024xf32, #tpu.memory_space<hbm>> -> memref<16x1024xf32, #tpu.memory_space<hbm>>
    %dma_wait3A_123 = arith.constant 0 : i32
    %dma_wait3A_124 = tpu.memref_slice %arg4[%dma_wait3A_119, %add3A_111, %dma_wait3A_123] : memref<4x4096x1024xf32, #tpu.memory_space<hbm>> -> memref<1x16x1024xf32, #tpu.memory_space<hbm>>
    %dma_wait3A_125 = tpu.memref_squeeze %dma_wait3A_124 : memref<1x16x1024xf32, #tpu.memory_space<hbm>> -> memref<16x1024xf32, #tpu.memory_space<hbm>>
    tpu.wait_dma2 semaphore(%arg16 : memref<!tpu.dma_semaphore, #tpu.memory_space<semaphore_mem>>) src(%arg7 : memref<16x1024xf32, #tpu.memory_space<vmem>>) dst(%dma_wait3A_125 : memref<16x1024xf32, #tpu.memory_space<hbm>>)
    %add3A_126 = arith.constant 16 : i32
    %add3A_127 = arith.addi %mul3A_2, %add3A_126 : i32
    %dma_start3A_128 = arith.constant 2 : i32
    %dma_start3A_129 = arith.constant 0 : i32
    %dma_start3A_130 = tpu.memref_slice %arg2[%dma_start3A_128, %add3A_127, %dma_start3A_129] : memref<4x4096x1024xf32, #tpu.memory_space<hbm>> -> memref<1x16x1024xf32, #tpu.memory_space<hbm>>
    %dma_start3A_131 = tpu.memref_squeeze %dma_start3A_130 : memref<1x16x1024xf32, #tpu.memory_space<hbm>> -> memref<16x1024xf32, #tpu.memory_space<hbm>>
    %dma_start3A_132 = arith.constant 0 : i32
    %dma_start3A_133 = tpu.memref_slice %arg2[%dma_start3A_128, %add3A_127, %dma_start3A_132] : memref<4x4096x1024xf32, #tpu.memory_space<hbm>> -> memref<1x16x1024xf32, #tpu.memory_space<hbm>>
    %dma_start3A_134 = tpu.memref_squeeze %dma_start3A_133 : memref<1x16x1024xf32, #tpu.memory_space<hbm>> -> memref<16x1024xf32, #tpu.memory_space<hbm>>
    tpu.enqueue_dma source(%dma_start3A_134 : memref<16x1024xf32, #tpu.memory_space<hbm>>) target(%arg7 : memref<16x1024xf32, #tpu.memory_space<vmem>>) target_semaphore(%arg12 : memref<!tpu.dma_semaphore, #tpu.memory_space<semaphore_mem>>)
    %dma_wait3A_135 = arith.constant 3 : i32
    %dma_wait3A_136 = arith.constant 0 : i32
    %dma_wait3A_137 = tpu.memref_slice %arg2[%dma_wait3A_135, %add3A_32, %dma_wait3A_136] : memref<4x4096x1024xf32, #tpu.memory_space<hbm>> -> memref<1x16x1024xf32, #tpu.memory_space<hbm>>
    %dma_wait3A_138 = tpu.memref_squeeze %dma_wait3A_137 : memref<1x16x1024xf32, #tpu.memory_space<hbm>> -> memref<16x1024xf32, #tpu.memory_space<hbm>>
    %dma_wait3A_139 = arith.constant 0 : i32
    %dma_wait3A_140 = tpu.memref_slice %arg2[%dma_wait3A_135, %add3A_32, %dma_wait3A_139] : memref<4x4096x1024xf32, #tpu.memory_space<hbm>> -> memref<1x16x1024xf32, #tpu.memory_space<hbm>>
    %dma_wait3A_141 = tpu.memref_squeeze %dma_wait3A_140 : memref<1x16x1024xf32, #tpu.memory_space<hbm>> -> memref<16x1024xf32, #tpu.memory_space<hbm>>
    tpu.wait_dma2 semaphore(%arg13 : memref<!tpu.dma_semaphore, #tpu.memory_space<semaphore_mem>>) src(%dma_wait3A_141 : memref<16x1024xf32, #tpu.memory_space<hbm>>) dst(%arg8 : memref<16x1024xf32, #tpu.memory_space<vmem>>)
    %add3A_142 = arith.constant 0 : i32
    %add3A_143 = arith.addi %mul3A_2, %add3A_142 : i32
    %dma_start3A_144 = arith.constant 3 : i32
    %dma_start3A_145 = arith.constant 0 : i32
    %dma_start3A_146 = tpu.memref_slice %arg4[%dma_start3A_144, %add3A_143, %dma_start3A_145] : memref<4x4096x1024xf32, #tpu.memory_space<hbm>> -> memref<1x16x1024xf32, #tpu.memory_space<hbm>>
    %dma_start3A_147 = tpu.memref_squeeze %dma_start3A_146 : memref<1x16x1024xf32, #tpu.memory_space<hbm>> -> memref<16x1024xf32, #tpu.memory_space<hbm>>
    %dma_start3A_148 = arith.constant 0 : i32
    %dma_start3A_149 = tpu.memref_slice %arg4[%dma_start3A_144, %add3A_143, %dma_start3A_148] : memref<4x4096x1024xf32, #tpu.memory_space<hbm>> -> memref<1x16x1024xf32, #tpu.memory_space<hbm>>
    %dma_start3A_150 = tpu.memref_squeeze %dma_start3A_149 : memref<1x16x1024xf32, #tpu.memory_space<hbm>> -> memref<16x1024xf32, #tpu.memory_space<hbm>>
    tpu.enqueue_dma source(%arg8 : memref<16x1024xf32, #tpu.memory_space<vmem>>) target(%dma_start3A_150 : memref<16x1024xf32, #tpu.memory_space<hbm>>) target_semaphore(%arg17 : memref<!tpu.dma_semaphore, #tpu.memory_space<semaphore_mem>>)
    %add3A_151 = arith.constant 16 : i32
    %add3A_152 = arith.addi %mul3A_2, %add3A_151 : i32
    "tpu.region"() ({
      %run_scoped3A = tpu.sem_alloc : memref<!tpu.dma_semaphore, #tpu.memory_space<semaphore_mem>>
      %dma_start3A_1034 = arith.constant 0 : i32
      %dma_start3A_1035 = tpu.memref_slice %arg3[%add3A_152, %dma_start3A_1034] : memref<8192x1024xf32, #tpu.memory_space<hbm>> -> memref<16x1024xf32, #tpu.memory_space<hbm>>
      %dma_start3A_1036 = arith.constant 0 : i32
      %dma_start3A_1037 = tpu.memref_slice %arg3[%add3A_152, %dma_start3A_1036] : memref<8192x1024xf32, #tpu.memory_space<hbm>> -> memref<16x1024xf32, #tpu.memory_space<hbm>>
      tpu.enqueue_dma source(%dma_start3A_1037 : memref<16x1024xf32, #tpu.memory_space<hbm>>) target(%arg9 : memref<16x1024xf32, #tpu.memory_space<vmem>>) target_semaphore(%run_scoped3A : memref<!tpu.dma_semaphore, #tpu.memory_space<semaphore_mem>>)
      %dma_wait3A_1038 = arith.constant 0 : i32
      %dma_wait3A_1039 = tpu.memref_slice %arg3[%add3A_152, %dma_wait3A_1038] : memref<8192x1024xf32, #tpu.memory_space<hbm>> -> memref<16x1024xf32, #tpu.memory_space<hbm>>
      %dma_wait3A_1040 = arith.constant 0 : i32
      %dma_wait3A_1041 = tpu.memref_slice %arg3[%add3A_152, %dma_wait3A_1040] : memref<8192x1024xf32, #tpu.memory_space<hbm>> -> memref<16x1024xf32, #tpu.memory_space<hbm>>
      tpu.wait_dma2 semaphore(%run_scoped3A : memref<!tpu.dma_semaphore, #tpu.memory_space<semaphore_mem>>) src(%dma_wait3A_1041 : memref<16x1024xf32, #tpu.memory_space<hbm>>) dst(%arg9 : memref<16x1024xf32, #tpu.memory_space<vmem>>)
      tpu.yield
    }) : () -> ()
    %dma_wait3A_153 = arith.constant 3 : i32
    %dma_wait3A_154 = arith.constant 0 : i32
    %dma_wait3A_155 = tpu.memref_slice %arg4[%dma_wait3A_153, %add3A_143, %dma_wait3A_154] : memref<4x4096x1024xf32, #tpu.memory_space<hbm>> -> memref<1x16x1024xf32, #tpu.memory_space<hbm>>
    %dma_wait3A_156 = tpu.memref_squeeze %dma_wait3A_155 : memref<1x16x1024xf32, #tpu.memory_space<hbm>> -> memref<16x1024xf32, #tpu.memory_space<hbm>>
    %dma_wait3A_157 = arith.constant 0 : i32
    %dma_wait3A_158 = tpu.memref_slice %arg4[%dma_wait3A_153, %add3A_143, %dma_wait3A_157] : memref<4x4096x1024xf32, #tpu.memory_space<hbm>> -> memref<1x16x1024xf32, #tpu.memory_space<hbm>>
    %dma_wait3A_159 = tpu.memref_squeeze %dma_wait3A_158 : memref<1x16x1024xf32, #tpu.memory_space<hbm>> -> memref<16x1024xf32, #tpu.memory_space<hbm>>
    tpu.wait_dma2 semaphore(%arg17 : memref<!tpu.dma_semaphore, #tpu.memory_space<semaphore_mem>>) src(%arg8 : memref<16x1024xf32, #tpu.memory_space<vmem>>) dst(%dma_wait3A_159 : memref<16x1024xf32, #tpu.memory_space<hbm>>)
    %add3A_160 = arith.constant 16 : i32
    %add3A_161 = arith.addi %mul3A_2, %add3A_160 : i32
    %dma_start3A_162 = arith.constant 3 : i32
    %dma_start3A_163 = arith.constant 0 : i32
    %dma_start3A_164 = tpu.memref_slice %arg2[%dma_start3A_162, %add3A_161, %dma_start3A_163] : memref<4x4096x1024xf32, #tpu.memory_space<hbm>> -> memref<1x16x1024xf32, #tpu.memory_space<hbm>>
    %dma_start3A_165 = tpu.memref_squeeze %dma_start3A_164 : memref<1x16x1024xf32, #tpu.memory_space<hbm>> -> memref<16x1024xf32, #tpu.memory_space<hbm>>
    %dma_start3A_166 = arith.constant 0 : i32
    %dma_start3A_167 = tpu.memref_slice %arg2[%dma_start3A_162, %add3A_161, %dma_start3A_166] : memref<4x4096x1024xf32, #tpu.memory_space<hbm>> -> memref<1x16x1024xf32, #tpu.memory_space<hbm>>
    %dma_start3A_168 = tpu.memref_squeeze %dma_start3A_167 : memref<1x16x1024xf32, #tpu.memory_space<hbm>> -> memref<16x1024xf32, #tpu.memory_space<hbm>>
    tpu.enqueue_dma source(%dma_start3A_168 : memref<16x1024xf32, #tpu.memory_space<hbm>>) target(%arg8 : memref<16x1024xf32, #tpu.memory_space<vmem>>) target_semaphore(%arg13 : memref<!tpu.dma_semaphore, #tpu.memory_space<semaphore_mem>>)
    %dma_wait3A_169 = arith.constant 0 : i32
    %dma_wait3A_170 = arith.constant 0 : i32
    %dma_wait3A_171 = tpu.memref_slice %arg2[%dma_wait3A_169, %add3A_63, %dma_wait3A_170] : memref<4x4096x1024xf32, #tpu.memory_space<hbm>> -> memref<1x16x1024xf32, #tpu.memory_space<hbm>>
    %dma_wait3A_172 = tpu.memref_squeeze %dma_wait3A_171 : memref<1x16x1024xf32, #tpu.memory_space<hbm>> -> memref<16x1024xf32, #tpu.memory_space<hbm>>
    %dma_wait3A_173 = arith.constant 0 : i32
    %dma_wait3A_174 = tpu.memref_slice %arg2[%dma_wait3A_169, %add3A_63, %dma_wait3A_173] : memref<4x4096x1024xf32, #tpu.memory_space<hbm>> -> memref<1x16x1024xf32, #tpu.memory_space<hbm>>
    %dma_wait3A_175 = tpu.memref_squeeze %dma_wait3A_174 : memref<1x16x1024xf32, #tpu.memory_space<hbm>> -> memref<16x1024xf32, #tpu.memory_space<hbm>>
    tpu.wait_dma2 semaphore(%arg10 : memref<!tpu.dma_semaphore, #tpu.memory_space<semaphore_mem>>) src(%dma_wait3A_175 : memref<16x1024xf32, #tpu.memory_space<hbm>>) dst(%arg5 : memref<16x1024xf32, #tpu.memory_space<vmem>>)
    %add3A_176 = arith.constant 16 : i32
    %add3A_177 = arith.addi %mul3A_2, %add3A_176 : i32
    %dma_start3A_178 = arith.constant 0 : i32
    %dma_start3A_179 = arith.constant 0 : i32
    %dma_start3A_180 = tpu.memref_slice %arg4[%dma_start3A_178, %add3A_177, %dma_start3A_179] : memref<4x4096x1024xf32, #tpu.memory_space<hbm>> -> memref<1x16x1024xf32, #tpu.memory_space<hbm>>
    %dma_start3A_181 = tpu.memref_squeeze %dma_start3A_180 : memref<1x16x1024xf32, #tpu.memory_space<hbm>> -> memref<16x1024xf32, #tpu.memory_space<hbm>>
    %dma_start3A_182 = arith.constant 0 : i32
    %dma_start3A_183 = tpu.memref_slice %arg4[%dma_start3A_178, %add3A_177, %dma_start3A_182] : memref<4x4096x1024xf32, #tpu.memory_space<hbm>> -> memref<1x16x1024xf32, #tpu.memory_space<hbm>>
    %dma_start3A_184 = tpu.memref_squeeze %dma_start3A_183 : memref<1x16x1024xf32, #tpu.memory_space<hbm>> -> memref<16x1024xf32, #tpu.memory_space<hbm>>
    tpu.enqueue_dma source(%arg5 : memref<16x1024xf32, #tpu.memory_space<vmem>>) target(%dma_start3A_184 : memref<16x1024xf32, #tpu.memory_space<hbm>>) target_semaphore(%arg14 : memref<!tpu.dma_semaphore, #tpu.memory_space<semaphore_mem>>)
    %dma_wait3A_185 = arith.constant 0 : i32
    %dma_wait3A_186 = arith.constant 0 : i32
    %dma_wait3A_187 = tpu.memref_slice %arg4[%dma_wait3A_185, %add3A_177, %dma_wait3A_186] : memref<4x4096x1024xf32, #tpu.memory_space<hbm>> -> memref<1x16x1024xf32, #tpu.memory_space<hbm>>
    %dma_wait3A_188 = tpu.memref_squeeze %dma_wait3A_187 : memref<1x16x1024xf32, #tpu.memory_space<hbm>> -> memref<16x1024xf32, #tpu.memory_space<hbm>>
    %dma_wait3A_189 = arith.constant 0 : i32
    %dma_wait3A_190 = tpu.memref_slice %arg4[%dma_wait3A_185, %add3A_177, %dma_wait3A_189] : memref<4x4096x1024xf32, #tpu.memory_space<hbm>> -> memref<1x16x1024xf32, #tpu.memory_space<hbm>>
    %dma_wait3A_191 = tpu.memref_squeeze %dma_wait3A_190 : memref<1x16x1024xf32, #tpu.memory_space<hbm>> -> memref<16x1024xf32, #tpu.memory_space<hbm>>
    tpu.wait_dma2 semaphore(%arg14 : memref<!tpu.dma_semaphore, #tpu.memory_space<semaphore_mem>>) src(%arg5 : memref<16x1024xf32, #tpu.memory_space<vmem>>) dst(%dma_wait3A_191 : memref<16x1024xf32, #tpu.memory_space<hbm>>)
    %add3A_192 = arith.constant 32 : i32
    %add3A_193 = arith.addi %mul3A_2, %add3A_192 : i32
    %dma_start3A_194 = arith.constant 0 : i32
    %dma_start3A_195 = arith.constant 0 : i32
    %dma_start3A_196 = tpu.memref_slice %arg2[%dma_start3A_194, %add3A_193, %dma_start3A_195] : memref<4x4096x1024xf32, #tpu.memory_space<hbm>> -> memref<1x16x1024xf32, #tpu.memory_space<hbm>>
    %dma_start3A_197 = tpu.memref_squeeze %dma_start3A_196 : memref<1x16x1024xf32, #tpu.memory_space<hbm>> -> memref<16x1024xf32, #tpu.memory_space<hbm>>
    %dma_start3A_198 = arith.constant 0 : i32
    %dma_start3A_199 = tpu.memref_slice %arg2[%dma_start3A_194, %add3A_193, %dma_start3A_198] : memref<4x4096x1024xf32, #tpu.memory_space<hbm>> -> memref<1x16x1024xf32, #tpu.memory_space<hbm>>
    %dma_start3A_200 = tpu.memref_squeeze %dma_start3A_199 : memref<1x16x1024xf32, #tpu.memory_space<hbm>> -> memref<16x1024xf32, #tpu.memory_space<hbm>>
    tpu.enqueue_dma source(%dma_start3A_200 : memref<16x1024xf32, #tpu.memory_space<hbm>>) target(%arg5 : memref<16x1024xf32, #tpu.memory_space<vmem>>) target_semaphore(%arg10 : memref<!tpu.dma_semaphore, #tpu.memory_space<semaphore_mem>>)
    %dma_wait3A_201 = arith.constant 1 : i32
    %dma_wait3A_202 = arith.constant 0 : i32
    %dma_wait3A_203 = tpu.memref_slice %arg2[%dma_wait3A_201, %add3A_95, %dma_wait3A_202] : memref<4x4096x1024xf32, #tpu.memory_space<hbm>> -> memref<1x16x1024xf32, #tpu.memory_space<hbm>>
    %dma_wait3A_204 = tpu.memref_squeeze %dma_wait3A_203 : memref<1x16x1024xf32, #tpu.memory_space<hbm>> -> memref<16x1024xf32, #tpu.memory_space<hbm>>
    %dma_wait3A_205 = arith.constant 0 : i32
    %dma_wait3A_206 = tpu.memref_slice %arg2[%dma_wait3A_201, %add3A_95, %dma_wait3A_205] : memref<4x4096x1024xf32, #tpu.memory_space<hbm>> -> memref<1x16x1024xf32, #tpu.memory_space<hbm>>
    %dma_wait3A_207 = tpu.memref_squeeze %dma_wait3A_206 : memref<1x16x1024xf32, #tpu.memory_space<hbm>> -> memref<16x1024xf32, #tpu.memory_space<hbm>>
    tpu.wait_dma2 semaphore(%arg11 : memref<!tpu.dma_semaphore, #tpu.memory_space<semaphore_mem>>) src(%dma_wait3A_207 : memref<16x1024xf32, #tpu.memory_space<hbm>>) dst(%arg6 : memref<16x1024xf32, #tpu.memory_space<vmem>>)
    %add3A_208 = arith.constant 16 : i32
    %add3A_209 = arith.addi %mul3A_2, %add3A_208 : i32
    %dma_start3A_210 = arith.constant 1 : i32
    %dma_start3A_211 = arith.constant 0 : i32
    %dma_start3A_212 = tpu.memref_slice %arg4[%dma_start3A_210, %add3A_209, %dma_start3A_211] : memref<4x4096x1024xf32, #tpu.memory_space<hbm>> -> memref<1x16x1024xf32, #tpu.memory_space<hbm>>
    %dma_start3A_213 = tpu.memref_squeeze %dma_start3A_212 : memref<1x16x1024xf32, #tpu.memory_space<hbm>> -> memref<16x1024xf32, #tpu.memory_space<hbm>>
    %dma_start3A_214 = arith.constant 0 : i32
    %dma_start3A_215 = tpu.memref_slice %arg4[%dma_start3A_210, %add3A_209, %dma_start3A_214] : memref<4x4096x1024xf32, #tpu.memory_space<hbm>> -> memref<1x16x1024xf32, #tpu.memory_space<hbm>>
    %dma_start3A_216 = tpu.memref_squeeze %dma_start3A_215 : memref<1x16x1024xf32, #tpu.memory_space<hbm>> -> memref<16x1024xf32, #tpu.memory_space<hbm>>
    tpu.enqueue_dma source(%arg6 : memref<16x1024xf32, #tpu.memory_space<vmem>>) target(%dma_start3A_216 : memref<16x1024xf32, #tpu.memory_space<hbm>>) target_semaphore(%arg15 : memref<!tpu.dma_semaphore, #tpu.memory_space<semaphore_mem>>)
    %dma_wait3A_217 = arith.constant 1 : i32
    %dma_wait3A_218 = arith.constant 0 : i32
    %dma_wait3A_219 = tpu.memref_slice %arg4[%dma_wait3A_217, %add3A_209, %dma_wait3A_218] : memref<4x4096x1024xf32, #tpu.memory_space<hbm>> -> memref<1x16x1024xf32, #tpu.memory_space<hbm>>
    %dma_wait3A_220 = tpu.memref_squeeze %dma_wait3A_219 : memref<1x16x1024xf32, #tpu.memory_space<hbm>> -> memref<16x1024xf32, #tpu.memory_space<hbm>>
    %dma_wait3A_221 = arith.constant 0 : i32
    %dma_wait3A_222 = tpu.memref_slice %arg4[%dma_wait3A_217, %add3A_209, %dma_wait3A_221] : memref<4x4096x1024xf32, #tpu.memory_space<hbm>> -> memref<1x16x1024xf32, #tpu.memory_space<hbm>>
    %dma_wait3A_223 = tpu.memref_squeeze %dma_wait3A_222 : memref<1x16x1024xf32, #tpu.memory_space<hbm>> -> memref<16x1024xf32, #tpu.memory_space<hbm>>
    tpu.wait_dma2 semaphore(%arg15 : memref<!tpu.dma_semaphore, #tpu.memory_space<semaphore_mem>>) src(%arg6 : memref<16x1024xf32, #tpu.memory_space<vmem>>) dst(%dma_wait3A_223 : memref<16x1024xf32, #tpu.memory_space<hbm>>)
    %add3A_224 = arith.constant 32 : i32
    %add3A_225 = arith.addi %mul3A_2, %add3A_224 : i32
    %dma_start3A_226 = arith.constant 1 : i32
    %dma_start3A_227 = arith.constant 0 : i32
    %dma_start3A_228 = tpu.memref_slice %arg2[%dma_start3A_226, %add3A_225, %dma_start3A_227] : memref<4x4096x1024xf32, #tpu.memory_space<hbm>> -> memref<1x16x1024xf32, #tpu.memory_space<hbm>>
    %dma_start3A_229 = tpu.memref_squeeze %dma_start3A_228 : memref<1x16x1024xf32, #tpu.memory_space<hbm>> -> memref<16x1024xf32, #tpu.memory_space<hbm>>
    %dma_start3A_230 = arith.constant 0 : i32
    %dma_start3A_231 = tpu.memref_slice %arg2[%dma_start3A_226, %add3A_225, %dma_start3A_230] : memref<4x4096x1024xf32, #tpu.memory_space<hbm>> -> memref<1x16x1024xf32, #tpu.memory_space<hbm>>
    %dma_start3A_232 = tpu.memref_squeeze %dma_start3A_231 : memref<1x16x1024xf32, #tpu.memory_space<hbm>> -> memref<16x1024xf32, #tpu.memory_space<hbm>>
    tpu.enqueue_dma source(%dma_start3A_232 : memref<16x1024xf32, #tpu.memory_space<hbm>>) target(%arg6 : memref<16x1024xf32, #tpu.memory_space<vmem>>) target_semaphore(%arg11 : memref<!tpu.dma_semaphore, #tpu.memory_space<semaphore_mem>>)
    %dma_wait3A_233 = arith.constant 2 : i32
    %dma_wait3A_234 = arith.constant 0 : i32
    %dma_wait3A_235 = tpu.memref_slice %arg2[%dma_wait3A_233, %add3A_127, %dma_wait3A_234] : memref<4x4096x1024xf32, #tpu.memory_space<hbm>> -> memref<1x16x1024xf32, #tpu.memory_space<hbm>>
    %dma_wait3A_236 = tpu.memref_squeeze %dma_wait3A_235 : memref<1x16x1024xf32, #tpu.memory_space<hbm>> -> memref<16x1024xf32, #tpu.memory_space<hbm>>
    %dma_wait3A_237 = arith.constant 0 : i32
    %dma_wait3A_238 = tpu.memref_slice %arg2[%dma_wait3A_233, %add3A_127, %dma_wait3A_237] : memref<4x4096x1024xf32, #tpu.memory_space<hbm>> -> memref<1x16x1024xf32, #tpu.memory_space<hbm>>
    %dma_wait3A_239 = tpu.memref_squeeze %dma_wait3A_238 : memref<1x16x1024xf32, #tpu.memory_space<hbm>> -> memref<16x1024xf32, #tpu.memory_space<hbm>>
    tpu.wait_dma2 semaphore(%arg12 : memref<!tpu.dma_semaphore, #tpu.memory_space<semaphore_mem>>) src(%dma_wait3A_239 : memref<16x1024xf32, #tpu.memory_space<hbm>>) dst(%arg7 : memref<16x1024xf32, #tpu.memory_space<vmem>>)
    %add3A_240 = arith.constant 16 : i32
    %add3A_241 = arith.addi %mul3A_2, %add3A_240 : i32
    %dma_start3A_242 = arith.constant 2 : i32
    %dma_start3A_243 = arith.constant 0 : i32
    %dma_start3A_244 = tpu.memref_slice %arg4[%dma_start3A_242, %add3A_241, %dma_start3A_243] : memref<4x4096x1024xf32, #tpu.memory_space<hbm>> -> memref<1x16x1024xf32, #tpu.memory_space<hbm>>
    %dma_start3A_245 = tpu.memref_squeeze %dma_start3A_244 : memref<1x16x1024xf32, #tpu.memory_space<hbm>> -> memref<16x1024xf32, #tpu.memory_space<hbm>>
    %dma_start3A_246 = arith.constant 0 : i32
    %dma_start3A_247 = tpu.memref_slice %arg4[%dma_start3A_242, %add3A_241, %dma_start3A_246] : memref<4x4096x1024xf32, #tpu.memory_space<hbm>> -> memref<1x16x1024xf32, #tpu.memory_space<hbm>>
    %dma_start3A_248 = tpu.memref_squeeze %dma_start3A_247 : memref<1x16x1024xf32, #tpu.memory_space<hbm>> -> memref<16x1024xf32, #tpu.memory_space<hbm>>
    tpu.enqueue_dma source(%arg7 : memref<16x1024xf32, #tpu.memory_space<vmem>>) target(%dma_start3A_248 : memref<16x1024xf32, #tpu.memory_space<hbm>>) target_semaphore(%arg16 : memref<!tpu.dma_semaphore, #tpu.memory_space<semaphore_mem>>)
    %dma_wait3A_249 = arith.constant 2 : i32
    %dma_wait3A_250 = arith.constant 0 : i32
    %dma_wait3A_251 = tpu.memref_slice %arg4[%dma_wait3A_249, %add3A_241, %dma_wait3A_250] : memref<4x4096x1024xf32, #tpu.memory_space<hbm>> -> memref<1x16x1024xf32, #tpu.memory_space<hbm>>
    %dma_wait3A_252 = tpu.memref_squeeze %dma_wait3A_251 : memref<1x16x1024xf32, #tpu.memory_space<hbm>> -> memref<16x1024xf32, #tpu.memory_space<hbm>>
    %dma_wait3A_253 = arith.constant 0 : i32
    %dma_wait3A_254 = tpu.memref_slice %arg4[%dma_wait3A_249, %add3A_241, %dma_wait3A_253] : memref<4x4096x1024xf32, #tpu.memory_space<hbm>> -> memref<1x16x1024xf32, #tpu.memory_space<hbm>>
    %dma_wait3A_255 = tpu.memref_squeeze %dma_wait3A_254 : memref<1x16x1024xf32, #tpu.memory_space<hbm>> -> memref<16x1024xf32, #tpu.memory_space<hbm>>
    tpu.wait_dma2 semaphore(%arg16 : memref<!tpu.dma_semaphore, #tpu.memory_space<semaphore_mem>>) src(%arg7 : memref<16x1024xf32, #tpu.memory_space<vmem>>) dst(%dma_wait3A_255 : memref<16x1024xf32, #tpu.memory_space<hbm>>)
    %add3A_256 = arith.constant 32 : i32
    %add3A_257 = arith.addi %mul3A_2, %add3A_256 : i32
    %dma_start3A_258 = arith.constant 2 : i32
    %dma_start3A_259 = arith.constant 0 : i32
    %dma_start3A_260 = tpu.memref_slice %arg2[%dma_start3A_258, %add3A_257, %dma_start3A_259] : memref<4x4096x1024xf32, #tpu.memory_space<hbm>> -> memref<1x16x1024xf32, #tpu.memory_space<hbm>>
    %dma_start3A_261 = tpu.memref_squeeze %dma_start3A_260 : memref<1x16x1024xf32, #tpu.memory_space<hbm>> -> memref<16x1024xf32, #tpu.memory_space<hbm>>
    %dma_start3A_262 = arith.constant 0 : i32
    %dma_start3A_263 = tpu.memref_slice %arg2[%dma_start3A_258, %add3A_257, %dma_start3A_262] : memref<4x4096x1024xf32, #tpu.memory_space<hbm>> -> memref<1x16x1024xf32, #tpu.memory_space<hbm>>
    %dma_start3A_264 = tpu.memref_squeeze %dma_start3A_263 : memref<1x16x1024xf32, #tpu.memory_space<hbm>> -> memref<16x1024xf32, #tpu.memory_space<hbm>>
    tpu.enqueue_dma source(%dma_start3A_264 : memref<16x1024xf32, #tpu.memory_space<hbm>>) target(%arg7 : memref<16x1024xf32, #tpu.memory_space<vmem>>) target_semaphore(%arg12 : memref<!tpu.dma_semaphore, #tpu.memory_space<semaphore_mem>>)
    %dma_wait3A_265 = arith.constant 3 : i32
    %dma_wait3A_266 = arith.constant 0 : i32
    %dma_wait3A_267 = tpu.memref_slice %arg2[%dma_wait3A_265, %add3A_161, %dma_wait3A_266] : memref<4x4096x1024xf32, #tpu.memory_space<hbm>> -> memref<1x16x1024xf32, #tpu.memory_space<hbm>>
    %dma_wait3A_268 = tpu.memref_squeeze %dma_wait3A_267 : memref<1x16x1024xf32, #tpu.memory_space<hbm>> -> memref<16x1024xf32, #tpu.memory_space<hbm>>
    %dma_wait3A_269 = arith.constant 0 : i32
    %dma_wait3A_270 = tpu.memref_slice %arg2[%dma_wait3A_265, %add3A_161, %dma_wait3A_269] : memref<4x4096x1024xf32, #tpu.memory_space<hbm>> -> memref<1x16x1024xf32, #tpu.memory_space<hbm>>
    %dma_wait3A_271 = tpu.memref_squeeze %dma_wait3A_270 : memref<1x16x1024xf32, #tpu.memory_space<hbm>> -> memref<16x1024xf32, #tpu.memory_space<hbm>>
    tpu.wait_dma2 semaphore(%arg13 : memref<!tpu.dma_semaphore, #tpu.memory_space<semaphore_mem>>) src(%dma_wait3A_271 : memref<16x1024xf32, #tpu.memory_space<hbm>>) dst(%arg8 : memref<16x1024xf32, #tpu.memory_space<vmem>>)
    %add3A_272 = arith.constant 16 : i32
    %add3A_273 = arith.addi %mul3A_2, %add3A_272 : i32
    %dma_start3A_274 = arith.constant 3 : i32
    %dma_start3A_275 = arith.constant 0 : i32
    %dma_start3A_276 = tpu.memref_slice %arg4[%dma_start3A_274, %add3A_273, %dma_start3A_275] : memref<4x4096x1024xf32, #tpu.memory_space<hbm>> -> memref<1x16x1024xf32, #tpu.memory_space<hbm>>
    %dma_start3A_277 = tpu.memref_squeeze %dma_start3A_276 : memref<1x16x1024xf32, #tpu.memory_space<hbm>> -> memref<16x1024xf32, #tpu.memory_space<hbm>>
    %dma_start3A_278 = arith.constant 0 : i32
    %dma_start3A_279 = tpu.memref_slice %arg4[%dma_start3A_274, %add3A_273, %dma_start3A_278] : memref<4x4096x1024xf32, #tpu.memory_space<hbm>> -> memref<1x16x1024xf32, #tpu.memory_space<hbm>>
    %dma_start3A_280 = tpu.memref_squeeze %dma_start3A_279 : memref<1x16x1024xf32, #tpu.memory_space<hbm>> -> memref<16x1024xf32, #tpu.memory_space<hbm>>
    tpu.enqueue_dma source(%arg8 : memref<16x1024xf32, #tpu.memory_space<vmem>>) target(%dma_start3A_280 : memref<16x1024xf32, #tpu.memory_space<hbm>>) target_semaphore(%arg17 : memref<!tpu.dma_semaphore, #tpu.memory_space<semaphore_mem>>)
    %add3A_281 = arith.constant 32 : i32
    %add3A_282 = arith.addi %mul3A_2, %add3A_281 : i32
    "tpu.region"() ({
      %run_scoped3A = tpu.sem_alloc : memref<!tpu.dma_semaphore, #tpu.memory_space<semaphore_mem>>
      %dma_start3A_1034 = arith.constant 0 : i32
      %dma_start3A_1035 = tpu.memref_slice %arg3[%add3A_282, %dma_start3A_1034] : memref<8192x1024xf32, #tpu.memory_space<hbm>> -> memref<16x1024xf32, #tpu.memory_space<hbm>>
      %dma_start3A_1036 = arith.constant 0 : i32
      %dma_start3A_1037 = tpu.memref_slice %arg3[%add3A_282, %dma_start3A_1036] : memref<8192x1024xf32, #tpu.memory_space<hbm>> -> memref<16x1024xf32, #tpu.memory_space<hbm>>
      tpu.enqueue_dma source(%dma_start3A_1037 : memref<16x1024xf32, #tpu.memory_space<hbm>>) target(%arg9 : memref<16x1024xf32, #tpu.memory_space<vmem>>) target_semaphore(%run_scoped3A : memref<!tpu.dma_semaphore, #tpu.memory_space<semaphore_mem>>)
      %dma_wait3A_1038 = arith.constant 0 : i32
      %dma_wait3A_1039 = tpu.memref_slice %arg3[%add3A_282, %dma_wait3A_1038] : memref<8192x1024xf32, #tpu.memory_space<hbm>> -> memref<16x1024xf32, #tpu.memory_space<hbm>>
      %dma_wait3A_1040 = arith.constant 0 : i32
      %dma_wait3A_1041 = tpu.memref_slice %arg3[%add3A_282, %dma_wait3A_1040] : memref<8192x1024xf32, #tpu.memory_space<hbm>> -> memref<16x1024xf32, #tpu.memory_space<hbm>>
      tpu.wait_dma2 semaphore(%run_scoped3A : memref<!tpu.dma_semaphore, #tpu.memory_space<semaphore_mem>>) src(%dma_wait3A_1041 : memref<16x1024xf32, #tpu.memory_space<hbm>>) dst(%arg9 : memref<16x1024xf32, #tpu.memory_space<vmem>>)
      tpu.yield
    }) : () -> ()
    %dma_wait3A_283 = arith.constant 3 : i32
    %dma_wait3A_284 = arith.constant 0 : i32
    %dma_wait3A_285 = tpu.memref_slice %arg4[%dma_wait3A_283, %add3A_273, %dma_wait3A_284] : memref<4x4096x1024xf32, #tpu.memory_space<hbm>> -> memref<1x16x1024xf32, #tpu.memory_space<hbm>>
    %dma_wait3A_286 = tpu.memref_squeeze %dma_wait3A_285 : memref<1x16x1024xf32, #tpu.memory_space<hbm>> -> memref<16x1024xf32, #tpu.memory_space<hbm>>
    %dma_wait3A_287 = arith.constant 0 : i32
    %dma_wait3A_288 = tpu.memref_slice %arg4[%dma_wait3A_283, %add3A_273, %dma_wait3A_287] : memref<4x4096x1024xf32, #tpu.memory_space<hbm>> -> memref<1x16x1024xf32, #tpu.memory_space<hbm>>
    %dma_wait3A_289 = tpu.memref_squeeze %dma_wait3A_288 : memref<1x16x1024xf32, #tpu.memory_space<hbm>> -> memref<16x1024xf32, #tpu.memory_space<hbm>>
    tpu.wait_dma2 semaphore(%arg17 : memref<!tpu.dma_semaphore, #tpu.memory_space<semaphore_mem>>) src(%arg8 : memref<16x1024xf32, #tpu.memory_space<vmem>>) dst(%dma_wait3A_289 : memref<16x1024xf32, #tpu.memory_space<hbm>>)
    %add3A_290 = arith.constant 32 : i32
    %add3A_291 = arith.addi %mul3A_2, %add3A_290 : i32
    %dma_start3A_292 = arith.constant 3 : i32
    %dma_start3A_293 = arith.constant 0 : i32
    %dma_start3A_294 = tpu.memref_slice %arg2[%dma_start3A_292, %add3A_291, %dma_start3A_293] : memref<4x4096x1024xf32, #tpu.memory_space<hbm>> -> memref<1x16x1024xf32, #tpu.memory_space<hbm>>
    %dma_start3A_295 = tpu.memref_squeeze %dma_start3A_294 : memref<1x16x1024xf32, #tpu.memory_space<hbm>> -> memref<16x1024xf32, #tpu.memory_space<hbm>>
    %dma_start3A_296 = arith.constant 0 : i32
    %dma_start3A_297 = tpu.memref_slice %arg2[%dma_start3A_292, %add3A_291, %dma_start3A_296] : memref<4x4096x1024xf32, #tpu.memory_space<hbm>> -> memref<1x16x1024xf32, #tpu.memory_space<hbm>>
    %dma_start3A_298 = tpu.memref_squeeze %dma_start3A_297 : memref<1x16x1024xf32, #tpu.memory_space<hbm>> -> memref<16x1024xf32, #tpu.memory_space<hbm>>
    tpu.enqueue_dma source(%dma_start3A_298 : memref<16x1024xf32, #tpu.memory_space<hbm>>) target(%arg8 : memref<16x1024xf32, #tpu.memory_space<vmem>>) target_semaphore(%arg13 : memref<!tpu.dma_semaphore, #tpu.memory_space<semaphore_mem>>)
    %dma_wait3A_299 = arith.constant 0 : i32
    %dma_wait3A_300 = arith.constant 0 : i32
    %dma_wait3A_301 = tpu.memref_slice %arg2[%dma_wait3A_299, %add3A_193, %dma_wait3A_300] : memref<4x4096x1024xf32, #tpu.memory_space<hbm>> -> memref<1x16x1024xf32, #tpu.memory_space<hbm>>
    %dma_wait3A_302 = tpu.memref_squeeze %dma_wait3A_301 : memref<1x16x1024xf32, #tpu.memory_space<hbm>> -> memref<16x1024xf32, #tpu.memory_space<hbm>>
    %dma_wait3A_303 = arith.constant 0 : i32
    %dma_wait3A_304 = tpu.memref_slice %arg2[%dma_wait3A_299, %add3A_193, %dma_wait3A_303] : memref<4x4096x1024xf32, #tpu.memory_space<hbm>> -> memref<1x16x1024xf32, #tpu.memory_space<hbm>>
    %dma_wait3A_305 = tpu.memref_squeeze %dma_wait3A_304 : memref<1x16x1024xf32, #tpu.memory_space<hbm>> -> memref<16x1024xf32, #tpu.memory_space<hbm>>
    tpu.wait_dma2 semaphore(%arg10 : memref<!tpu.dma_semaphore, #tpu.memory_space<semaphore_mem>>) src(%dma_wait3A_305 : memref<16x1024xf32, #tpu.memory_space<hbm>>) dst(%arg5 : memref<16x1024xf32, #tpu.memory_space<vmem>>)
    %add3A_306 = arith.constant 32 : i32
    %add3A_307 = arith.addi %mul3A_2, %add3A_306 : i32
    %dma_start3A_308 = arith.constant 0 : i32
    %dma_start3A_309 = arith.constant 0 : i32
    %dma_start3A_310 = tpu.memref_slice %arg4[%dma_start3A_308, %add3A_307, %dma_start3A_309] : memref<4x4096x1024xf32, #tpu.memory_space<hbm>> -> memref<1x16x1024xf32, #tpu.memory_space<hbm>>
    %dma_start3A_311 = tpu.memref_squeeze %dma_start3A_310 : memref<1x16x1024xf32, #tpu.memory_space<hbm>> -> memref<16x1024xf32, #tpu.memory_space<hbm>>
    %dma_start3A_312 = arith.constant 0 : i32
    %dma_start3A_313 = tpu.memref_slice %arg4[%dma_start3A_308, %add3A_307, %dma_start3A_312] : memref<4x4096x1024xf32, #tpu.memory_space<hbm>> -> memref<1x16x1024xf32, #tpu.memory_space<hbm>>
    %dma_start3A_314 = tpu.memref_squeeze %dma_start3A_313 : memref<1x16x1024xf32, #tpu.memory_space<hbm>> -> memref<16x1024xf32, #tpu.memory_space<hbm>>
    tpu.enqueue_dma source(%arg5 : memref<16x1024xf32, #tpu.memory_space<vmem>>) target(%dma_start3A_314 : memref<16x1024xf32, #tpu.memory_space<hbm>>) target_semaphore(%arg14 : memref<!tpu.dma_semaphore, #tpu.memory_space<semaphore_mem>>)
    %dma_wait3A_315 = arith.constant 0 : i32
    %dma_wait3A_316 = arith.constant 0 : i32
    %dma_wait3A_317 = tpu.memref_slice %arg4[%dma_wait3A_315, %add3A_307, %dma_wait3A_316] : memref<4x4096x1024xf32, #tpu.memory_space<hbm>> -> memref<1x16x1024xf32, #tpu.memory_space<hbm>>
    %dma_wait3A_318 = tpu.memref_squeeze %dma_wait3A_317 : memref<1x16x1024xf32, #tpu.memory_space<hbm>> -> memref<16x1024xf32, #tpu.memory_space<hbm>>
    %dma_wait3A_319 = arith.constant 0 : i32
    %dma_wait3A_320 = tpu.memref_slice %arg4[%dma_wait3A_315, %add3A_307, %dma_wait3A_319] : memref<4x4096x1024xf32, #tpu.memory_space<hbm>> -> memref<1x16x1024xf32, #tpu.memory_space<hbm>>
    %dma_wait3A_321 = tpu.memref_squeeze %dma_wait3A_320 : memref<1x16x1024xf32, #tpu.memory_space<hbm>> -> memref<16x1024xf32, #tpu.memory_space<hbm>>
    tpu.wait_dma2 semaphore(%arg14 : memref<!tpu.dma_semaphore, #tpu.memory_space<semaphore_mem>>) src(%arg5 : memref<16x1024xf32, #tpu.memory_space<vmem>>) dst(%dma_wait3A_321 : memref<16x1024xf32, #tpu.memory_space<hbm>>)
    %add3A_322 = arith.constant 48 : i32
    %add3A_323 = arith.addi %mul3A_2, %add3A_322 : i32
    %dma_start3A_324 = arith.constant 0 : i32
    %dma_start3A_325 = arith.constant 0 : i32
    %dma_start3A_326 = tpu.memref_slice %arg2[%dma_start3A_324, %add3A_323, %dma_start3A_325] : memref<4x4096x1024xf32, #tpu.memory_space<hbm>> -> memref<1x16x1024xf32, #tpu.memory_space<hbm>>
    %dma_start3A_327 = tpu.memref_squeeze %dma_start3A_326 : memref<1x16x1024xf32, #tpu.memory_space<hbm>> -> memref<16x1024xf32, #tpu.memory_space<hbm>>
    %dma_start3A_328 = arith.constant 0 : i32
    %dma_start3A_329 = tpu.memref_slice %arg2[%dma_start3A_324, %add3A_323, %dma_start3A_328] : memref<4x4096x1024xf32, #tpu.memory_space<hbm>> -> memref<1x16x1024xf32, #tpu.memory_space<hbm>>
    %dma_start3A_330 = tpu.memref_squeeze %dma_start3A_329 : memref<1x16x1024xf32, #tpu.memory_space<hbm>> -> memref<16x1024xf32, #tpu.memory_space<hbm>>
    tpu.enqueue_dma source(%dma_start3A_330 : memref<16x1024xf32, #tpu.memory_space<hbm>>) target(%arg5 : memref<16x1024xf32, #tpu.memory_space<vmem>>) target_semaphore(%arg10 : memref<!tpu.dma_semaphore, #tpu.memory_space<semaphore_mem>>)
    %dma_wait3A_331 = arith.constant 1 : i32
    %dma_wait3A_332 = arith.constant 0 : i32
    %dma_wait3A_333 = tpu.memref_slice %arg2[%dma_wait3A_331, %add3A_225, %dma_wait3A_332] : memref<4x4096x1024xf32, #tpu.memory_space<hbm>> -> memref<1x16x1024xf32, #tpu.memory_space<hbm>>
    %dma_wait3A_334 = tpu.memref_squeeze %dma_wait3A_333 : memref<1x16x1024xf32, #tpu.memory_space<hbm>> -> memref<16x1024xf32, #tpu.memory_space<hbm>>
    %dma_wait3A_335 = arith.constant 0 : i32
    %dma_wait3A_336 = tpu.memref_slice %arg2[%dma_wait3A_331, %add3A_225, %dma_wait3A_335] : memref<4x4096x1024xf32, #tpu.memory_space<hbm>> -> memref<1x16x1024xf32, #tpu.memory_space<hbm>>
    %dma_wait3A_337 = tpu.memref_squeeze %dma_wait3A_336 : memref<1x16x1024xf32, #tpu.memory_space<hbm>> -> memref<16x1024xf32, #tpu.memory_space<hbm>>
    tpu.wait_dma2 semaphore(%arg11 : memref<!tpu.dma_semaphore, #tpu.memory_space<semaphore_mem>>) src(%dma_wait3A_337 : memref<16x1024xf32, #tpu.memory_space<hbm>>) dst(%arg6 : memref<16x1024xf32, #tpu.memory_space<vmem>>)
    %add3A_338 = arith.constant 32 : i32
    %add3A_339 = arith.addi %mul3A_2, %add3A_338 : i32
    %dma_start3A_340 = arith.constant 1 : i32
    %dma_start3A_341 = arith.constant 0 : i32
    %dma_start3A_342 = tpu.memref_slice %arg4[%dma_start3A_340, %add3A_339, %dma_start3A_341] : memref<4x4096x1024xf32, #tpu.memory_space<hbm>> -> memref<1x16x1024xf32, #tpu.memory_space<hbm>>
    %dma_start3A_343 = tpu.memref_squeeze %dma_start3A_342 : memref<1x16x1024xf32, #tpu.memory_space<hbm>> -> memref<16x1024xf32, #tpu.memory_space<hbm>>
    %dma_start3A_344 = arith.constant 0 : i32
    %dma_start3A_345 = tpu.memref_slice %arg4[%dma_start3A_340, %add3A_339, %dma_start3A_344] : memref<4x4096x1024xf32, #tpu.memory_space<hbm>> -> memref<1x16x1024xf32, #tpu.memory_space<hbm>>
    %dma_start3A_346 = tpu.memref_squeeze %dma_start3A_345 : memref<1x16x1024xf32, #tpu.memory_space<hbm>> -> memref<16x1024xf32, #tpu.memory_space<hbm>>
    tpu.enqueue_dma source(%arg6 : memref<16x1024xf32, #tpu.memory_space<vmem>>) target(%dma_start3A_346 : memref<16x1024xf32, #tpu.memory_space<hbm>>) target_semaphore(%arg15 : memref<!tpu.dma_semaphore, #tpu.memory_space<semaphore_mem>>)
    %dma_wait3A_347 = arith.constant 1 : i32
    %dma_wait3A_348 = arith.constant 0 : i32
    %dma_wait3A_349 = tpu.memref_slice %arg4[%dma_wait3A_347, %add3A_339, %dma_wait3A_348] : memref<4x4096x1024xf32, #tpu.memory_space<hbm>> -> memref<1x16x1024xf32, #tpu.memory_space<hbm>>
    %dma_wait3A_350 = tpu.memref_squeeze %dma_wait3A_349 : memref<1x16x1024xf32, #tpu.memory_space<hbm>> -> memref<16x1024xf32, #tpu.memory_space<hbm>>
    %dma_wait3A_351 = arith.constant 0 : i32
    %dma_wait3A_352 = tpu.memref_slice %arg4[%dma_wait3A_347, %add3A_339, %dma_wait3A_351] : memref<4x4096x1024xf32, #tpu.memory_space<hbm>> -> memref<1x16x1024xf32, #tpu.memory_space<hbm>>
    %dma_wait3A_353 = tpu.memref_squeeze %dma_wait3A_352 : memref<1x16x1024xf32, #tpu.memory_space<hbm>> -> memref<16x1024xf32, #tpu.memory_space<hbm>>
    tpu.wait_dma2 semaphore(%arg15 : memref<!tpu.dma_semaphore, #tpu.memory_space<semaphore_mem>>) src(%arg6 : memref<16x1024xf32, #tpu.memory_space<vmem>>) dst(%dma_wait3A_353 : memref<16x1024xf32, #tpu.memory_space<hbm>>)
    %add3A_354 = arith.constant 48 : i32
    %add3A_355 = arith.addi %mul3A_2, %add3A_354 : i32
    %dma_start3A_356 = arith.constant 1 : i32
    %dma_start3A_357 = arith.constant 0 : i32
    %dma_start3A_358 = tpu.memref_slice %arg2[%dma_start3A_356, %add3A_355, %dma_start3A_357] : memref<4x4096x1024xf32, #tpu.memory_space<hbm>> -> memref<1x16x1024xf32, #tpu.memory_space<hbm>>
    %dma_start3A_359 = tpu.memref_squeeze %dma_start3A_358 : memref<1x16x1024xf32, #tpu.memory_space<hbm>> -> memref<16x1024xf32, #tpu.memory_space<hbm>>
    %dma_start3A_360 = arith.constant 0 : i32
    %dma_start3A_361 = tpu.memref_slice %arg2[%dma_start3A_356, %add3A_355, %dma_start3A_360] : memref<4x4096x1024xf32, #tpu.memory_space<hbm>> -> memref<1x16x1024xf32, #tpu.memory_space<hbm>>
    %dma_start3A_362 = tpu.memref_squeeze %dma_start3A_361 : memref<1x16x1024xf32, #tpu.memory_space<hbm>> -> memref<16x1024xf32, #tpu.memory_space<hbm>>
    tpu.enqueue_dma source(%dma_start3A_362 : memref<16x1024xf32, #tpu.memory_space<hbm>>) target(%arg6 : memref<16x1024xf32, #tpu.memory_space<vmem>>) target_semaphore(%arg11 : memref<!tpu.dma_semaphore, #tpu.memory_space<semaphore_mem>>)
    %dma_wait3A_363 = arith.constant 2 : i32
    %dma_wait3A_364 = arith.constant 0 : i32
    %dma_wait3A_365 = tpu.memref_slice %arg2[%dma_wait3A_363, %add3A_257, %dma_wait3A_364] : memref<4x4096x1024xf32, #tpu.memory_space<hbm>> -> memref<1x16x1024xf32, #tpu.memory_space<hbm>>
    %dma_wait3A_366 = tpu.memref_squeeze %dma_wait3A_365 : memref<1x16x1024xf32, #tpu.memory_space<hbm>> -> memref<16x1024xf32, #tpu.memory_space<hbm>>
    %dma_wait3A_367 = arith.constant 0 : i32
    %dma_wait3A_368 = tpu.memref_slice %arg2[%dma_wait3A_363, %add3A_257, %dma_wait3A_367] : memref<4x4096x1024xf32, #tpu.memory_space<hbm>> -> memref<1x16x1024xf32, #tpu.memory_space<hbm>>
    %dma_wait3A_369 = tpu.memref_squeeze %dma_wait3A_368 : memref<1x16x1024xf32, #tpu.memory_space<hbm>> -> memref<16x1024xf32, #tpu.memory_space<hbm>>
    tpu.wait_dma2 semaphore(%arg12 : memref<!tpu.dma_semaphore, #tpu.memory_space<semaphore_mem>>) src(%dma_wait3A_369 : memref<16x1024xf32, #tpu.memory_space<hbm>>) dst(%arg7 : memref<16x1024xf32, #tpu.memory_space<vmem>>)
    %add3A_370 = arith.constant 32 : i32
    %add3A_371 = arith.addi %mul3A_2, %add3A_370 : i32
    %dma_start3A_372 = arith.constant 2 : i32
    %dma_start3A_373 = arith.constant 0 : i32
    %dma_start3A_374 = tpu.memref_slice %arg4[%dma_start3A_372, %add3A_371, %dma_start3A_373] : memref<4x4096x1024xf32, #tpu.memory_space<hbm>> -> memref<1x16x1024xf32, #tpu.memory_space<hbm>>
    %dma_start3A_375 = tpu.memref_squeeze %dma_start3A_374 : memref<1x16x1024xf32, #tpu.memory_space<hbm>> -> memref<16x1024xf32, #tpu.memory_space<hbm>>
    %dma_start3A_376 = arith.constant 0 : i32
    %dma_start3A_377 = tpu.memref_slice %arg4[%dma_start3A_372, %add3A_371, %dma_start3A_376] : memref<4x4096x1024xf32, #tpu.memory_space<hbm>> -> memref<1x16x1024xf32, #tpu.memory_space<hbm>>
    %dma_start3A_378 = tpu.memref_squeeze %dma_start3A_377 : memref<1x16x1024xf32, #tpu.memory_space<hbm>> -> memref<16x1024xf32, #tpu.memory_space<hbm>>
    tpu.enqueue_dma source(%arg7 : memref<16x1024xf32, #tpu.memory_space<vmem>>) target(%dma_start3A_378 : memref<16x1024xf32, #tpu.memory_space<hbm>>) target_semaphore(%arg16 : memref<!tpu.dma_semaphore, #tpu.memory_space<semaphore_mem>>)
    %dma_wait3A_379 = arith.constant 2 : i32
    %dma_wait3A_380 = arith.constant 0 : i32
    %dma_wait3A_381 = tpu.memref_slice %arg4[%dma_wait3A_379, %add3A_371, %dma_wait3A_380] : memref<4x4096x1024xf32, #tpu.memory_space<hbm>> -> memref<1x16x1024xf32, #tpu.memory_space<hbm>>
    %dma_wait3A_382 = tpu.memref_squeeze %dma_wait3A_381 : memref<1x16x1024xf32, #tpu.memory_space<hbm>> -> memref<16x1024xf32, #tpu.memory_space<hbm>>
    %dma_wait3A_383 = arith.constant 0 : i32
    %dma_wait3A_384 = tpu.memref_slice %arg4[%dma_wait3A_379, %add3A_371, %dma_wait3A_383] : memref<4x4096x1024xf32, #tpu.memory_space<hbm>> -> memref<1x16x1024xf32, #tpu.memory_space<hbm>>
    %dma_wait3A_385 = tpu.memref_squeeze %dma_wait3A_384 : memref<1x16x1024xf32, #tpu.memory_space<hbm>> -> memref<16x1024xf32, #tpu.memory_space<hbm>>
    tpu.wait_dma2 semaphore(%arg16 : memref<!tpu.dma_semaphore, #tpu.memory_space<semaphore_mem>>) src(%arg7 : memref<16x1024xf32, #tpu.memory_space<vmem>>) dst(%dma_wait3A_385 : memref<16x1024xf32, #tpu.memory_space<hbm>>)
    %add3A_386 = arith.constant 48 : i32
    %add3A_387 = arith.addi %mul3A_2, %add3A_386 : i32
    %dma_start3A_388 = arith.constant 2 : i32
    %dma_start3A_389 = arith.constant 0 : i32
    %dma_start3A_390 = tpu.memref_slice %arg2[%dma_start3A_388, %add3A_387, %dma_start3A_389] : memref<4x4096x1024xf32, #tpu.memory_space<hbm>> -> memref<1x16x1024xf32, #tpu.memory_space<hbm>>
    %dma_start3A_391 = tpu.memref_squeeze %dma_start3A_390 : memref<1x16x1024xf32, #tpu.memory_space<hbm>> -> memref<16x1024xf32, #tpu.memory_space<hbm>>
    %dma_start3A_392 = arith.constant 0 : i32
    %dma_start3A_393 = tpu.memref_slice %arg2[%dma_start3A_388, %add3A_387, %dma_start3A_392] : memref<4x4096x1024xf32, #tpu.memory_space<hbm>> -> memref<1x16x1024xf32, #tpu.memory_space<hbm>>
    %dma_start3A_394 = tpu.memref_squeeze %dma_start3A_393 : memref<1x16x1024xf32, #tpu.memory_space<hbm>> -> memref<16x1024xf32, #tpu.memory_space<hbm>>
    tpu.enqueue_dma source(%dma_start3A_394 : memref<16x1024xf32, #tpu.memory_space<hbm>>) target(%arg7 : memref<16x1024xf32, #tpu.memory_space<vmem>>) target_semaphore(%arg12 : memref<!tpu.dma_semaphore, #tpu.memory_space<semaphore_mem>>)
    %dma_wait3A_395 = arith.constant 3 : i32
    %dma_wait3A_396 = arith.constant 0 : i32
    %dma_wait3A_397 = tpu.memref_slice %arg2[%dma_wait3A_395, %add3A_291, %dma_wait3A_396] : memref<4x4096x1024xf32, #tpu.memory_space<hbm>> -> memref<1x16x1024xf32, #tpu.memory_space<hbm>>
    %dma_wait3A_398 = tpu.memref_squeeze %dma_wait3A_397 : memref<1x16x1024xf32, #tpu.memory_space<hbm>> -> memref<16x1024xf32, #tpu.memory_space<hbm>>
    %dma_wait3A_399 = arith.constant 0 : i32
    %dma_wait3A_400 = tpu.memref_slice %arg2[%dma_wait3A_395, %add3A_291, %dma_wait3A_399] : memref<4x4096x1024xf32, #tpu.memory_space<hbm>> -> memref<1x16x1024xf32, #tpu.memory_space<hbm>>
    %dma_wait3A_401 = tpu.memref_squeeze %dma_wait3A_400 : memref<1x16x1024xf32, #tpu.memory_space<hbm>> -> memref<16x1024xf32, #tpu.memory_space<hbm>>
    tpu.wait_dma2 semaphore(%arg13 : memref<!tpu.dma_semaphore, #tpu.memory_space<semaphore_mem>>) src(%dma_wait3A_401 : memref<16x1024xf32, #tpu.memory_space<hbm>>) dst(%arg8 : memref<16x1024xf32, #tpu.memory_space<vmem>>)
    %add3A_402 = arith.constant 32 : i32
    %add3A_403 = arith.addi %mul3A_2, %add3A_402 : i32
    %dma_start3A_404 = arith.constant 3 : i32
    %dma_start3A_405 = arith.constant 0 : i32
    %dma_start3A_406 = tpu.memref_slice %arg4[%dma_start3A_404, %add3A_403, %dma_start3A_405] : memref<4x4096x1024xf32, #tpu.memory_space<hbm>> -> memref<1x16x1024xf32, #tpu.memory_space<hbm>>
    %dma_start3A_407 = tpu.memref_squeeze %dma_start3A_406 : memref<1x16x1024xf32, #tpu.memory_space<hbm>> -> memref<16x1024xf32, #tpu.memory_space<hbm>>
    %dma_start3A_408 = arith.constant 0 : i32
    %dma_start3A_409 = tpu.memref_slice %arg4[%dma_start3A_404, %add3A_403, %dma_start3A_408] : memref<4x4096x1024xf32, #tpu.memory_space<hbm>> -> memref<1x16x1024xf32, #tpu.memory_space<hbm>>
    %dma_start3A_410 = tpu.memref_squeeze %dma_start3A_409 : memref<1x16x1024xf32, #tpu.memory_space<hbm>> -> memref<16x1024xf32, #tpu.memory_space<hbm>>
    tpu.enqueue_dma source(%arg8 : memref<16x1024xf32, #tpu.memory_space<vmem>>) target(%dma_start3A_410 : memref<16x1024xf32, #tpu.memory_space<hbm>>) target_semaphore(%arg17 : memref<!tpu.dma_semaphore, #tpu.memory_space<semaphore_mem>>)
    %add3A_411 = arith.constant 48 : i32
    %add3A_412 = arith.addi %mul3A_2, %add3A_411 : i32
    "tpu.region"() ({
      %run_scoped3A = tpu.sem_alloc : memref<!tpu.dma_semaphore, #tpu.memory_space<semaphore_mem>>
      %dma_start3A_1034 = arith.constant 0 : i32
      %dma_start3A_1035 = tpu.memref_slice %arg3[%add3A_412, %dma_start3A_1034] : memref<8192x1024xf32, #tpu.memory_space<hbm>> -> memref<16x1024xf32, #tpu.memory_space<hbm>>
      %dma_start3A_1036 = arith.constant 0 : i32
      %dma_start3A_1037 = tpu.memref_slice %arg3[%add3A_412, %dma_start3A_1036] : memref<8192x1024xf32, #tpu.memory_space<hbm>> -> memref<16x1024xf32, #tpu.memory_space<hbm>>
      tpu.enqueue_dma source(%dma_start3A_1037 : memref<16x1024xf32, #tpu.memory_space<hbm>>) target(%arg9 : memref<16x1024xf32, #tpu.memory_space<vmem>>) target_semaphore(%run_scoped3A : memref<!tpu.dma_semaphore, #tpu.memory_space<semaphore_mem>>)
      %dma_wait3A_1038 = arith.constant 0 : i32
      %dma_wait3A_1039 = tpu.memref_slice %arg3[%add3A_412, %dma_wait3A_1038] : memref<8192x1024xf32, #tpu.memory_space<hbm>> -> memref<16x1024xf32, #tpu.memory_space<hbm>>
      %dma_wait3A_1040 = arith.constant 0 : i32
      %dma_wait3A_1041 = tpu.memref_slice %arg3[%add3A_412, %dma_wait3A_1040] : memref<8192x1024xf32, #tpu.memory_space<hbm>> -> memref<16x1024xf32, #tpu.memory_space<hbm>>
      tpu.wait_dma2 semaphore(%run_scoped3A : memref<!tpu.dma_semaphore, #tpu.memory_space<semaphore_mem>>) src(%dma_wait3A_1041 : memref<16x1024xf32, #tpu.memory_space<hbm>>) dst(%arg9 : memref<16x1024xf32, #tpu.memory_space<vmem>>)
      tpu.yield
    }) : () -> ()
    %dma_wait3A_413 = arith.constant 3 : i32
    %dma_wait3A_414 = arith.constant 0 : i32
    %dma_wait3A_415 = tpu.memref_slice %arg4[%dma_wait3A_413, %add3A_403, %dma_wait3A_414] : memref<4x4096x1024xf32, #tpu.memory_space<hbm>> -> memref<1x16x1024xf32, #tpu.memory_space<hbm>>
    %dma_wait3A_416 = tpu.memref_squeeze %dma_wait3A_415 : memref<1x16x1024xf32, #tpu.memory_space<hbm>> -> memref<16x1024xf32, #tpu.memory_space<hbm>>
    %dma_wait3A_417 = arith.constant 0 : i32
    %dma_wait3A_418 = tpu.memref_slice %arg4[%dma_wait3A_413, %add3A_403, %dma_wait3A_417] : memref<4x4096x1024xf32, #tpu.memory_space<hbm>> -> memref<1x16x1024xf32, #tpu.memory_space<hbm>>
    %dma_wait3A_419 = tpu.memref_squeeze %dma_wait3A_418 : memref<1x16x1024xf32, #tpu.memory_space<hbm>> -> memref<16x1024xf32, #tpu.memory_space<hbm>>
    tpu.wait_dma2 semaphore(%arg17 : memref<!tpu.dma_semaphore, #tpu.memory_space<semaphore_mem>>) src(%arg8 : memref<16x1024xf32, #tpu.memory_space<vmem>>) dst(%dma_wait3A_419 : memref<16x1024xf32, #tpu.memory_space<hbm>>)
    %add3A_420 = arith.constant 48 : i32
    %add3A_421 = arith.addi %mul3A_2, %add3A_420 : i32
    %dma_start3A_422 = arith.constant 3 : i32
    %dma_start3A_423 = arith.constant 0 : i32
    %dma_start3A_424 = tpu.memref_slice %arg2[%dma_start3A_422, %add3A_421, %dma_start3A_423] : memref<4x4096x1024xf32, #tpu.memory_space<hbm>> -> memref<1x16x1024xf32, #tpu.memory_space<hbm>>
    %dma_start3A_425 = tpu.memref_squeeze %dma_start3A_424 : memref<1x16x1024xf32, #tpu.memory_space<hbm>> -> memref<16x1024xf32, #tpu.memory_space<hbm>>
    %dma_start3A_426 = arith.constant 0 : i32
    %dma_start3A_427 = tpu.memref_slice %arg2[%dma_start3A_422, %add3A_421, %dma_start3A_426] : memref<4x4096x1024xf32, #tpu.memory_space<hbm>> -> memref<1x16x1024xf32, #tpu.memory_space<hbm>>
    %dma_start3A_428 = tpu.memref_squeeze %dma_start3A_427 : memref<1x16x1024xf32, #tpu.memory_space<hbm>> -> memref<16x1024xf32, #tpu.memory_space<hbm>>
    tpu.enqueue_dma source(%dma_start3A_428 : memref<16x1024xf32, #tpu.memory_space<hbm>>) target(%arg8 : memref<16x1024xf32, #tpu.memory_space<vmem>>) target_semaphore(%arg13 : memref<!tpu.dma_semaphore, #tpu.memory_space<semaphore_mem>>)
    %dma_wait3A_429 = arith.constant 0 : i32
    %dma_wait3A_430 = arith.constant 0 : i32
    %dma_wait3A_431 = tpu.memref_slice %arg2[%dma_wait3A_429, %add3A_323, %dma_wait3A_430] : memref<4x4096x1024xf32, #tpu.memory_space<hbm>> -> memref<1x16x1024xf32, #tpu.memory_space<hbm>>
    %dma_wait3A_432 = tpu.memref_squeeze %dma_wait3A_431 : memref<1x16x1024xf32, #tpu.memory_space<hbm>> -> memref<16x1024xf32, #tpu.memory_space<hbm>>
    %dma_wait3A_433 = arith.constant 0 : i32
    %dma_wait3A_434 = tpu.memref_slice %arg2[%dma_wait3A_429, %add3A_323, %dma_wait3A_433] : memref<4x4096x1024xf32, #tpu.memory_space<hbm>> -> memref<1x16x1024xf32, #tpu.memory_space<hbm>>
    %dma_wait3A_435 = tpu.memref_squeeze %dma_wait3A_434 : memref<1x16x1024xf32, #tpu.memory_space<hbm>> -> memref<16x1024xf32, #tpu.memory_space<hbm>>
    tpu.wait_dma2 semaphore(%arg10 : memref<!tpu.dma_semaphore, #tpu.memory_space<semaphore_mem>>) src(%dma_wait3A_435 : memref<16x1024xf32, #tpu.memory_space<hbm>>) dst(%arg5 : memref<16x1024xf32, #tpu.memory_space<vmem>>)
    %add3A_436 = arith.constant 48 : i32
    %add3A_437 = arith.addi %mul3A_2, %add3A_436 : i32
    %dma_start3A_438 = arith.constant 0 : i32
    %dma_start3A_439 = arith.constant 0 : i32
    %dma_start3A_440 = tpu.memref_slice %arg4[%dma_start3A_438, %add3A_437, %dma_start3A_439] : memref<4x4096x1024xf32, #tpu.memory_space<hbm>> -> memref<1x16x1024xf32, #tpu.memory_space<hbm>>
    %dma_start3A_441 = tpu.memref_squeeze %dma_start3A_440 : memref<1x16x1024xf32, #tpu.memory_space<hbm>> -> memref<16x1024xf32, #tpu.memory_space<hbm>>
    %dma_start3A_442 = arith.constant 0 : i32
    %dma_start3A_443 = tpu.memref_slice %arg4[%dma_start3A_438, %add3A_437, %dma_start3A_442] : memref<4x4096x1024xf32, #tpu.memory_space<hbm>> -> memref<1x16x1024xf32, #tpu.memory_space<hbm>>
    %dma_start3A_444 = tpu.memref_squeeze %dma_start3A_443 : memref<1x16x1024xf32, #tpu.memory_space<hbm>> -> memref<16x1024xf32, #tpu.memory_space<hbm>>
    tpu.enqueue_dma source(%arg5 : memref<16x1024xf32, #tpu.memory_space<vmem>>) target(%dma_start3A_444 : memref<16x1024xf32, #tpu.memory_space<hbm>>) target_semaphore(%arg14 : memref<!tpu.dma_semaphore, #tpu.memory_space<semaphore_mem>>)
    %dma_wait3A_445 = arith.constant 0 : i32
    %dma_wait3A_446 = arith.constant 0 : i32
    %dma_wait3A_447 = tpu.memref_slice %arg4[%dma_wait3A_445, %add3A_437, %dma_wait3A_446] : memref<4x4096x1024xf32, #tpu.memory_space<hbm>> -> memref<1x16x1024xf32, #tpu.memory_space<hbm>>
    %dma_wait3A_448 = tpu.memref_squeeze %dma_wait3A_447 : memref<1x16x1024xf32, #tpu.memory_space<hbm>> -> memref<16x1024xf32, #tpu.memory_space<hbm>>
    %dma_wait3A_449 = arith.constant 0 : i32
    %dma_wait3A_450 = tpu.memref_slice %arg4[%dma_wait3A_445, %add3A_437, %dma_wait3A_449] : memref<4x4096x1024xf32, #tpu.memory_space<hbm>> -> memref<1x16x1024xf32, #tpu.memory_space<hbm>>
    %dma_wait3A_451 = tpu.memref_squeeze %dma_wait3A_450 : memref<1x16x1024xf32, #tpu.memory_space<hbm>> -> memref<16x1024xf32, #tpu.memory_space<hbm>>
    tpu.wait_dma2 semaphore(%arg14 : memref<!tpu.dma_semaphore, #tpu.memory_space<semaphore_mem>>) src(%arg5 : memref<16x1024xf32, #tpu.memory_space<vmem>>) dst(%dma_wait3A_451 : memref<16x1024xf32, #tpu.memory_space<hbm>>)
    %add3A_452 = arith.constant 64 : i32
    %add3A_453 = arith.addi %mul3A_2, %add3A_452 : i32
    %dma_start3A_454 = arith.constant 0 : i32
    %dma_start3A_455 = arith.constant 0 : i32
    %dma_start3A_456 = tpu.memref_slice %arg2[%dma_start3A_454, %add3A_453, %dma_start3A_455] : memref<4x4096x1024xf32, #tpu.memory_space<hbm>> -> memref<1x16x1024xf32, #tpu.memory_space<hbm>>
    %dma_start3A_457 = tpu.memref_squeeze %dma_start3A_456 : memref<1x16x1024xf32, #tpu.memory_space<hbm>> -> memref<16x1024xf32, #tpu.memory_space<hbm>>
    %dma_start3A_458 = arith.constant 0 : i32
    %dma_start3A_459 = tpu.memref_slice %arg2[%dma_start3A_454, %add3A_453, %dma_start3A_458] : memref<4x4096x1024xf32, #tpu.memory_space<hbm>> -> memref<1x16x1024xf32, #tpu.memory_space<hbm>>
    %dma_start3A_460 = tpu.memref_squeeze %dma_start3A_459 : memref<1x16x1024xf32, #tpu.memory_space<hbm>> -> memref<16x1024xf32, #tpu.memory_space<hbm>>
    tpu.enqueue_dma source(%dma_start3A_460 : memref<16x1024xf32, #tpu.memory_space<hbm>>) target(%arg5 : memref<16x1024xf32, #tpu.memory_space<vmem>>) target_semaphore(%arg10 : memref<!tpu.dma_semaphore, #tpu.memory_space<semaphore_mem>>)
    %dma_wait3A_461 = arith.constant 1 : i32
    %dma_wait3A_462 = arith.constant 0 : i32
    %dma_wait3A_463 = tpu.memref_slice %arg2[%dma_wait3A_461, %add3A_355, %dma_wait3A_462] : memref<4x4096x1024xf32, #tpu.memory_space<hbm>> -> memref<1x16x1024xf32, #tpu.memory_space<hbm>>
    %dma_wait3A_464 = tpu.memref_squeeze %dma_wait3A_463 : memref<1x16x1024xf32, #tpu.memory_space<hbm>> -> memref<16x1024xf32, #tpu.memory_space<hbm>>
    %dma_wait3A_465 = arith.constant 0 : i32
    %dma_wait3A_466 = tpu.memref_slice %arg2[%dma_wait3A_461, %add3A_355, %dma_wait3A_465] : memref<4x4096x1024xf32, #tpu.memory_space<hbm>> -> memref<1x16x1024xf32, #tpu.memory_space<hbm>>
    %dma_wait3A_467 = tpu.memref_squeeze %dma_wait3A_466 : memref<1x16x1024xf32, #tpu.memory_space<hbm>> -> memref<16x1024xf32, #tpu.memory_space<hbm>>
    tpu.wait_dma2 semaphore(%arg11 : memref<!tpu.dma_semaphore, #tpu.memory_space<semaphore_mem>>) src(%dma_wait3A_467 : memref<16x1024xf32, #tpu.memory_space<hbm>>) dst(%arg6 : memref<16x1024xf32, #tpu.memory_space<vmem>>)
    %add3A_468 = arith.constant 48 : i32
    %add3A_469 = arith.addi %mul3A_2, %add3A_468 : i32
    %dma_start3A_470 = arith.constant 1 : i32
    %dma_start3A_471 = arith.constant 0 : i32
    %dma_start3A_472 = tpu.memref_slice %arg4[%dma_start3A_470, %add3A_469, %dma_start3A_471] : memref<4x4096x1024xf32, #tpu.memory_space<hbm>> -> memref<1x16x1024xf32, #tpu.memory_space<hbm>>
    %dma_start3A_473 = tpu.memref_squeeze %dma_start3A_472 : memref<1x16x1024xf32, #tpu.memory_space<hbm>> -> memref<16x1024xf32, #tpu.memory_space<hbm>>
    %dma_start3A_474 = arith.constant 0 : i32
    %dma_start3A_475 = tpu.memref_slice %arg4[%dma_start3A_470, %add3A_469, %dma_start3A_474] : memref<4x4096x1024xf32, #tpu.memory_space<hbm>> -> memref<1x16x1024xf32, #tpu.memory_space<hbm>>
    %dma_start3A_476 = tpu.memref_squeeze %dma_start3A_475 : memref<1x16x1024xf32, #tpu.memory_space<hbm>> -> memref<16x1024xf32, #tpu.memory_space<hbm>>
    tpu.enqueue_dma source(%arg6 : memref<16x1024xf32, #tpu.memory_space<vmem>>) target(%dma_start3A_476 : memref<16x1024xf32, #tpu.memory_space<hbm>>) target_semaphore(%arg15 : memref<!tpu.dma_semaphore, #tpu.memory_space<semaphore_mem>>)
    %dma_wait3A_477 = arith.constant 1 : i32
    %dma_wait3A_478 = arith.constant 0 : i32
    %dma_wait3A_479 = tpu.memref_slice %arg4[%dma_wait3A_477, %add3A_469, %dma_wait3A_478] : memref<4x4096x1024xf32, #tpu.memory_space<hbm>> -> memref<1x16x1024xf32, #tpu.memory_space<hbm>>
    %dma_wait3A_480 = tpu.memref_squeeze %dma_wait3A_479 : memref<1x16x1024xf32, #tpu.memory_space<hbm>> -> memref<16x1024xf32, #tpu.memory_space<hbm>>
    %dma_wait3A_481 = arith.constant 0 : i32
    %dma_wait3A_482 = tpu.memref_slice %arg4[%dma_wait3A_477, %add3A_469, %dma_wait3A_481] : memref<4x4096x1024xf32, #tpu.memory_space<hbm>> -> memref<1x16x1024xf32, #tpu.memory_space<hbm>>
    %dma_wait3A_483 = tpu.memref_squeeze %dma_wait3A_482 : memref<1x16x1024xf32, #tpu.memory_space<hbm>> -> memref<16x1024xf32, #tpu.memory_space<hbm>>
    tpu.wait_dma2 semaphore(%arg15 : memref<!tpu.dma_semaphore, #tpu.memory_space<semaphore_mem>>) src(%arg6 : memref<16x1024xf32, #tpu.memory_space<vmem>>) dst(%dma_wait3A_483 : memref<16x1024xf32, #tpu.memory_space<hbm>>)
    %add3A_484 = arith.constant 64 : i32
    %add3A_485 = arith.addi %mul3A_2, %add3A_484 : i32
    %dma_start3A_486 = arith.constant 1 : i32
    %dma_start3A_487 = arith.constant 0 : i32
    %dma_start3A_488 = tpu.memref_slice %arg2[%dma_start3A_486, %add3A_485, %dma_start3A_487] : memref<4x4096x1024xf32, #tpu.memory_space<hbm>> -> memref<1x16x1024xf32, #tpu.memory_space<hbm>>
    %dma_start3A_489 = tpu.memref_squeeze %dma_start3A_488 : memref<1x16x1024xf32, #tpu.memory_space<hbm>> -> memref<16x1024xf32, #tpu.memory_space<hbm>>
    %dma_start3A_490 = arith.constant 0 : i32
    %dma_start3A_491 = tpu.memref_slice %arg2[%dma_start3A_486, %add3A_485, %dma_start3A_490] : memref<4x4096x1024xf32, #tpu.memory_space<hbm>> -> memref<1x16x1024xf32, #tpu.memory_space<hbm>>
    %dma_start3A_492 = tpu.memref_squeeze %dma_start3A_491 : memref<1x16x1024xf32, #tpu.memory_space<hbm>> -> memref<16x1024xf32, #tpu.memory_space<hbm>>
    tpu.enqueue_dma source(%dma_start3A_492 : memref<16x1024xf32, #tpu.memory_space<hbm>>) target(%arg6 : memref<16x1024xf32, #tpu.memory_space<vmem>>) target_semaphore(%arg11 : memref<!tpu.dma_semaphore, #tpu.memory_space<semaphore_mem>>)
    %dma_wait3A_493 = arith.constant 2 : i32
    %dma_wait3A_494 = arith.constant 0 : i32
    %dma_wait3A_495 = tpu.memref_slice %arg2[%dma_wait3A_493, %add3A_387, %dma_wait3A_494] : memref<4x4096x1024xf32, #tpu.memory_space<hbm>> -> memref<1x16x1024xf32, #tpu.memory_space<hbm>>
    %dma_wait3A_496 = tpu.memref_squeeze %dma_wait3A_495 : memref<1x16x1024xf32, #tpu.memory_space<hbm>> -> memref<16x1024xf32, #tpu.memory_space<hbm>>
    %dma_wait3A_497 = arith.constant 0 : i32
    %dma_wait3A_498 = tpu.memref_slice %arg2[%dma_wait3A_493, %add3A_387, %dma_wait3A_497] : memref<4x4096x1024xf32, #tpu.memory_space<hbm>> -> memref<1x16x1024xf32, #tpu.memory_space<hbm>>
    %dma_wait3A_499 = tpu.memref_squeeze %dma_wait3A_498 : memref<1x16x1024xf32, #tpu.memory_space<hbm>> -> memref<16x1024xf32, #tpu.memory_space<hbm>>
    tpu.wait_dma2 semaphore(%arg12 : memref<!tpu.dma_semaphore, #tpu.memory_space<semaphore_mem>>) src(%dma_wait3A_499 : memref<16x1024xf32, #tpu.memory_space<hbm>>) dst(%arg7 : memref<16x1024xf32, #tpu.memory_space<vmem>>)
    %add3A_500 = arith.constant 48 : i32
    %add3A_501 = arith.addi %mul3A_2, %add3A_500 : i32
    %dma_start3A_502 = arith.constant 2 : i32
    %dma_start3A_503 = arith.constant 0 : i32
    %dma_start3A_504 = tpu.memref_slice %arg4[%dma_start3A_502, %add3A_501, %dma_start3A_503] : memref<4x4096x1024xf32, #tpu.memory_space<hbm>> -> memref<1x16x1024xf32, #tpu.memory_space<hbm>>
    %dma_start3A_505 = tpu.memref_squeeze %dma_start3A_504 : memref<1x16x1024xf32, #tpu.memory_space<hbm>> -> memref<16x1024xf32, #tpu.memory_space<hbm>>
    %dma_start3A_506 = arith.constant 0 : i32
    %dma_start3A_507 = tpu.memref_slice %arg4[%dma_start3A_502, %add3A_501, %dma_start3A_506] : memref<4x4096x1024xf32, #tpu.memory_space<hbm>> -> memref<1x16x1024xf32, #tpu.memory_space<hbm>>
    %dma_start3A_508 = tpu.memref_squeeze %dma_start3A_507 : memref<1x16x1024xf32, #tpu.memory_space<hbm>> -> memref<16x1024xf32, #tpu.memory_space<hbm>>
    tpu.enqueue_dma source(%arg7 : memref<16x1024xf32, #tpu.memory_space<vmem>>) target(%dma_start3A_508 : memref<16x1024xf32, #tpu.memory_space<hbm>>) target_semaphore(%arg16 : memref<!tpu.dma_semaphore, #tpu.memory_space<semaphore_mem>>)
    %dma_wait3A_509 = arith.constant 2 : i32
    %dma_wait3A_510 = arith.constant 0 : i32
    %dma_wait3A_511 = tpu.memref_slice %arg4[%dma_wait3A_509, %add3A_501, %dma_wait3A_510] : memref<4x4096x1024xf32, #tpu.memory_space<hbm>> -> memref<1x16x1024xf32, #tpu.memory_space<hbm>>
    %dma_wait3A_512 = tpu.memref_squeeze %dma_wait3A_511 : memref<1x16x1024xf32, #tpu.memory_space<hbm>> -> memref<16x1024xf32, #tpu.memory_space<hbm>>
    %dma_wait3A_513 = arith.constant 0 : i32
    %dma_wait3A_514 = tpu.memref_slice %arg4[%dma_wait3A_509, %add3A_501, %dma_wait3A_513] : memref<4x4096x1024xf32, #tpu.memory_space<hbm>> -> memref<1x16x1024xf32, #tpu.memory_space<hbm>>
    %dma_wait3A_515 = tpu.memref_squeeze %dma_wait3A_514 : memref<1x16x1024xf32, #tpu.memory_space<hbm>> -> memref<16x1024xf32, #tpu.memory_space<hbm>>
    tpu.wait_dma2 semaphore(%arg16 : memref<!tpu.dma_semaphore, #tpu.memory_space<semaphore_mem>>) src(%arg7 : memref<16x1024xf32, #tpu.memory_space<vmem>>) dst(%dma_wait3A_515 : memref<16x1024xf32, #tpu.memory_space<hbm>>)
    %add3A_516 = arith.constant 64 : i32
    %add3A_517 = arith.addi %mul3A_2, %add3A_516 : i32
    %dma_start3A_518 = arith.constant 2 : i32
    %dma_start3A_519 = arith.constant 0 : i32
    %dma_start3A_520 = tpu.memref_slice %arg2[%dma_start3A_518, %add3A_517, %dma_start3A_519] : memref<4x4096x1024xf32, #tpu.memory_space<hbm>> -> memref<1x16x1024xf32, #tpu.memory_space<hbm>>
    %dma_start3A_521 = tpu.memref_squeeze %dma_start3A_520 : memref<1x16x1024xf32, #tpu.memory_space<hbm>> -> memref<16x1024xf32, #tpu.memory_space<hbm>>
    %dma_start3A_522 = arith.constant 0 : i32
    %dma_start3A_523 = tpu.memref_slice %arg2[%dma_start3A_518, %add3A_517, %dma_start3A_522] : memref<4x4096x1024xf32, #tpu.memory_space<hbm>> -> memref<1x16x1024xf32, #tpu.memory_space<hbm>>
    %dma_start3A_524 = tpu.memref_squeeze %dma_start3A_523 : memref<1x16x1024xf32, #tpu.memory_space<hbm>> -> memref<16x1024xf32, #tpu.memory_space<hbm>>
    tpu.enqueue_dma source(%dma_start3A_524 : memref<16x1024xf32, #tpu.memory_space<hbm>>) target(%arg7 : memref<16x1024xf32, #tpu.memory_space<vmem>>) target_semaphore(%arg12 : memref<!tpu.dma_semaphore, #tpu.memory_space<semaphore_mem>>)
    %dma_wait3A_525 = arith.constant 3 : i32
    %dma_wait3A_526 = arith.constant 0 : i32
    %dma_wait3A_527 = tpu.memref_slice %arg2[%dma_wait3A_525, %add3A_421, %dma_wait3A_526] : memref<4x4096x1024xf32, #tpu.memory_space<hbm>> -> memref<1x16x1024xf32, #tpu.memory_space<hbm>>
    %dma_wait3A_528 = tpu.memref_squeeze %dma_wait3A_527 : memref<1x16x1024xf32, #tpu.memory_space<hbm>> -> memref<16x1024xf32, #tpu.memory_space<hbm>>
    %dma_wait3A_529 = arith.constant 0 : i32
    %dma_wait3A_530 = tpu.memref_slice %arg2[%dma_wait3A_525, %add3A_421, %dma_wait3A_529] : memref<4x4096x1024xf32, #tpu.memory_space<hbm>> -> memref<1x16x1024xf32, #tpu.memory_space<hbm>>
    %dma_wait3A_531 = tpu.memref_squeeze %dma_wait3A_530 : memref<1x16x1024xf32, #tpu.memory_space<hbm>> -> memref<16x1024xf32, #tpu.memory_space<hbm>>
    tpu.wait_dma2 semaphore(%arg13 : memref<!tpu.dma_semaphore, #tpu.memory_space<semaphore_mem>>) src(%dma_wait3A_531 : memref<16x1024xf32, #tpu.memory_space<hbm>>) dst(%arg8 : memref<16x1024xf32, #tpu.memory_space<vmem>>)
    %add3A_532 = arith.constant 48 : i32
    %add3A_533 = arith.addi %mul3A_2, %add3A_532 : i32
    %dma_start3A_534 = arith.constant 3 : i32
    %dma_start3A_535 = arith.constant 0 : i32
    %dma_start3A_536 = tpu.memref_slice %arg4[%dma_start3A_534, %add3A_533, %dma_start3A_535] : memref<4x4096x1024xf32, #tpu.memory_space<hbm>> -> memref<1x16x1024xf32, #tpu.memory_space<hbm>>
    %dma_start3A_537 = tpu.memref_squeeze %dma_start3A_536 : memref<1x16x1024xf32, #tpu.memory_space<hbm>> -> memref<16x1024xf32, #tpu.memory_space<hbm>>
    %dma_start3A_538 = arith.constant 0 : i32
    %dma_start3A_539 = tpu.memref_slice %arg4[%dma_start3A_534, %add3A_533, %dma_start3A_538] : memref<4x4096x1024xf32, #tpu.memory_space<hbm>> -> memref<1x16x1024xf32, #tpu.memory_space<hbm>>
    %dma_start3A_540 = tpu.memref_squeeze %dma_start3A_539 : memref<1x16x1024xf32, #tpu.memory_space<hbm>> -> memref<16x1024xf32, #tpu.memory_space<hbm>>
    tpu.enqueue_dma source(%arg8 : memref<16x1024xf32, #tpu.memory_space<vmem>>) target(%dma_start3A_540 : memref<16x1024xf32, #tpu.memory_space<hbm>>) target_semaphore(%arg17 : memref<!tpu.dma_semaphore, #tpu.memory_space<semaphore_mem>>)
    %add3A_541 = arith.constant 64 : i32
    %add3A_542 = arith.addi %mul3A_2, %add3A_541 : i32
    "tpu.region"() ({
      %run_scoped3A = tpu.sem_alloc : memref<!tpu.dma_semaphore, #tpu.memory_space<semaphore_mem>>
      %dma_start3A_1034 = arith.constant 0 : i32
      %dma_start3A_1035 = tpu.memref_slice %arg3[%add3A_542, %dma_start3A_1034] : memref<8192x1024xf32, #tpu.memory_space<hbm>> -> memref<16x1024xf32, #tpu.memory_space<hbm>>
      %dma_start3A_1036 = arith.constant 0 : i32
      %dma_start3A_1037 = tpu.memref_slice %arg3[%add3A_542, %dma_start3A_1036] : memref<8192x1024xf32, #tpu.memory_space<hbm>> -> memref<16x1024xf32, #tpu.memory_space<hbm>>
      tpu.enqueue_dma source(%dma_start3A_1037 : memref<16x1024xf32, #tpu.memory_space<hbm>>) target(%arg9 : memref<16x1024xf32, #tpu.memory_space<vmem>>) target_semaphore(%run_scoped3A : memref<!tpu.dma_semaphore, #tpu.memory_space<semaphore_mem>>)
      %dma_wait3A_1038 = arith.constant 0 : i32
      %dma_wait3A_1039 = tpu.memref_slice %arg3[%add3A_542, %dma_wait3A_1038] : memref<8192x1024xf32, #tpu.memory_space<hbm>> -> memref<16x1024xf32, #tpu.memory_space<hbm>>
      %dma_wait3A_1040 = arith.constant 0 : i32
      %dma_wait3A_1041 = tpu.memref_slice %arg3[%add3A_542, %dma_wait3A_1040] : memref<8192x1024xf32, #tpu.memory_space<hbm>> -> memref<16x1024xf32, #tpu.memory_space<hbm>>
      tpu.wait_dma2 semaphore(%run_scoped3A : memref<!tpu.dma_semaphore, #tpu.memory_space<semaphore_mem>>) src(%dma_wait3A_1041 : memref<16x1024xf32, #tpu.memory_space<hbm>>) dst(%arg9 : memref<16x1024xf32, #tpu.memory_space<vmem>>)
      tpu.yield
    }) : () -> ()
    %dma_wait3A_543 = arith.constant 3 : i32
    %dma_wait3A_544 = arith.constant 0 : i32
    %dma_wait3A_545 = tpu.memref_slice %arg4[%dma_wait3A_543, %add3A_533, %dma_wait3A_544] : memref<4x4096x1024xf32, #tpu.memory_space<hbm>> -> memref<1x16x1024xf32, #tpu.memory_space<hbm>>
    %dma_wait3A_546 = tpu.memref_squeeze %dma_wait3A_545 : memref<1x16x1024xf32, #tpu.memory_space<hbm>> -> memref<16x1024xf32, #tpu.memory_space<hbm>>
    %dma_wait3A_547 = arith.constant 0 : i32
    %dma_wait3A_548 = tpu.memref_slice %arg4[%dma_wait3A_543, %add3A_533, %dma_wait3A_547] : memref<4x4096x1024xf32, #tpu.memory_space<hbm>> -> memref<1x16x1024xf32, #tpu.memory_space<hbm>>
    %dma_wait3A_549 = tpu.memref_squeeze %dma_wait3A_548 : memref<1x16x1024xf32, #tpu.memory_space<hbm>> -> memref<16x1024xf32, #tpu.memory_space<hbm>>
    tpu.wait_dma2 semaphore(%arg17 : memref<!tpu.dma_semaphore, #tpu.memory_space<semaphore_mem>>) src(%arg8 : memref<16x1024xf32, #tpu.memory_space<vmem>>) dst(%dma_wait3A_549 : memref<16x1024xf32, #tpu.memory_space<hbm>>)
    %add3A_550 = arith.constant 64 : i32
    %add3A_551 = arith.addi %mul3A_2, %add3A_550 : i32
    %dma_start3A_552 = arith.constant 3 : i32
    %dma_start3A_553 = arith.constant 0 : i32
    %dma_start3A_554 = tpu.memref_slice %arg2[%dma_start3A_552, %add3A_551, %dma_start3A_553] : memref<4x4096x1024xf32, #tpu.memory_space<hbm>> -> memref<1x16x1024xf32, #tpu.memory_space<hbm>>
    %dma_start3A_555 = tpu.memref_squeeze %dma_start3A_554 : memref<1x16x1024xf32, #tpu.memory_space<hbm>> -> memref<16x1024xf32, #tpu.memory_space<hbm>>
    %dma_start3A_556 = arith.constant 0 : i32
    %dma_start3A_557 = tpu.memref_slice %arg2[%dma_start3A_552, %add3A_551, %dma_start3A_556] : memref<4x4096x1024xf32, #tpu.memory_space<hbm>> -> memref<1x16x1024xf32, #tpu.memory_space<hbm>>
    %dma_start3A_558 = tpu.memref_squeeze %dma_start3A_557 : memref<1x16x1024xf32, #tpu.memory_space<hbm>> -> memref<16x1024xf32, #tpu.memory_space<hbm>>
    tpu.enqueue_dma source(%dma_start3A_558 : memref<16x1024xf32, #tpu.memory_space<hbm>>) target(%arg8 : memref<16x1024xf32, #tpu.memory_space<vmem>>) target_semaphore(%arg13 : memref<!tpu.dma_semaphore, #tpu.memory_space<semaphore_mem>>)
    %dma_wait3A_559 = arith.constant 0 : i32
    %dma_wait3A_560 = arith.constant 0 : i32
    %dma_wait3A_561 = tpu.memref_slice %arg2[%dma_wait3A_559, %add3A_453, %dma_wait3A_560] : memref<4x4096x1024xf32, #tpu.memory_space<hbm>> -> memref<1x16x1024xf32, #tpu.memory_space<hbm>>
    %dma_wait3A_562 = tpu.memref_squeeze %dma_wait3A_561 : memref<1x16x1024xf32, #tpu.memory_space<hbm>> -> memref<16x1024xf32, #tpu.memory_space<hbm>>
    %dma_wait3A_563 = arith.constant 0 : i32
    %dma_wait3A_564 = tpu.memref_slice %arg2[%dma_wait3A_559, %add3A_453, %dma_wait3A_563] : memref<4x4096x1024xf32, #tpu.memory_space<hbm>> -> memref<1x16x1024xf32, #tpu.memory_space<hbm>>
    %dma_wait3A_565 = tpu.memref_squeeze %dma_wait3A_564 : memref<1x16x1024xf32, #tpu.memory_space<hbm>> -> memref<16x1024xf32, #tpu.memory_space<hbm>>
    tpu.wait_dma2 semaphore(%arg10 : memref<!tpu.dma_semaphore, #tpu.memory_space<semaphore_mem>>) src(%dma_wait3A_565 : memref<16x1024xf32, #tpu.memory_space<hbm>>) dst(%arg5 : memref<16x1024xf32, #tpu.memory_space<vmem>>)
    %add3A_566 = arith.constant 64 : i32
    %add3A_567 = arith.addi %mul3A_2, %add3A_566 : i32
    %dma_start3A_568 = arith.constant 0 : i32
    %dma_start3A_569 = arith.constant 0 : i32
    %dma_start3A_570 = tpu.memref_slice %arg4[%dma_start3A_568, %add3A_567, %dma_start3A_569] : memref<4x4096x1024xf32, #tpu.memory_space<hbm>> -> memref<1x16x1024xf32, #tpu.memory_space<hbm>>
    %dma_start3A_571 = tpu.memref_squeeze %dma_start3A_570 : memref<1x16x1024xf32, #tpu.memory_space<hbm>> -> memref<16x1024xf32, #tpu.memory_space<hbm>>
    %dma_start3A_572 = arith.constant 0 : i32
    %dma_start3A_573 = tpu.memref_slice %arg4[%dma_start3A_568, %add3A_567, %dma_start3A_572] : memref<4x4096x1024xf32, #tpu.memory_space<hbm>> -> memref<1x16x1024xf32, #tpu.memory_space<hbm>>
    %dma_start3A_574 = tpu.memref_squeeze %dma_start3A_573 : memref<1x16x1024xf32, #tpu.memory_space<hbm>> -> memref<16x1024xf32, #tpu.memory_space<hbm>>
    tpu.enqueue_dma source(%arg5 : memref<16x1024xf32, #tpu.memory_space<vmem>>) target(%dma_start3A_574 : memref<16x1024xf32, #tpu.memory_space<hbm>>) target_semaphore(%arg14 : memref<!tpu.dma_semaphore, #tpu.memory_space<semaphore_mem>>)
    %dma_wait3A_575 = arith.constant 0 : i32
    %dma_wait3A_576 = arith.constant 0 : i32
    %dma_wait3A_577 = tpu.memref_slice %arg4[%dma_wait3A_575, %add3A_567, %dma_wait3A_576] : memref<4x4096x1024xf32, #tpu.memory_space<hbm>> -> memref<1x16x1024xf32, #tpu.memory_space<hbm>>
    %dma_wait3A_578 = tpu.memref_squeeze %dma_wait3A_577 : memref<1x16x1024xf32, #tpu.memory_space<hbm>> -> memref<16x1024xf32, #tpu.memory_space<hbm>>
    %dma_wait3A_579 = arith.constant 0 : i32
    %dma_wait3A_580 = tpu.memref_slice %arg4[%dma_wait3A_575, %add3A_567, %dma_wait3A_579] : memref<4x4096x1024xf32, #tpu.memory_space<hbm>> -> memref<1x16x1024xf32, #tpu.memory_space<hbm>>
    %dma_wait3A_581 = tpu.memref_squeeze %dma_wait3A_580 : memref<1x16x1024xf32, #tpu.memory_space<hbm>> -> memref<16x1024xf32, #tpu.memory_space<hbm>>
    tpu.wait_dma2 semaphore(%arg14 : memref<!tpu.dma_semaphore, #tpu.memory_space<semaphore_mem>>) src(%arg5 : memref<16x1024xf32, #tpu.memory_space<vmem>>) dst(%dma_wait3A_581 : memref<16x1024xf32, #tpu.memory_space<hbm>>)
    %add3A_582 = arith.constant 80 : i32
    %add3A_583 = arith.addi %mul3A_2, %add3A_582 : i32
    %dma_start3A_584 = arith.constant 0 : i32
    %dma_start3A_585 = arith.constant 0 : i32
    %dma_start3A_586 = tpu.memref_slice %arg2[%dma_start3A_584, %add3A_583, %dma_start3A_585] : memref<4x4096x1024xf32, #tpu.memory_space<hbm>> -> memref<1x16x1024xf32, #tpu.memory_space<hbm>>
    %dma_start3A_587 = tpu.memref_squeeze %dma_start3A_586 : memref<1x16x1024xf32, #tpu.memory_space<hbm>> -> memref<16x1024xf32, #tpu.memory_space<hbm>>
    %dma_start3A_588 = arith.constant 0 : i32
    %dma_start3A_589 = tpu.memref_slice %arg2[%dma_start3A_584, %add3A_583, %dma_start3A_588] : memref<4x4096x1024xf32, #tpu.memory_space<hbm>> -> memref<1x16x1024xf32, #tpu.memory_space<hbm>>
    %dma_start3A_590 = tpu.memref_squeeze %dma_start3A_589 : memref<1x16x1024xf32, #tpu.memory_space<hbm>> -> memref<16x1024xf32, #tpu.memory_space<hbm>>
    tpu.enqueue_dma source(%dma_start3A_590 : memref<16x1024xf32, #tpu.memory_space<hbm>>) target(%arg5 : memref<16x1024xf32, #tpu.memory_space<vmem>>) target_semaphore(%arg10 : memref<!tpu.dma_semaphore, #tpu.memory_space<semaphore_mem>>)
    %dma_wait3A_591 = arith.constant 1 : i32
    %dma_wait3A_592 = arith.constant 0 : i32
    %dma_wait3A_593 = tpu.memref_slice %arg2[%dma_wait3A_591, %add3A_485, %dma_wait3A_592] : memref<4x4096x1024xf32, #tpu.memory_space<hbm>> -> memref<1x16x1024xf32, #tpu.memory_space<hbm>>
    %dma_wait3A_594 = tpu.memref_squeeze %dma_wait3A_593 : memref<1x16x1024xf32, #tpu.memory_space<hbm>> -> memref<16x1024xf32, #tpu.memory_space<hbm>>
    %dma_wait3A_595 = arith.constant 0 : i32
    %dma_wait3A_596 = tpu.memref_slice %arg2[%dma_wait3A_591, %add3A_485, %dma_wait3A_595] : memref<4x4096x1024xf32, #tpu.memory_space<hbm>> -> memref<1x16x1024xf32, #tpu.memory_space<hbm>>
    %dma_wait3A_597 = tpu.memref_squeeze %dma_wait3A_596 : memref<1x16x1024xf32, #tpu.memory_space<hbm>> -> memref<16x1024xf32, #tpu.memory_space<hbm>>
    tpu.wait_dma2 semaphore(%arg11 : memref<!tpu.dma_semaphore, #tpu.memory_space<semaphore_mem>>) src(%dma_wait3A_597 : memref<16x1024xf32, #tpu.memory_space<hbm>>) dst(%arg6 : memref<16x1024xf32, #tpu.memory_space<vmem>>)
    %add3A_598 = arith.constant 64 : i32
    %add3A_599 = arith.addi %mul3A_2, %add3A_598 : i32
    %dma_start3A_600 = arith.constant 1 : i32
    %dma_start3A_601 = arith.constant 0 : i32
    %dma_start3A_602 = tpu.memref_slice %arg4[%dma_start3A_600, %add3A_599, %dma_start3A_601] : memref<4x4096x1024xf32, #tpu.memory_space<hbm>> -> memref<1x16x1024xf32, #tpu.memory_space<hbm>>
    %dma_start3A_603 = tpu.memref_squeeze %dma_start3A_602 : memref<1x16x1024xf32, #tpu.memory_space<hbm>> -> memref<16x1024xf32, #tpu.memory_space<hbm>>
    %dma_start3A_604 = arith.constant 0 : i32
    %dma_start3A_605 = tpu.memref_slice %arg4[%dma_start3A_600, %add3A_599, %dma_start3A_604] : memref<4x4096x1024xf32, #tpu.memory_space<hbm>> -> memref<1x16x1024xf32, #tpu.memory_space<hbm>>
    %dma_start3A_606 = tpu.memref_squeeze %dma_start3A_605 : memref<1x16x1024xf32, #tpu.memory_space<hbm>> -> memref<16x1024xf32, #tpu.memory_space<hbm>>
    tpu.enqueue_dma source(%arg6 : memref<16x1024xf32, #tpu.memory_space<vmem>>) target(%dma_start3A_606 : memref<16x1024xf32, #tpu.memory_space<hbm>>) target_semaphore(%arg15 : memref<!tpu.dma_semaphore, #tpu.memory_space<semaphore_mem>>)
    %dma_wait3A_607 = arith.constant 1 : i32
    %dma_wait3A_608 = arith.constant 0 : i32
    %dma_wait3A_609 = tpu.memref_slice %arg4[%dma_wait3A_607, %add3A_599, %dma_wait3A_608] : memref<4x4096x1024xf32, #tpu.memory_space<hbm>> -> memref<1x16x1024xf32, #tpu.memory_space<hbm>>
    %dma_wait3A_610 = tpu.memref_squeeze %dma_wait3A_609 : memref<1x16x1024xf32, #tpu.memory_space<hbm>> -> memref<16x1024xf32, #tpu.memory_space<hbm>>
    %dma_wait3A_611 = arith.constant 0 : i32
    %dma_wait3A_612 = tpu.memref_slice %arg4[%dma_wait3A_607, %add3A_599, %dma_wait3A_611] : memref<4x4096x1024xf32, #tpu.memory_space<hbm>> -> memref<1x16x1024xf32, #tpu.memory_space<hbm>>
    %dma_wait3A_613 = tpu.memref_squeeze %dma_wait3A_612 : memref<1x16x1024xf32, #tpu.memory_space<hbm>> -> memref<16x1024xf32, #tpu.memory_space<hbm>>
    tpu.wait_dma2 semaphore(%arg15 : memref<!tpu.dma_semaphore, #tpu.memory_space<semaphore_mem>>) src(%arg6 : memref<16x1024xf32, #tpu.memory_space<vmem>>) dst(%dma_wait3A_613 : memref<16x1024xf32, #tpu.memory_space<hbm>>)
    %add3A_614 = arith.constant 80 : i32
    %add3A_615 = arith.addi %mul3A_2, %add3A_614 : i32
    %dma_start3A_616 = arith.constant 1 : i32
    %dma_start3A_617 = arith.constant 0 : i32
    %dma_start3A_618 = tpu.memref_slice %arg2[%dma_start3A_616, %add3A_615, %dma_start3A_617] : memref<4x4096x1024xf32, #tpu.memory_space<hbm>> -> memref<1x16x1024xf32, #tpu.memory_space<hbm>>
    %dma_start3A_619 = tpu.memref_squeeze %dma_start3A_618 : memref<1x16x1024xf32, #tpu.memory_space<hbm>> -> memref<16x1024xf32, #tpu.memory_space<hbm>>
    %dma_start3A_620 = arith.constant 0 : i32
    %dma_start3A_621 = tpu.memref_slice %arg2[%dma_start3A_616, %add3A_615, %dma_start3A_620] : memref<4x4096x1024xf32, #tpu.memory_space<hbm>> -> memref<1x16x1024xf32, #tpu.memory_space<hbm>>
    %dma_start3A_622 = tpu.memref_squeeze %dma_start3A_621 : memref<1x16x1024xf32, #tpu.memory_space<hbm>> -> memref<16x1024xf32, #tpu.memory_space<hbm>>
    tpu.enqueue_dma source(%dma_start3A_622 : memref<16x1024xf32, #tpu.memory_space<hbm>>) target(%arg6 : memref<16x1024xf32, #tpu.memory_space<vmem>>) target_semaphore(%arg11 : memref<!tpu.dma_semaphore, #tpu.memory_space<semaphore_mem>>)
    %dma_wait3A_623 = arith.constant 2 : i32
    %dma_wait3A_624 = arith.constant 0 : i32
    %dma_wait3A_625 = tpu.memref_slice %arg2[%dma_wait3A_623, %add3A_517, %dma_wait3A_624] : memref<4x4096x1024xf32, #tpu.memory_space<hbm>> -> memref<1x16x1024xf32, #tpu.memory_space<hbm>>
    %dma_wait3A_626 = tpu.memref_squeeze %dma_wait3A_625 : memref<1x16x1024xf32, #tpu.memory_space<hbm>> -> memref<16x1024xf32, #tpu.memory_space<hbm>>
    %dma_wait3A_627 = arith.constant 0 : i32
    %dma_wait3A_628 = tpu.memref_slice %arg2[%dma_wait3A_623, %add3A_517, %dma_wait3A_627] : memref<4x4096x1024xf32, #tpu.memory_space<hbm>> -> memref<1x16x1024xf32, #tpu.memory_space<hbm>>
    %dma_wait3A_629 = tpu.memref_squeeze %dma_wait3A_628 : memref<1x16x1024xf32, #tpu.memory_space<hbm>> -> memref<16x1024xf32, #tpu.memory_space<hbm>>
    tpu.wait_dma2 semaphore(%arg12 : memref<!tpu.dma_semaphore, #tpu.memory_space<semaphore_mem>>) src(%dma_wait3A_629 : memref<16x1024xf32, #tpu.memory_space<hbm>>) dst(%arg7 : memref<16x1024xf32, #tpu.memory_space<vmem>>)
    %add3A_630 = arith.constant 64 : i32
    %add3A_631 = arith.addi %mul3A_2, %add3A_630 : i32
    %dma_start3A_632 = arith.constant 2 : i32
    %dma_start3A_633 = arith.constant 0 : i32
    %dma_start3A_634 = tpu.memref_slice %arg4[%dma_start3A_632, %add3A_631, %dma_start3A_633] : memref<4x4096x1024xf32, #tpu.memory_space<hbm>> -> memref<1x16x1024xf32, #tpu.memory_space<hbm>>
    %dma_start3A_635 = tpu.memref_squeeze %dma_start3A_634 : memref<1x16x1024xf32, #tpu.memory_space<hbm>> -> memref<16x1024xf32, #tpu.memory_space<hbm>>
    %dma_start3A_636 = arith.constant 0 : i32
    %dma_start3A_637 = tpu.memref_slice %arg4[%dma_start3A_632, %add3A_631, %dma_start3A_636] : memref<4x4096x1024xf32, #tpu.memory_space<hbm>> -> memref<1x16x1024xf32, #tpu.memory_space<hbm>>
    %dma_start3A_638 = tpu.memref_squeeze %dma_start3A_637 : memref<1x16x1024xf32, #tpu.memory_space<hbm>> -> memref<16x1024xf32, #tpu.memory_space<hbm>>
    tpu.enqueue_dma source(%arg7 : memref<16x1024xf32, #tpu.memory_space<vmem>>) target(%dma_start3A_638 : memref<16x1024xf32, #tpu.memory_space<hbm>>) target_semaphore(%arg16 : memref<!tpu.dma_semaphore, #tpu.memory_space<semaphore_mem>>)
    %dma_wait3A_639 = arith.constant 2 : i32
    %dma_wait3A_640 = arith.constant 0 : i32
    %dma_wait3A_641 = tpu.memref_slice %arg4[%dma_wait3A_639, %add3A_631, %dma_wait3A_640] : memref<4x4096x1024xf32, #tpu.memory_space<hbm>> -> memref<1x16x1024xf32, #tpu.memory_space<hbm>>
    %dma_wait3A_642 = tpu.memref_squeeze %dma_wait3A_641 : memref<1x16x1024xf32, #tpu.memory_space<hbm>> -> memref<16x1024xf32, #tpu.memory_space<hbm>>
    %dma_wait3A_643 = arith.constant 0 : i32
    %dma_wait3A_644 = tpu.memref_slice %arg4[%dma_wait3A_639, %add3A_631, %dma_wait3A_643] : memref<4x4096x1024xf32, #tpu.memory_space<hbm>> -> memref<1x16x1024xf32, #tpu.memory_space<hbm>>
    %dma_wait3A_645 = tpu.memref_squeeze %dma_wait3A_644 : memref<1x16x1024xf32, #tpu.memory_space<hbm>> -> memref<16x1024xf32, #tpu.memory_space<hbm>>
    tpu.wait_dma2 semaphore(%arg16 : memref<!tpu.dma_semaphore, #tpu.memory_space<semaphore_mem>>) src(%arg7 : memref<16x1024xf32, #tpu.memory_space<vmem>>) dst(%dma_wait3A_645 : memref<16x1024xf32, #tpu.memory_space<hbm>>)
    %add3A_646 = arith.constant 80 : i32
    %add3A_647 = arith.addi %mul3A_2, %add3A_646 : i32
    %dma_start3A_648 = arith.constant 2 : i32
    %dma_start3A_649 = arith.constant 0 : i32
    %dma_start3A_650 = tpu.memref_slice %arg2[%dma_start3A_648, %add3A_647, %dma_start3A_649] : memref<4x4096x1024xf32, #tpu.memory_space<hbm>> -> memref<1x16x1024xf32, #tpu.memory_space<hbm>>
    %dma_start3A_651 = tpu.memref_squeeze %dma_start3A_650 : memref<1x16x1024xf32, #tpu.memory_space<hbm>> -> memref<16x1024xf32, #tpu.memory_space<hbm>>
    %dma_start3A_652 = arith.constant 0 : i32
    %dma_start3A_653 = tpu.memref_slice %arg2[%dma_start3A_648, %add3A_647, %dma_start3A_652] : memref<4x4096x1024xf32, #tpu.memory_space<hbm>> -> memref<1x16x1024xf32, #tpu.memory_space<hbm>>
    %dma_start3A_654 = tpu.memref_squeeze %dma_start3A_653 : memref<1x16x1024xf32, #tpu.memory_space<hbm>> -> memref<16x1024xf32, #tpu.memory_space<hbm>>
    tpu.enqueue_dma source(%dma_start3A_654 : memref<16x1024xf32, #tpu.memory_space<hbm>>) target(%arg7 : memref<16x1024xf32, #tpu.memory_space<vmem>>) target_semaphore(%arg12 : memref<!tpu.dma_semaphore, #tpu.memory_space<semaphore_mem>>)
    %dma_wait3A_655 = arith.constant 3 : i32
    %dma_wait3A_656 = arith.constant 0 : i32
    %dma_wait3A_657 = tpu.memref_slice %arg2[%dma_wait3A_655, %add3A_551, %dma_wait3A_656] : memref<4x4096x1024xf32, #tpu.memory_space<hbm>> -> memref<1x16x1024xf32, #tpu.memory_space<hbm>>
    %dma_wait3A_658 = tpu.memref_squeeze %dma_wait3A_657 : memref<1x16x1024xf32, #tpu.memory_space<hbm>> -> memref<16x1024xf32, #tpu.memory_space<hbm>>
    %dma_wait3A_659 = arith.constant 0 : i32
    %dma_wait3A_660 = tpu.memref_slice %arg2[%dma_wait3A_655, %add3A_551, %dma_wait3A_659] : memref<4x4096x1024xf32, #tpu.memory_space<hbm>> -> memref<1x16x1024xf32, #tpu.memory_space<hbm>>
    %dma_wait3A_661 = tpu.memref_squeeze %dma_wait3A_660 : memref<1x16x1024xf32, #tpu.memory_space<hbm>> -> memref<16x1024xf32, #tpu.memory_space<hbm>>
    tpu.wait_dma2 semaphore(%arg13 : memref<!tpu.dma_semaphore, #tpu.memory_space<semaphore_mem>>) src(%dma_wait3A_661 : memref<16x1024xf32, #tpu.memory_space<hbm>>) dst(%arg8 : memref<16x1024xf32, #tpu.memory_space<vmem>>)
    %add3A_662 = arith.constant 64 : i32
    %add3A_663 = arith.addi %mul3A_2, %add3A_662 : i32
    %dma_start3A_664 = arith.constant 3 : i32
    %dma_start3A_665 = arith.constant 0 : i32
    %dma_start3A_666 = tpu.memref_slice %arg4[%dma_start3A_664, %add3A_663, %dma_start3A_665] : memref<4x4096x1024xf32, #tpu.memory_space<hbm>> -> memref<1x16x1024xf32, #tpu.memory_space<hbm>>
    %dma_start3A_667 = tpu.memref_squeeze %dma_start3A_666 : memref<1x16x1024xf32, #tpu.memory_space<hbm>> -> memref<16x1024xf32, #tpu.memory_space<hbm>>
    %dma_start3A_668 = arith.constant 0 : i32
    %dma_start3A_669 = tpu.memref_slice %arg4[%dma_start3A_664, %add3A_663, %dma_start3A_668] : memref<4x4096x1024xf32, #tpu.memory_space<hbm>> -> memref<1x16x1024xf32, #tpu.memory_space<hbm>>
    %dma_start3A_670 = tpu.memref_squeeze %dma_start3A_669 : memref<1x16x1024xf32, #tpu.memory_space<hbm>> -> memref<16x1024xf32, #tpu.memory_space<hbm>>
    tpu.enqueue_dma source(%arg8 : memref<16x1024xf32, #tpu.memory_space<vmem>>) target(%dma_start3A_670 : memref<16x1024xf32, #tpu.memory_space<hbm>>) target_semaphore(%arg17 : memref<!tpu.dma_semaphore, #tpu.memory_space<semaphore_mem>>)
    %add3A_671 = arith.constant 80 : i32
    %add3A_672 = arith.addi %mul3A_2, %add3A_671 : i32
    "tpu.region"() ({
      %run_scoped3A = tpu.sem_alloc : memref<!tpu.dma_semaphore, #tpu.memory_space<semaphore_mem>>
      %dma_start3A_1034 = arith.constant 0 : i32
      %dma_start3A_1035 = tpu.memref_slice %arg3[%add3A_672, %dma_start3A_1034] : memref<8192x1024xf32, #tpu.memory_space<hbm>> -> memref<16x1024xf32, #tpu.memory_space<hbm>>
      %dma_start3A_1036 = arith.constant 0 : i32
      %dma_start3A_1037 = tpu.memref_slice %arg3[%add3A_672, %dma_start3A_1036] : memref<8192x1024xf32, #tpu.memory_space<hbm>> -> memref<16x1024xf32, #tpu.memory_space<hbm>>
      tpu.enqueue_dma source(%dma_start3A_1037 : memref<16x1024xf32, #tpu.memory_space<hbm>>) target(%arg9 : memref<16x1024xf32, #tpu.memory_space<vmem>>) target_semaphore(%run_scoped3A : memref<!tpu.dma_semaphore, #tpu.memory_space<semaphore_mem>>)
      %dma_wait3A_1038 = arith.constant 0 : i32
      %dma_wait3A_1039 = tpu.memref_slice %arg3[%add3A_672, %dma_wait3A_1038] : memref<8192x1024xf32, #tpu.memory_space<hbm>> -> memref<16x1024xf32, #tpu.memory_space<hbm>>
      %dma_wait3A_1040 = arith.constant 0 : i32
      %dma_wait3A_1041 = tpu.memref_slice %arg3[%add3A_672, %dma_wait3A_1040] : memref<8192x1024xf32, #tpu.memory_space<hbm>> -> memref<16x1024xf32, #tpu.memory_space<hbm>>
      tpu.wait_dma2 semaphore(%run_scoped3A : memref<!tpu.dma_semaphore, #tpu.memory_space<semaphore_mem>>) src(%dma_wait3A_1041 : memref<16x1024xf32, #tpu.memory_space<hbm>>) dst(%arg9 : memref<16x1024xf32, #tpu.memory_space<vmem>>)
      tpu.yield
    }) : () -> ()
    %dma_wait3A_673 = arith.constant 3 : i32
    %dma_wait3A_674 = arith.constant 0 : i32
    %dma_wait3A_675 = tpu.memref_slice %arg4[%dma_wait3A_673, %add3A_663, %dma_wait3A_674] : memref<4x4096x1024xf32, #tpu.memory_space<hbm>> -> memref<1x16x1024xf32, #tpu.memory_space<hbm>>
    %dma_wait3A_676 = tpu.memref_squeeze %dma_wait3A_675 : memref<1x16x1024xf32, #tpu.memory_space<hbm>> -> memref<16x1024xf32, #tpu.memory_space<hbm>>
    %dma_wait3A_677 = arith.constant 0 : i32
    %dma_wait3A_678 = tpu.memref_slice %arg4[%dma_wait3A_673, %add3A_663, %dma_wait3A_677] : memref<4x4096x1024xf32, #tpu.memory_space<hbm>> -> memref<1x16x1024xf32, #tpu.memory_space<hbm>>
    %dma_wait3A_679 = tpu.memref_squeeze %dma_wait3A_678 : memref<1x16x1024xf32, #tpu.memory_space<hbm>> -> memref<16x1024xf32, #tpu.memory_space<hbm>>
    tpu.wait_dma2 semaphore(%arg17 : memref<!tpu.dma_semaphore, #tpu.memory_space<semaphore_mem>>) src(%arg8 : memref<16x1024xf32, #tpu.memory_space<vmem>>) dst(%dma_wait3A_679 : memref<16x1024xf32, #tpu.memory_space<hbm>>)
    %add3A_680 = arith.constant 80 : i32
    %add3A_681 = arith.addi %mul3A_2, %add3A_680 : i32
    %dma_start3A_682 = arith.constant 3 : i32
    %dma_start3A_683 = arith.constant 0 : i32
    %dma_start3A_684 = tpu.memref_slice %arg2[%dma_start3A_682, %add3A_681, %dma_start3A_683] : memref<4x4096x1024xf32, #tpu.memory_space<hbm>> -> memref<1x16x1024xf32, #tpu.memory_space<hbm>>
    %dma_start3A_685 = tpu.memref_squeeze %dma_start3A_684 : memref<1x16x1024xf32, #tpu.memory_space<hbm>> -> memref<16x1024xf32, #tpu.memory_space<hbm>>
    %dma_start3A_686 = arith.constant 0 : i32
    %dma_start3A_687 = tpu.memref_slice %arg2[%dma_start3A_682, %add3A_681, %dma_start3A_686] : memref<4x4096x1024xf32, #tpu.memory_space<hbm>> -> memref<1x16x1024xf32, #tpu.memory_space<hbm>>
    %dma_start3A_688 = tpu.memref_squeeze %dma_start3A_687 : memref<1x16x1024xf32, #tpu.memory_space<hbm>> -> memref<16x1024xf32, #tpu.memory_space<hbm>>
    tpu.enqueue_dma source(%dma_start3A_688 : memref<16x1024xf32, #tpu.memory_space<hbm>>) target(%arg8 : memref<16x1024xf32, #tpu.memory_space<vmem>>) target_semaphore(%arg13 : memref<!tpu.dma_semaphore, #tpu.memory_space<semaphore_mem>>)
    %dma_wait3A_689 = arith.constant 0 : i32
    %dma_wait3A_690 = arith.constant 0 : i32
    %dma_wait3A_691 = tpu.memref_slice %arg2[%dma_wait3A_689, %add3A_583, %dma_wait3A_690] : memref<4x4096x1024xf32, #tpu.memory_space<hbm>> -> memref<1x16x1024xf32, #tpu.memory_space<hbm>>
    %dma_wait3A_692 = tpu.memref_squeeze %dma_wait3A_691 : memref<1x16x1024xf32, #tpu.memory_space<hbm>> -> memref<16x1024xf32, #tpu.memory_space<hbm>>
    %dma_wait3A_693 = arith.constant 0 : i32
    %dma_wait3A_694 = tpu.memref_slice %arg2[%dma_wait3A_689, %add3A_583, %dma_wait3A_693] : memref<4x4096x1024xf32, #tpu.memory_space<hbm>> -> memref<1x16x1024xf32, #tpu.memory_space<hbm>>
    %dma_wait3A_695 = tpu.memref_squeeze %dma_wait3A_694 : memref<1x16x1024xf32, #tpu.memory_space<hbm>> -> memref<16x1024xf32, #tpu.memory_space<hbm>>
    tpu.wait_dma2 semaphore(%arg10 : memref<!tpu.dma_semaphore, #tpu.memory_space<semaphore_mem>>) src(%dma_wait3A_695 : memref<16x1024xf32, #tpu.memory_space<hbm>>) dst(%arg5 : memref<16x1024xf32, #tpu.memory_space<vmem>>)
    %add3A_696 = arith.constant 80 : i32
    %add3A_697 = arith.addi %mul3A_2, %add3A_696 : i32
    %dma_start3A_698 = arith.constant 0 : i32
    %dma_start3A_699 = arith.constant 0 : i32
    %dma_start3A_700 = tpu.memref_slice %arg4[%dma_start3A_698, %add3A_697, %dma_start3A_699] : memref<4x4096x1024xf32, #tpu.memory_space<hbm>> -> memref<1x16x1024xf32, #tpu.memory_space<hbm>>
    %dma_start3A_701 = tpu.memref_squeeze %dma_start3A_700 : memref<1x16x1024xf32, #tpu.memory_space<hbm>> -> memref<16x1024xf32, #tpu.memory_space<hbm>>
    %dma_start3A_702 = arith.constant 0 : i32
    %dma_start3A_703 = tpu.memref_slice %arg4[%dma_start3A_698, %add3A_697, %dma_start3A_702] : memref<4x4096x1024xf32, #tpu.memory_space<hbm>> -> memref<1x16x1024xf32, #tpu.memory_space<hbm>>
    %dma_start3A_704 = tpu.memref_squeeze %dma_start3A_703 : memref<1x16x1024xf32, #tpu.memory_space<hbm>> -> memref<16x1024xf32, #tpu.memory_space<hbm>>
    tpu.enqueue_dma source(%arg5 : memref<16x1024xf32, #tpu.memory_space<vmem>>) target(%dma_start3A_704 : memref<16x1024xf32, #tpu.memory_space<hbm>>) target_semaphore(%arg14 : memref<!tpu.dma_semaphore, #tpu.memory_space<semaphore_mem>>)
    %dma_wait3A_705 = arith.constant 0 : i32
    %dma_wait3A_706 = arith.constant 0 : i32
    %dma_wait3A_707 = tpu.memref_slice %arg4[%dma_wait3A_705, %add3A_697, %dma_wait3A_706] : memref<4x4096x1024xf32, #tpu.memory_space<hbm>> -> memref<1x16x1024xf32, #tpu.memory_space<hbm>>
    %dma_wait3A_708 = tpu.memref_squeeze %dma_wait3A_707 : memref<1x16x1024xf32, #tpu.memory_space<hbm>> -> memref<16x1024xf32, #tpu.memory_space<hbm>>
    %dma_wait3A_709 = arith.constant 0 : i32
    %dma_wait3A_710 = tpu.memref_slice %arg4[%dma_wait3A_705, %add3A_697, %dma_wait3A_709] : memref<4x4096x1024xf32, #tpu.memory_space<hbm>> -> memref<1x16x1024xf32, #tpu.memory_space<hbm>>
    %dma_wait3A_711 = tpu.memref_squeeze %dma_wait3A_710 : memref<1x16x1024xf32, #tpu.memory_space<hbm>> -> memref<16x1024xf32, #tpu.memory_space<hbm>>
    tpu.wait_dma2 semaphore(%arg14 : memref<!tpu.dma_semaphore, #tpu.memory_space<semaphore_mem>>) src(%arg5 : memref<16x1024xf32, #tpu.memory_space<vmem>>) dst(%dma_wait3A_711 : memref<16x1024xf32, #tpu.memory_space<hbm>>)
    %add3A_712 = arith.constant 96 : i32
    %add3A_713 = arith.addi %mul3A_2, %add3A_712 : i32
    %dma_start3A_714 = arith.constant 0 : i32
    %dma_start3A_715 = arith.constant 0 : i32
    %dma_start3A_716 = tpu.memref_slice %arg2[%dma_start3A_714, %add3A_713, %dma_start3A_715] : memref<4x4096x1024xf32, #tpu.memory_space<hbm>> -> memref<1x16x1024xf32, #tpu.memory_space<hbm>>
    %dma_start3A_717 = tpu.memref_squeeze %dma_start3A_716 : memref<1x16x1024xf32, #tpu.memory_space<hbm>> -> memref<16x1024xf32, #tpu.memory_space<hbm>>
    %dma_start3A_718 = arith.constant 0 : i32
    %dma_start3A_719 = tpu.memref_slice %arg2[%dma_start3A_714, %add3A_713, %dma_start3A_718] : memref<4x4096x1024xf32, #tpu.memory_space<hbm>> -> memref<1x16x1024xf32, #tpu.memory_space<hbm>>
    %dma_start3A_720 = tpu.memref_squeeze %dma_start3A_719 : memref<1x16x1024xf32, #tpu.memory_space<hbm>> -> memref<16x1024xf32, #tpu.memory_space<hbm>>
    tpu.enqueue_dma source(%dma_start3A_720 : memref<16x1024xf32, #tpu.memory_space<hbm>>) target(%arg5 : memref<16x1024xf32, #tpu.memory_space<vmem>>) target_semaphore(%arg10 : memref<!tpu.dma_semaphore, #tpu.memory_space<semaphore_mem>>)
    %dma_wait3A_721 = arith.constant 1 : i32
    %dma_wait3A_722 = arith.constant 0 : i32
    %dma_wait3A_723 = tpu.memref_slice %arg2[%dma_wait3A_721, %add3A_615, %dma_wait3A_722] : memref<4x4096x1024xf32, #tpu.memory_space<hbm>> -> memref<1x16x1024xf32, #tpu.memory_space<hbm>>
    %dma_wait3A_724 = tpu.memref_squeeze %dma_wait3A_723 : memref<1x16x1024xf32, #tpu.memory_space<hbm>> -> memref<16x1024xf32, #tpu.memory_space<hbm>>
    %dma_wait3A_725 = arith.constant 0 : i32
    %dma_wait3A_726 = tpu.memref_slice %arg2[%dma_wait3A_721, %add3A_615, %dma_wait3A_725] : memref<4x4096x1024xf32, #tpu.memory_space<hbm>> -> memref<1x16x1024xf32, #tpu.memory_space<hbm>>
    %dma_wait3A_727 = tpu.memref_squeeze %dma_wait3A_726 : memref<1x16x1024xf32, #tpu.memory_space<hbm>> -> memref<16x1024xf32, #tpu.memory_space<hbm>>
    tpu.wait_dma2 semaphore(%arg11 : memref<!tpu.dma_semaphore, #tpu.memory_space<semaphore_mem>>) src(%dma_wait3A_727 : memref<16x1024xf32, #tpu.memory_space<hbm>>) dst(%arg6 : memref<16x1024xf32, #tpu.memory_space<vmem>>)
    %add3A_728 = arith.constant 80 : i32
    %add3A_729 = arith.addi %mul3A_2, %add3A_728 : i32
    %dma_start3A_730 = arith.constant 1 : i32
    %dma_start3A_731 = arith.constant 0 : i32
    %dma_start3A_732 = tpu.memref_slice %arg4[%dma_start3A_730, %add3A_729, %dma_start3A_731] : memref<4x4096x1024xf32, #tpu.memory_space<hbm>> -> memref<1x16x1024xf32, #tpu.memory_space<hbm>>
    %dma_start3A_733 = tpu.memref_squeeze %dma_start3A_732 : memref<1x16x1024xf32, #tpu.memory_space<hbm>> -> memref<16x1024xf32, #tpu.memory_space<hbm>>
    %dma_start3A_734 = arith.constant 0 : i32
    %dma_start3A_735 = tpu.memref_slice %arg4[%dma_start3A_730, %add3A_729, %dma_start3A_734] : memref<4x4096x1024xf32, #tpu.memory_space<hbm>> -> memref<1x16x1024xf32, #tpu.memory_space<hbm>>
    %dma_start3A_736 = tpu.memref_squeeze %dma_start3A_735 : memref<1x16x1024xf32, #tpu.memory_space<hbm>> -> memref<16x1024xf32, #tpu.memory_space<hbm>>
    tpu.enqueue_dma source(%arg6 : memref<16x1024xf32, #tpu.memory_space<vmem>>) target(%dma_start3A_736 : memref<16x1024xf32, #tpu.memory_space<hbm>>) target_semaphore(%arg15 : memref<!tpu.dma_semaphore, #tpu.memory_space<semaphore_mem>>)
    %dma_wait3A_737 = arith.constant 1 : i32
    %dma_wait3A_738 = arith.constant 0 : i32
    %dma_wait3A_739 = tpu.memref_slice %arg4[%dma_wait3A_737, %add3A_729, %dma_wait3A_738] : memref<4x4096x1024xf32, #tpu.memory_space<hbm>> -> memref<1x16x1024xf32, #tpu.memory_space<hbm>>
    %dma_wait3A_740 = tpu.memref_squeeze %dma_wait3A_739 : memref<1x16x1024xf32, #tpu.memory_space<hbm>> -> memref<16x1024xf32, #tpu.memory_space<hbm>>
    %dma_wait3A_741 = arith.constant 0 : i32
    %dma_wait3A_742 = tpu.memref_slice %arg4[%dma_wait3A_737, %add3A_729, %dma_wait3A_741] : memref<4x4096x1024xf32, #tpu.memory_space<hbm>> -> memref<1x16x1024xf32, #tpu.memory_space<hbm>>
    %dma_wait3A_743 = tpu.memref_squeeze %dma_wait3A_742 : memref<1x16x1024xf32, #tpu.memory_space<hbm>> -> memref<16x1024xf32, #tpu.memory_space<hbm>>
    tpu.wait_dma2 semaphore(%arg15 : memref<!tpu.dma_semaphore, #tpu.memory_space<semaphore_mem>>) src(%arg6 : memref<16x1024xf32, #tpu.memory_space<vmem>>) dst(%dma_wait3A_743 : memref<16x1024xf32, #tpu.memory_space<hbm>>)
    %add3A_744 = arith.constant 96 : i32
    %add3A_745 = arith.addi %mul3A_2, %add3A_744 : i32
    %dma_start3A_746 = arith.constant 1 : i32
    %dma_start3A_747 = arith.constant 0 : i32
    %dma_start3A_748 = tpu.memref_slice %arg2[%dma_start3A_746, %add3A_745, %dma_start3A_747] : memref<4x4096x1024xf32, #tpu.memory_space<hbm>> -> memref<1x16x1024xf32, #tpu.memory_space<hbm>>
    %dma_start3A_749 = tpu.memref_squeeze %dma_start3A_748 : memref<1x16x1024xf32, #tpu.memory_space<hbm>> -> memref<16x1024xf32, #tpu.memory_space<hbm>>
    %dma_start3A_750 = arith.constant 0 : i32
    %dma_start3A_751 = tpu.memref_slice %arg2[%dma_start3A_746, %add3A_745, %dma_start3A_750] : memref<4x4096x1024xf32, #tpu.memory_space<hbm>> -> memref<1x16x1024xf32, #tpu.memory_space<hbm>>
    %dma_start3A_752 = tpu.memref_squeeze %dma_start3A_751 : memref<1x16x1024xf32, #tpu.memory_space<hbm>> -> memref<16x1024xf32, #tpu.memory_space<hbm>>
    tpu.enqueue_dma source(%dma_start3A_752 : memref<16x1024xf32, #tpu.memory_space<hbm>>) target(%arg6 : memref<16x1024xf32, #tpu.memory_space<vmem>>) target_semaphore(%arg11 : memref<!tpu.dma_semaphore, #tpu.memory_space<semaphore_mem>>)
    %dma_wait3A_753 = arith.constant 2 : i32
    %dma_wait3A_754 = arith.constant 0 : i32
    %dma_wait3A_755 = tpu.memref_slice %arg2[%dma_wait3A_753, %add3A_647, %dma_wait3A_754] : memref<4x4096x1024xf32, #tpu.memory_space<hbm>> -> memref<1x16x1024xf32, #tpu.memory_space<hbm>>
    %dma_wait3A_756 = tpu.memref_squeeze %dma_wait3A_755 : memref<1x16x1024xf32, #tpu.memory_space<hbm>> -> memref<16x1024xf32, #tpu.memory_space<hbm>>
    %dma_wait3A_757 = arith.constant 0 : i32
    %dma_wait3A_758 = tpu.memref_slice %arg2[%dma_wait3A_753, %add3A_647, %dma_wait3A_757] : memref<4x4096x1024xf32, #tpu.memory_space<hbm>> -> memref<1x16x1024xf32, #tpu.memory_space<hbm>>
    %dma_wait3A_759 = tpu.memref_squeeze %dma_wait3A_758 : memref<1x16x1024xf32, #tpu.memory_space<hbm>> -> memref<16x1024xf32, #tpu.memory_space<hbm>>
    tpu.wait_dma2 semaphore(%arg12 : memref<!tpu.dma_semaphore, #tpu.memory_space<semaphore_mem>>) src(%dma_wait3A_759 : memref<16x1024xf32, #tpu.memory_space<hbm>>) dst(%arg7 : memref<16x1024xf32, #tpu.memory_space<vmem>>)
    %add3A_760 = arith.constant 80 : i32
    %add3A_761 = arith.addi %mul3A_2, %add3A_760 : i32
    %dma_start3A_762 = arith.constant 2 : i32
    %dma_start3A_763 = arith.constant 0 : i32
    %dma_start3A_764 = tpu.memref_slice %arg4[%dma_start3A_762, %add3A_761, %dma_start3A_763] : memref<4x4096x1024xf32, #tpu.memory_space<hbm>> -> memref<1x16x1024xf32, #tpu.memory_space<hbm>>
    %dma_start3A_765 = tpu.memref_squeeze %dma_start3A_764 : memref<1x16x1024xf32, #tpu.memory_space<hbm>> -> memref<16x1024xf32, #tpu.memory_space<hbm>>
    %dma_start3A_766 = arith.constant 0 : i32
    %dma_start3A_767 = tpu.memref_slice %arg4[%dma_start3A_762, %add3A_761, %dma_start3A_766] : memref<4x4096x1024xf32, #tpu.memory_space<hbm>> -> memref<1x16x1024xf32, #tpu.memory_space<hbm>>
    %dma_start3A_768 = tpu.memref_squeeze %dma_start3A_767 : memref<1x16x1024xf32, #tpu.memory_space<hbm>> -> memref<16x1024xf32, #tpu.memory_space<hbm>>
    tpu.enqueue_dma source(%arg7 : memref<16x1024xf32, #tpu.memory_space<vmem>>) target(%dma_start3A_768 : memref<16x1024xf32, #tpu.memory_space<hbm>>) target_semaphore(%arg16 : memref<!tpu.dma_semaphore, #tpu.memory_space<semaphore_mem>>)
    %dma_wait3A_769 = arith.constant 2 : i32
    %dma_wait3A_770 = arith.constant 0 : i32
    %dma_wait3A_771 = tpu.memref_slice %arg4[%dma_wait3A_769, %add3A_761, %dma_wait3A_770] : memref<4x4096x1024xf32, #tpu.memory_space<hbm>> -> memref<1x16x1024xf32, #tpu.memory_space<hbm>>
    %dma_wait3A_772 = tpu.memref_squeeze %dma_wait3A_771 : memref<1x16x1024xf32, #tpu.memory_space<hbm>> -> memref<16x1024xf32, #tpu.memory_space<hbm>>
    %dma_wait3A_773 = arith.constant 0 : i32
    %dma_wait3A_774 = tpu.memref_slice %arg4[%dma_wait3A_769, %add3A_761, %dma_wait3A_773] : memref<4x4096x1024xf32, #tpu.memory_space<hbm>> -> memref<1x16x1024xf32, #tpu.memory_space<hbm>>
    %dma_wait3A_775 = tpu.memref_squeeze %dma_wait3A_774 : memref<1x16x1024xf32, #tpu.memory_space<hbm>> -> memref<16x1024xf32, #tpu.memory_space<hbm>>
    tpu.wait_dma2 semaphore(%arg16 : memref<!tpu.dma_semaphore, #tpu.memory_space<semaphore_mem>>) src(%arg7 : memref<16x1024xf32, #tpu.memory_space<vmem>>) dst(%dma_wait3A_775 : memref<16x1024xf32, #tpu.memory_space<hbm>>)
    %add3A_776 = arith.constant 96 : i32
    %add3A_777 = arith.addi %mul3A_2, %add3A_776 : i32
    %dma_start3A_778 = arith.constant 2 : i32
    %dma_start3A_779 = arith.constant 0 : i32
    %dma_start3A_780 = tpu.memref_slice %arg2[%dma_start3A_778, %add3A_777, %dma_start3A_779] : memref<4x4096x1024xf32, #tpu.memory_space<hbm>> -> memref<1x16x1024xf32, #tpu.memory_space<hbm>>
    %dma_start3A_781 = tpu.memref_squeeze %dma_start3A_780 : memref<1x16x1024xf32, #tpu.memory_space<hbm>> -> memref<16x1024xf32, #tpu.memory_space<hbm>>
    %dma_start3A_782 = arith.constant 0 : i32
    %dma_start3A_783 = tpu.memref_slice %arg2[%dma_start3A_778, %add3A_777, %dma_start3A_782] : memref<4x4096x1024xf32, #tpu.memory_space<hbm>> -> memref<1x16x1024xf32, #tpu.memory_space<hbm>>
    %dma_start3A_784 = tpu.memref_squeeze %dma_start3A_783 : memref<1x16x1024xf32, #tpu.memory_space<hbm>> -> memref<16x1024xf32, #tpu.memory_space<hbm>>
    tpu.enqueue_dma source(%dma_start3A_784 : memref<16x1024xf32, #tpu.memory_space<hbm>>) target(%arg7 : memref<16x1024xf32, #tpu.memory_space<vmem>>) target_semaphore(%arg12 : memref<!tpu.dma_semaphore, #tpu.memory_space<semaphore_mem>>)
    %dma_wait3A_785 = arith.constant 3 : i32
    %dma_wait3A_786 = arith.constant 0 : i32
    %dma_wait3A_787 = tpu.memref_slice %arg2[%dma_wait3A_785, %add3A_681, %dma_wait3A_786] : memref<4x4096x1024xf32, #tpu.memory_space<hbm>> -> memref<1x16x1024xf32, #tpu.memory_space<hbm>>
    %dma_wait3A_788 = tpu.memref_squeeze %dma_wait3A_787 : memref<1x16x1024xf32, #tpu.memory_space<hbm>> -> memref<16x1024xf32, #tpu.memory_space<hbm>>
    %dma_wait3A_789 = arith.constant 0 : i32
    %dma_wait3A_790 = tpu.memref_slice %arg2[%dma_wait3A_785, %add3A_681, %dma_wait3A_789] : memref<4x4096x1024xf32, #tpu.memory_space<hbm>> -> memref<1x16x1024xf32, #tpu.memory_space<hbm>>
    %dma_wait3A_791 = tpu.memref_squeeze %dma_wait3A_790 : memref<1x16x1024xf32, #tpu.memory_space<hbm>> -> memref<16x1024xf32, #tpu.memory_space<hbm>>
    tpu.wait_dma2 semaphore(%arg13 : memref<!tpu.dma_semaphore, #tpu.memory_space<semaphore_mem>>) src(%dma_wait3A_791 : memref<16x1024xf32, #tpu.memory_space<hbm>>) dst(%arg8 : memref<16x1024xf32, #tpu.memory_space<vmem>>)
    %add3A_792 = arith.constant 80 : i32
    %add3A_793 = arith.addi %mul3A_2, %add3A_792 : i32
    %dma_start3A_794 = arith.constant 3 : i32
    %dma_start3A_795 = arith.constant 0 : i32
    %dma_start3A_796 = tpu.memref_slice %arg4[%dma_start3A_794, %add3A_793, %dma_start3A_795] : memref<4x4096x1024xf32, #tpu.memory_space<hbm>> -> memref<1x16x1024xf32, #tpu.memory_space<hbm>>
    %dma_start3A_797 = tpu.memref_squeeze %dma_start3A_796 : memref<1x16x1024xf32, #tpu.memory_space<hbm>> -> memref<16x1024xf32, #tpu.memory_space<hbm>>
    %dma_start3A_798 = arith.constant 0 : i32
    %dma_start3A_799 = tpu.memref_slice %arg4[%dma_start3A_794, %add3A_793, %dma_start3A_798] : memref<4x4096x1024xf32, #tpu.memory_space<hbm>> -> memref<1x16x1024xf32, #tpu.memory_space<hbm>>
    %dma_start3A_800 = tpu.memref_squeeze %dma_start3A_799 : memref<1x16x1024xf32, #tpu.memory_space<hbm>> -> memref<16x1024xf32, #tpu.memory_space<hbm>>
    tpu.enqueue_dma source(%arg8 : memref<16x1024xf32, #tpu.memory_space<vmem>>) target(%dma_start3A_800 : memref<16x1024xf32, #tpu.memory_space<hbm>>) target_semaphore(%arg17 : memref<!tpu.dma_semaphore, #tpu.memory_space<semaphore_mem>>)
    %add3A_801 = arith.constant 96 : i32
    %add3A_802 = arith.addi %mul3A_2, %add3A_801 : i32
    "tpu.region"() ({
      %run_scoped3A = tpu.sem_alloc : memref<!tpu.dma_semaphore, #tpu.memory_space<semaphore_mem>>
      %dma_start3A_1034 = arith.constant 0 : i32
      %dma_start3A_1035 = tpu.memref_slice %arg3[%add3A_802, %dma_start3A_1034] : memref<8192x1024xf32, #tpu.memory_space<hbm>> -> memref<16x1024xf32, #tpu.memory_space<hbm>>
      %dma_start3A_1036 = arith.constant 0 : i32
      %dma_start3A_1037 = tpu.memref_slice %arg3[%add3A_802, %dma_start3A_1036] : memref<8192x1024xf32, #tpu.memory_space<hbm>> -> memref<16x1024xf32, #tpu.memory_space<hbm>>
      tpu.enqueue_dma source(%dma_start3A_1037 : memref<16x1024xf32, #tpu.memory_space<hbm>>) target(%arg9 : memref<16x1024xf32, #tpu.memory_space<vmem>>) target_semaphore(%run_scoped3A : memref<!tpu.dma_semaphore, #tpu.memory_space<semaphore_mem>>)
      %dma_wait3A_1038 = arith.constant 0 : i32
      %dma_wait3A_1039 = tpu.memref_slice %arg3[%add3A_802, %dma_wait3A_1038] : memref<8192x1024xf32, #tpu.memory_space<hbm>> -> memref<16x1024xf32, #tpu.memory_space<hbm>>
      %dma_wait3A_1040 = arith.constant 0 : i32
      %dma_wait3A_1041 = tpu.memref_slice %arg3[%add3A_802, %dma_wait3A_1040] : memref<8192x1024xf32, #tpu.memory_space<hbm>> -> memref<16x1024xf32, #tpu.memory_space<hbm>>
      tpu.wait_dma2 semaphore(%run_scoped3A : memref<!tpu.dma_semaphore, #tpu.memory_space<semaphore_mem>>) src(%dma_wait3A_1041 : memref<16x1024xf32, #tpu.memory_space<hbm>>) dst(%arg9 : memref<16x1024xf32, #tpu.memory_space<vmem>>)
      tpu.yield
    }) : () -> ()
    %dma_wait3A_803 = arith.constant 3 : i32
    %dma_wait3A_804 = arith.constant 0 : i32
    %dma_wait3A_805 = tpu.memref_slice %arg4[%dma_wait3A_803, %add3A_793, %dma_wait3A_804] : memref<4x4096x1024xf32, #tpu.memory_space<hbm>> -> memref<1x16x1024xf32, #tpu.memory_space<hbm>>
    %dma_wait3A_806 = tpu.memref_squeeze %dma_wait3A_805 : memref<1x16x1024xf32, #tpu.memory_space<hbm>> -> memref<16x1024xf32, #tpu.memory_space<hbm>>
    %dma_wait3A_807 = arith.constant 0 : i32
    %dma_wait3A_808 = tpu.memref_slice %arg4[%dma_wait3A_803, %add3A_793, %dma_wait3A_807] : memref<4x4096x1024xf32, #tpu.memory_space<hbm>> -> memref<1x16x1024xf32, #tpu.memory_space<hbm>>
    %dma_wait3A_809 = tpu.memref_squeeze %dma_wait3A_808 : memref<1x16x1024xf32, #tpu.memory_space<hbm>> -> memref<16x1024xf32, #tpu.memory_space<hbm>>
    tpu.wait_dma2 semaphore(%arg17 : memref<!tpu.dma_semaphore, #tpu.memory_space<semaphore_mem>>) src(%arg8 : memref<16x1024xf32, #tpu.memory_space<vmem>>) dst(%dma_wait3A_809 : memref<16x1024xf32, #tpu.memory_space<hbm>>)
    %add3A_810 = arith.constant 96 : i32
    %add3A_811 = arith.addi %mul3A_2, %add3A_810 : i32
    %dma_start3A_812 = arith.constant 3 : i32
    %dma_start3A_813 = arith.constant 0 : i32
    %dma_start3A_814 = tpu.memref_slice %arg2[%dma_start3A_812, %add3A_811, %dma_start3A_813] : memref<4x4096x1024xf32, #tpu.memory_space<hbm>> -> memref<1x16x1024xf32, #tpu.memory_space<hbm>>
    %dma_start3A_815 = tpu.memref_squeeze %dma_start3A_814 : memref<1x16x1024xf32, #tpu.memory_space<hbm>> -> memref<16x1024xf32, #tpu.memory_space<hbm>>
    %dma_start3A_816 = arith.constant 0 : i32
    %dma_start3A_817 = tpu.memref_slice %arg2[%dma_start3A_812, %add3A_811, %dma_start3A_816] : memref<4x4096x1024xf32, #tpu.memory_space<hbm>> -> memref<1x16x1024xf32, #tpu.memory_space<hbm>>
    %dma_start3A_818 = tpu.memref_squeeze %dma_start3A_817 : memref<1x16x1024xf32, #tpu.memory_space<hbm>> -> memref<16x1024xf32, #tpu.memory_space<hbm>>
    tpu.enqueue_dma source(%dma_start3A_818 : memref<16x1024xf32, #tpu.memory_space<hbm>>) target(%arg8 : memref<16x1024xf32, #tpu.memory_space<vmem>>) target_semaphore(%arg13 : memref<!tpu.dma_semaphore, #tpu.memory_space<semaphore_mem>>)
    %dma_wait3A_819 = arith.constant 0 : i32
    %dma_wait3A_820 = arith.constant 0 : i32
    %dma_wait3A_821 = tpu.memref_slice %arg2[%dma_wait3A_819, %add3A_713, %dma_wait3A_820] : memref<4x4096x1024xf32, #tpu.memory_space<hbm>> -> memref<1x16x1024xf32, #tpu.memory_space<hbm>>
    %dma_wait3A_822 = tpu.memref_squeeze %dma_wait3A_821 : memref<1x16x1024xf32, #tpu.memory_space<hbm>> -> memref<16x1024xf32, #tpu.memory_space<hbm>>
    %dma_wait3A_823 = arith.constant 0 : i32
    %dma_wait3A_824 = tpu.memref_slice %arg2[%dma_wait3A_819, %add3A_713, %dma_wait3A_823] : memref<4x4096x1024xf32, #tpu.memory_space<hbm>> -> memref<1x16x1024xf32, #tpu.memory_space<hbm>>
    %dma_wait3A_825 = tpu.memref_squeeze %dma_wait3A_824 : memref<1x16x1024xf32, #tpu.memory_space<hbm>> -> memref<16x1024xf32, #tpu.memory_space<hbm>>
    tpu.wait_dma2 semaphore(%arg10 : memref<!tpu.dma_semaphore, #tpu.memory_space<semaphore_mem>>) src(%dma_wait3A_825 : memref<16x1024xf32, #tpu.memory_space<hbm>>) dst(%arg5 : memref<16x1024xf32, #tpu.memory_space<vmem>>)
    %add3A_826 = arith.constant 96 : i32
    %add3A_827 = arith.addi %mul3A_2, %add3A_826 : i32
    %dma_start3A_828 = arith.constant 0 : i32
    %dma_start3A_829 = arith.constant 0 : i32
    %dma_start3A_830 = tpu.memref_slice %arg4[%dma_start3A_828, %add3A_827, %dma_start3A_829] : memref<4x4096x1024xf32, #tpu.memory_space<hbm>> -> memref<1x16x1024xf32, #tpu.memory_space<hbm>>
    %dma_start3A_831 = tpu.memref_squeeze %dma_start3A_830 : memref<1x16x1024xf32, #tpu.memory_space<hbm>> -> memref<16x1024xf32, #tpu.memory_space<hbm>>
    %dma_start3A_832 = arith.constant 0 : i32
    %dma_start3A_833 = tpu.memref_slice %arg4[%dma_start3A_828, %add3A_827, %dma_start3A_832] : memref<4x4096x1024xf32, #tpu.memory_space<hbm>> -> memref<1x16x1024xf32, #tpu.memory_space<hbm>>
    %dma_start3A_834 = tpu.memref_squeeze %dma_start3A_833 : memref<1x16x1024xf32, #tpu.memory_space<hbm>> -> memref<16x1024xf32, #tpu.memory_space<hbm>>
    tpu.enqueue_dma source(%arg5 : memref<16x1024xf32, #tpu.memory_space<vmem>>) target(%dma_start3A_834 : memref<16x1024xf32, #tpu.memory_space<hbm>>) target_semaphore(%arg14 : memref<!tpu.dma_semaphore, #tpu.memory_space<semaphore_mem>>)
    %dma_wait3A_835 = arith.constant 0 : i32
    %dma_wait3A_836 = arith.constant 0 : i32
    %dma_wait3A_837 = tpu.memref_slice %arg4[%dma_wait3A_835, %add3A_827, %dma_wait3A_836] : memref<4x4096x1024xf32, #tpu.memory_space<hbm>> -> memref<1x16x1024xf32, #tpu.memory_space<hbm>>
    %dma_wait3A_838 = tpu.memref_squeeze %dma_wait3A_837 : memref<1x16x1024xf32, #tpu.memory_space<hbm>> -> memref<16x1024xf32, #tpu.memory_space<hbm>>
    %dma_wait3A_839 = arith.constant 0 : i32
    %dma_wait3A_840 = tpu.memref_slice %arg4[%dma_wait3A_835, %add3A_827, %dma_wait3A_839] : memref<4x4096x1024xf32, #tpu.memory_space<hbm>> -> memref<1x16x1024xf32, #tpu.memory_space<hbm>>
    %dma_wait3A_841 = tpu.memref_squeeze %dma_wait3A_840 : memref<1x16x1024xf32, #tpu.memory_space<hbm>> -> memref<16x1024xf32, #tpu.memory_space<hbm>>
    tpu.wait_dma2 semaphore(%arg14 : memref<!tpu.dma_semaphore, #tpu.memory_space<semaphore_mem>>) src(%arg5 : memref<16x1024xf32, #tpu.memory_space<vmem>>) dst(%dma_wait3A_841 : memref<16x1024xf32, #tpu.memory_space<hbm>>)
    %add3A_842 = arith.constant 112 : i32
    %add3A_843 = arith.addi %mul3A_2, %add3A_842 : i32
    %dma_start3A_844 = arith.constant 0 : i32
    %dma_start3A_845 = arith.constant 0 : i32
    %dma_start3A_846 = tpu.memref_slice %arg2[%dma_start3A_844, %add3A_843, %dma_start3A_845] : memref<4x4096x1024xf32, #tpu.memory_space<hbm>> -> memref<1x16x1024xf32, #tpu.memory_space<hbm>>
    %dma_start3A_847 = tpu.memref_squeeze %dma_start3A_846 : memref<1x16x1024xf32, #tpu.memory_space<hbm>> -> memref<16x1024xf32, #tpu.memory_space<hbm>>
    %dma_start3A_848 = arith.constant 0 : i32
    %dma_start3A_849 = tpu.memref_slice %arg2[%dma_start3A_844, %add3A_843, %dma_start3A_848] : memref<4x4096x1024xf32, #tpu.memory_space<hbm>> -> memref<1x16x1024xf32, #tpu.memory_space<hbm>>
    %dma_start3A_850 = tpu.memref_squeeze %dma_start3A_849 : memref<1x16x1024xf32, #tpu.memory_space<hbm>> -> memref<16x1024xf32, #tpu.memory_space<hbm>>
    tpu.enqueue_dma source(%dma_start3A_850 : memref<16x1024xf32, #tpu.memory_space<hbm>>) target(%arg5 : memref<16x1024xf32, #tpu.memory_space<vmem>>) target_semaphore(%arg10 : memref<!tpu.dma_semaphore, #tpu.memory_space<semaphore_mem>>)
    %dma_wait3A_851 = arith.constant 1 : i32
    %dma_wait3A_852 = arith.constant 0 : i32
    %dma_wait3A_853 = tpu.memref_slice %arg2[%dma_wait3A_851, %add3A_745, %dma_wait3A_852] : memref<4x4096x1024xf32, #tpu.memory_space<hbm>> -> memref<1x16x1024xf32, #tpu.memory_space<hbm>>
    %dma_wait3A_854 = tpu.memref_squeeze %dma_wait3A_853 : memref<1x16x1024xf32, #tpu.memory_space<hbm>> -> memref<16x1024xf32, #tpu.memory_space<hbm>>
    %dma_wait3A_855 = arith.constant 0 : i32
    %dma_wait3A_856 = tpu.memref_slice %arg2[%dma_wait3A_851, %add3A_745, %dma_wait3A_855] : memref<4x4096x1024xf32, #tpu.memory_space<hbm>> -> memref<1x16x1024xf32, #tpu.memory_space<hbm>>
    %dma_wait3A_857 = tpu.memref_squeeze %dma_wait3A_856 : memref<1x16x1024xf32, #tpu.memory_space<hbm>> -> memref<16x1024xf32, #tpu.memory_space<hbm>>
    tpu.wait_dma2 semaphore(%arg11 : memref<!tpu.dma_semaphore, #tpu.memory_space<semaphore_mem>>) src(%dma_wait3A_857 : memref<16x1024xf32, #tpu.memory_space<hbm>>) dst(%arg6 : memref<16x1024xf32, #tpu.memory_space<vmem>>)
    %add3A_858 = arith.constant 96 : i32
    %add3A_859 = arith.addi %mul3A_2, %add3A_858 : i32
    %dma_start3A_860 = arith.constant 1 : i32
    %dma_start3A_861 = arith.constant 0 : i32
    %dma_start3A_862 = tpu.memref_slice %arg4[%dma_start3A_860, %add3A_859, %dma_start3A_861] : memref<4x4096x1024xf32, #tpu.memory_space<hbm>> -> memref<1x16x1024xf32, #tpu.memory_space<hbm>>
    %dma_start3A_863 = tpu.memref_squeeze %dma_start3A_862 : memref<1x16x1024xf32, #tpu.memory_space<hbm>> -> memref<16x1024xf32, #tpu.memory_space<hbm>>
    %dma_start3A_864 = arith.constant 0 : i32
    %dma_start3A_865 = tpu.memref_slice %arg4[%dma_start3A_860, %add3A_859, %dma_start3A_864] : memref<4x4096x1024xf32, #tpu.memory_space<hbm>> -> memref<1x16x1024xf32, #tpu.memory_space<hbm>>
    %dma_start3A_866 = tpu.memref_squeeze %dma_start3A_865 : memref<1x16x1024xf32, #tpu.memory_space<hbm>> -> memref<16x1024xf32, #tpu.memory_space<hbm>>
    tpu.enqueue_dma source(%arg6 : memref<16x1024xf32, #tpu.memory_space<vmem>>) target(%dma_start3A_866 : memref<16x1024xf32, #tpu.memory_space<hbm>>) target_semaphore(%arg15 : memref<!tpu.dma_semaphore, #tpu.memory_space<semaphore_mem>>)
    %dma_wait3A_867 = arith.constant 1 : i32
    %dma_wait3A_868 = arith.constant 0 : i32
    %dma_wait3A_869 = tpu.memref_slice %arg4[%dma_wait3A_867, %add3A_859, %dma_wait3A_868] : memref<4x4096x1024xf32, #tpu.memory_space<hbm>> -> memref<1x16x1024xf32, #tpu.memory_space<hbm>>
    %dma_wait3A_870 = tpu.memref_squeeze %dma_wait3A_869 : memref<1x16x1024xf32, #tpu.memory_space<hbm>> -> memref<16x1024xf32, #tpu.memory_space<hbm>>
    %dma_wait3A_871 = arith.constant 0 : i32
    %dma_wait3A_872 = tpu.memref_slice %arg4[%dma_wait3A_867, %add3A_859, %dma_wait3A_871] : memref<4x4096x1024xf32, #tpu.memory_space<hbm>> -> memref<1x16x1024xf32, #tpu.memory_space<hbm>>
    %dma_wait3A_873 = tpu.memref_squeeze %dma_wait3A_872 : memref<1x16x1024xf32, #tpu.memory_space<hbm>> -> memref<16x1024xf32, #tpu.memory_space<hbm>>
    tpu.wait_dma2 semaphore(%arg15 : memref<!tpu.dma_semaphore, #tpu.memory_space<semaphore_mem>>) src(%arg6 : memref<16x1024xf32, #tpu.memory_space<vmem>>) dst(%dma_wait3A_873 : memref<16x1024xf32, #tpu.memory_space<hbm>>)
    %add3A_874 = arith.constant 112 : i32
    %add3A_875 = arith.addi %mul3A_2, %add3A_874 : i32
    %dma_start3A_876 = arith.constant 1 : i32
    %dma_start3A_877 = arith.constant 0 : i32
    %dma_start3A_878 = tpu.memref_slice %arg2[%dma_start3A_876, %add3A_875, %dma_start3A_877] : memref<4x4096x1024xf32, #tpu.memory_space<hbm>> -> memref<1x16x1024xf32, #tpu.memory_space<hbm>>
    %dma_start3A_879 = tpu.memref_squeeze %dma_start3A_878 : memref<1x16x1024xf32, #tpu.memory_space<hbm>> -> memref<16x1024xf32, #tpu.memory_space<hbm>>
    %dma_start3A_880 = arith.constant 0 : i32
    %dma_start3A_881 = tpu.memref_slice %arg2[%dma_start3A_876, %add3A_875, %dma_start3A_880] : memref<4x4096x1024xf32, #tpu.memory_space<hbm>> -> memref<1x16x1024xf32, #tpu.memory_space<hbm>>
    %dma_start3A_882 = tpu.memref_squeeze %dma_start3A_881 : memref<1x16x1024xf32, #tpu.memory_space<hbm>> -> memref<16x1024xf32, #tpu.memory_space<hbm>>
    tpu.enqueue_dma source(%dma_start3A_882 : memref<16x1024xf32, #tpu.memory_space<hbm>>) target(%arg6 : memref<16x1024xf32, #tpu.memory_space<vmem>>) target_semaphore(%arg11 : memref<!tpu.dma_semaphore, #tpu.memory_space<semaphore_mem>>)
    %dma_wait3A_883 = arith.constant 2 : i32
    %dma_wait3A_884 = arith.constant 0 : i32
    %dma_wait3A_885 = tpu.memref_slice %arg2[%dma_wait3A_883, %add3A_777, %dma_wait3A_884] : memref<4x4096x1024xf32, #tpu.memory_space<hbm>> -> memref<1x16x1024xf32, #tpu.memory_space<hbm>>
    %dma_wait3A_886 = tpu.memref_squeeze %dma_wait3A_885 : memref<1x16x1024xf32, #tpu.memory_space<hbm>> -> memref<16x1024xf32, #tpu.memory_space<hbm>>
    %dma_wait3A_887 = arith.constant 0 : i32
    %dma_wait3A_888 = tpu.memref_slice %arg2[%dma_wait3A_883, %add3A_777, %dma_wait3A_887] : memref<4x4096x1024xf32, #tpu.memory_space<hbm>> -> memref<1x16x1024xf32, #tpu.memory_space<hbm>>
    %dma_wait3A_889 = tpu.memref_squeeze %dma_wait3A_888 : memref<1x16x1024xf32, #tpu.memory_space<hbm>> -> memref<16x1024xf32, #tpu.memory_space<hbm>>
    tpu.wait_dma2 semaphore(%arg12 : memref<!tpu.dma_semaphore, #tpu.memory_space<semaphore_mem>>) src(%dma_wait3A_889 : memref<16x1024xf32, #tpu.memory_space<hbm>>) dst(%arg7 : memref<16x1024xf32, #tpu.memory_space<vmem>>)
    %add3A_890 = arith.constant 96 : i32
    %add3A_891 = arith.addi %mul3A_2, %add3A_890 : i32
    %dma_start3A_892 = arith.constant 2 : i32
    %dma_start3A_893 = arith.constant 0 : i32
    %dma_start3A_894 = tpu.memref_slice %arg4[%dma_start3A_892, %add3A_891, %dma_start3A_893] : memref<4x4096x1024xf32, #tpu.memory_space<hbm>> -> memref<1x16x1024xf32, #tpu.memory_space<hbm>>
    %dma_start3A_895 = tpu.memref_squeeze %dma_start3A_894 : memref<1x16x1024xf32, #tpu.memory_space<hbm>> -> memref<16x1024xf32, #tpu.memory_space<hbm>>
    %dma_start3A_896 = arith.constant 0 : i32
    %dma_start3A_897 = tpu.memref_slice %arg4[%dma_start3A_892, %add3A_891, %dma_start3A_896] : memref<4x4096x1024xf32, #tpu.memory_space<hbm>> -> memref<1x16x1024xf32, #tpu.memory_space<hbm>>
    %dma_start3A_898 = tpu.memref_squeeze %dma_start3A_897 : memref<1x16x1024xf32, #tpu.memory_space<hbm>> -> memref<16x1024xf32, #tpu.memory_space<hbm>>
    tpu.enqueue_dma source(%arg7 : memref<16x1024xf32, #tpu.memory_space<vmem>>) target(%dma_start3A_898 : memref<16x1024xf32, #tpu.memory_space<hbm>>) target_semaphore(%arg16 : memref<!tpu.dma_semaphore, #tpu.memory_space<semaphore_mem>>)
    %dma_wait3A_899 = arith.constant 2 : i32
    %dma_wait3A_900 = arith.constant 0 : i32
    %dma_wait3A_901 = tpu.memref_slice %arg4[%dma_wait3A_899, %add3A_891, %dma_wait3A_900] : memref<4x4096x1024xf32, #tpu.memory_space<hbm>> -> memref<1x16x1024xf32, #tpu.memory_space<hbm>>
    %dma_wait3A_902 = tpu.memref_squeeze %dma_wait3A_901 : memref<1x16x1024xf32, #tpu.memory_space<hbm>> -> memref<16x1024xf32, #tpu.memory_space<hbm>>
    %dma_wait3A_903 = arith.constant 0 : i32
    %dma_wait3A_904 = tpu.memref_slice %arg4[%dma_wait3A_899, %add3A_891, %dma_wait3A_903] : memref<4x4096x1024xf32, #tpu.memory_space<hbm>> -> memref<1x16x1024xf32, #tpu.memory_space<hbm>>
    %dma_wait3A_905 = tpu.memref_squeeze %dma_wait3A_904 : memref<1x16x1024xf32, #tpu.memory_space<hbm>> -> memref<16x1024xf32, #tpu.memory_space<hbm>>
    tpu.wait_dma2 semaphore(%arg16 : memref<!tpu.dma_semaphore, #tpu.memory_space<semaphore_mem>>) src(%arg7 : memref<16x1024xf32, #tpu.memory_space<vmem>>) dst(%dma_wait3A_905 : memref<16x1024xf32, #tpu.memory_space<hbm>>)
    %add3A_906 = arith.constant 112 : i32
    %add3A_907 = arith.addi %mul3A_2, %add3A_906 : i32
    %dma_start3A_908 = arith.constant 2 : i32
    %dma_start3A_909 = arith.constant 0 : i32
    %dma_start3A_910 = tpu.memref_slice %arg2[%dma_start3A_908, %add3A_907, %dma_start3A_909] : memref<4x4096x1024xf32, #tpu.memory_space<hbm>> -> memref<1x16x1024xf32, #tpu.memory_space<hbm>>
    %dma_start3A_911 = tpu.memref_squeeze %dma_start3A_910 : memref<1x16x1024xf32, #tpu.memory_space<hbm>> -> memref<16x1024xf32, #tpu.memory_space<hbm>>
    %dma_start3A_912 = arith.constant 0 : i32
    %dma_start3A_913 = tpu.memref_slice %arg2[%dma_start3A_908, %add3A_907, %dma_start3A_912] : memref<4x4096x1024xf32, #tpu.memory_space<hbm>> -> memref<1x16x1024xf32, #tpu.memory_space<hbm>>
    %dma_start3A_914 = tpu.memref_squeeze %dma_start3A_913 : memref<1x16x1024xf32, #tpu.memory_space<hbm>> -> memref<16x1024xf32, #tpu.memory_space<hbm>>
    tpu.enqueue_dma source(%dma_start3A_914 : memref<16x1024xf32, #tpu.memory_space<hbm>>) target(%arg7 : memref<16x1024xf32, #tpu.memory_space<vmem>>) target_semaphore(%arg12 : memref<!tpu.dma_semaphore, #tpu.memory_space<semaphore_mem>>)
    %dma_wait3A_915 = arith.constant 3 : i32
    %dma_wait3A_916 = arith.constant 0 : i32
    %dma_wait3A_917 = tpu.memref_slice %arg2[%dma_wait3A_915, %add3A_811, %dma_wait3A_916] : memref<4x4096x1024xf32, #tpu.memory_space<hbm>> -> memref<1x16x1024xf32, #tpu.memory_space<hbm>>
    %dma_wait3A_918 = tpu.memref_squeeze %dma_wait3A_917 : memref<1x16x1024xf32, #tpu.memory_space<hbm>> -> memref<16x1024xf32, #tpu.memory_space<hbm>>
    %dma_wait3A_919 = arith.constant 0 : i32
    %dma_wait3A_920 = tpu.memref_slice %arg2[%dma_wait3A_915, %add3A_811, %dma_wait3A_919] : memref<4x4096x1024xf32, #tpu.memory_space<hbm>> -> memref<1x16x1024xf32, #tpu.memory_space<hbm>>
    %dma_wait3A_921 = tpu.memref_squeeze %dma_wait3A_920 : memref<1x16x1024xf32, #tpu.memory_space<hbm>> -> memref<16x1024xf32, #tpu.memory_space<hbm>>
    tpu.wait_dma2 semaphore(%arg13 : memref<!tpu.dma_semaphore, #tpu.memory_space<semaphore_mem>>) src(%dma_wait3A_921 : memref<16x1024xf32, #tpu.memory_space<hbm>>) dst(%arg8 : memref<16x1024xf32, #tpu.memory_space<vmem>>)
    %add3A_922 = arith.constant 96 : i32
    %add3A_923 = arith.addi %mul3A_2, %add3A_922 : i32
    %dma_start3A_924 = arith.constant 3 : i32
    %dma_start3A_925 = arith.constant 0 : i32
    %dma_start3A_926 = tpu.memref_slice %arg4[%dma_start3A_924, %add3A_923, %dma_start3A_925] : memref<4x4096x1024xf32, #tpu.memory_space<hbm>> -> memref<1x16x1024xf32, #tpu.memory_space<hbm>>
    %dma_start3A_927 = tpu.memref_squeeze %dma_start3A_926 : memref<1x16x1024xf32, #tpu.memory_space<hbm>> -> memref<16x1024xf32, #tpu.memory_space<hbm>>
    %dma_start3A_928 = arith.constant 0 : i32
    %dma_start3A_929 = tpu.memref_slice %arg4[%dma_start3A_924, %add3A_923, %dma_start3A_928] : memref<4x4096x1024xf32, #tpu.memory_space<hbm>> -> memref<1x16x1024xf32, #tpu.memory_space<hbm>>
    %dma_start3A_930 = tpu.memref_squeeze %dma_start3A_929 : memref<1x16x1024xf32, #tpu.memory_space<hbm>> -> memref<16x1024xf32, #tpu.memory_space<hbm>>
    tpu.enqueue_dma source(%arg8 : memref<16x1024xf32, #tpu.memory_space<vmem>>) target(%dma_start3A_930 : memref<16x1024xf32, #tpu.memory_space<hbm>>) target_semaphore(%arg17 : memref<!tpu.dma_semaphore, #tpu.memory_space<semaphore_mem>>)
    %add3A_931 = arith.constant 112 : i32
    %add3A_932 = arith.addi %mul3A_2, %add3A_931 : i32
    "tpu.region"() ({
      %run_scoped3A = tpu.sem_alloc : memref<!tpu.dma_semaphore, #tpu.memory_space<semaphore_mem>>
      %dma_start3A_1034 = arith.constant 0 : i32
      %dma_start3A_1035 = tpu.memref_slice %arg3[%add3A_932, %dma_start3A_1034] : memref<8192x1024xf32, #tpu.memory_space<hbm>> -> memref<16x1024xf32, #tpu.memory_space<hbm>>
      %dma_start3A_1036 = arith.constant 0 : i32
      %dma_start3A_1037 = tpu.memref_slice %arg3[%add3A_932, %dma_start3A_1036] : memref<8192x1024xf32, #tpu.memory_space<hbm>> -> memref<16x1024xf32, #tpu.memory_space<hbm>>
      tpu.enqueue_dma source(%dma_start3A_1037 : memref<16x1024xf32, #tpu.memory_space<hbm>>) target(%arg9 : memref<16x1024xf32, #tpu.memory_space<vmem>>) target_semaphore(%run_scoped3A : memref<!tpu.dma_semaphore, #tpu.memory_space<semaphore_mem>>)
      %dma_wait3A_1038 = arith.constant 0 : i32
      %dma_wait3A_1039 = tpu.memref_slice %arg3[%add3A_932, %dma_wait3A_1038] : memref<8192x1024xf32, #tpu.memory_space<hbm>> -> memref<16x1024xf32, #tpu.memory_space<hbm>>
      %dma_wait3A_1040 = arith.constant 0 : i32
      %dma_wait3A_1041 = tpu.memref_slice %arg3[%add3A_932, %dma_wait3A_1040] : memref<8192x1024xf32, #tpu.memory_space<hbm>> -> memref<16x1024xf32, #tpu.memory_space<hbm>>
      tpu.wait_dma2 semaphore(%run_scoped3A : memref<!tpu.dma_semaphore, #tpu.memory_space<semaphore_mem>>) src(%dma_wait3A_1041 : memref<16x1024xf32, #tpu.memory_space<hbm>>) dst(%arg9 : memref<16x1024xf32, #tpu.memory_space<vmem>>)
      tpu.yield
    }) : () -> ()
    %dma_wait3A_933 = arith.constant 3 : i32
    %dma_wait3A_934 = arith.constant 0 : i32
    %dma_wait3A_935 = tpu.memref_slice %arg4[%dma_wait3A_933, %add3A_923, %dma_wait3A_934] : memref<4x4096x1024xf32, #tpu.memory_space<hbm>> -> memref<1x16x1024xf32, #tpu.memory_space<hbm>>
    %dma_wait3A_936 = tpu.memref_squeeze %dma_wait3A_935 : memref<1x16x1024xf32, #tpu.memory_space<hbm>> -> memref<16x1024xf32, #tpu.memory_space<hbm>>
    %dma_wait3A_937 = arith.constant 0 : i32
    %dma_wait3A_938 = tpu.memref_slice %arg4[%dma_wait3A_933, %add3A_923, %dma_wait3A_937] : memref<4x4096x1024xf32, #tpu.memory_space<hbm>> -> memref<1x16x1024xf32, #tpu.memory_space<hbm>>
    %dma_wait3A_939 = tpu.memref_squeeze %dma_wait3A_938 : memref<1x16x1024xf32, #tpu.memory_space<hbm>> -> memref<16x1024xf32, #tpu.memory_space<hbm>>
    tpu.wait_dma2 semaphore(%arg17 : memref<!tpu.dma_semaphore, #tpu.memory_space<semaphore_mem>>) src(%arg8 : memref<16x1024xf32, #tpu.memory_space<vmem>>) dst(%dma_wait3A_939 : memref<16x1024xf32, #tpu.memory_space<hbm>>)
    %add3A_940 = arith.constant 112 : i32
    %add3A_941 = arith.addi %mul3A_2, %add3A_940 : i32
    %dma_start3A_942 = arith.constant 3 : i32
    %dma_start3A_943 = arith.constant 0 : i32
    %dma_start3A_944 = tpu.memref_slice %arg2[%dma_start3A_942, %add3A_941, %dma_start3A_943] : memref<4x4096x1024xf32, #tpu.memory_space<hbm>> -> memref<1x16x1024xf32, #tpu.memory_space<hbm>>
    %dma_start3A_945 = tpu.memref_squeeze %dma_start3A_944 : memref<1x16x1024xf32, #tpu.memory_space<hbm>> -> memref<16x1024xf32, #tpu.memory_space<hbm>>
    %dma_start3A_946 = arith.constant 0 : i32
    %dma_start3A_947 = tpu.memref_slice %arg2[%dma_start3A_942, %add3A_941, %dma_start3A_946] : memref<4x4096x1024xf32, #tpu.memory_space<hbm>> -> memref<1x16x1024xf32, #tpu.memory_space<hbm>>
    %dma_start3A_948 = tpu.memref_squeeze %dma_start3A_947 : memref<1x16x1024xf32, #tpu.memory_space<hbm>> -> memref<16x1024xf32, #tpu.memory_space<hbm>>
    tpu.enqueue_dma source(%dma_start3A_948 : memref<16x1024xf32, #tpu.memory_space<hbm>>) target(%arg8 : memref<16x1024xf32, #tpu.memory_space<vmem>>) target_semaphore(%arg13 : memref<!tpu.dma_semaphore, #tpu.memory_space<semaphore_mem>>)
    %dma_wait3A_949 = arith.constant 0 : i32
    %dma_wait3A_950 = arith.constant 0 : i32
    %dma_wait3A_951 = tpu.memref_slice %arg2[%dma_wait3A_949, %add3A_843, %dma_wait3A_950] : memref<4x4096x1024xf32, #tpu.memory_space<hbm>> -> memref<1x16x1024xf32, #tpu.memory_space<hbm>>
    %dma_wait3A_952 = tpu.memref_squeeze %dma_wait3A_951 : memref<1x16x1024xf32, #tpu.memory_space<hbm>> -> memref<16x1024xf32, #tpu.memory_space<hbm>>
    %dma_wait3A_953 = arith.constant 0 : i32
    %dma_wait3A_954 = tpu.memref_slice %arg2[%dma_wait3A_949, %add3A_843, %dma_wait3A_953] : memref<4x4096x1024xf32, #tpu.memory_space<hbm>> -> memref<1x16x1024xf32, #tpu.memory_space<hbm>>
    %dma_wait3A_955 = tpu.memref_squeeze %dma_wait3A_954 : memref<1x16x1024xf32, #tpu.memory_space<hbm>> -> memref<16x1024xf32, #tpu.memory_space<hbm>>
    tpu.wait_dma2 semaphore(%arg10 : memref<!tpu.dma_semaphore, #tpu.memory_space<semaphore_mem>>) src(%dma_wait3A_955 : memref<16x1024xf32, #tpu.memory_space<hbm>>) dst(%arg5 : memref<16x1024xf32, #tpu.memory_space<vmem>>)
    %add3A_956 = arith.constant 112 : i32
    %add3A_957 = arith.addi %mul3A_2, %add3A_956 : i32
    %dma_start3A_958 = arith.constant 0 : i32
    %dma_start3A_959 = arith.constant 0 : i32
    %dma_start3A_960 = tpu.memref_slice %arg4[%dma_start3A_958, %add3A_957, %dma_start3A_959] : memref<4x4096x1024xf32, #tpu.memory_space<hbm>> -> memref<1x16x1024xf32, #tpu.memory_space<hbm>>
    %dma_start3A_961 = tpu.memref_squeeze %dma_start3A_960 : memref<1x16x1024xf32, #tpu.memory_space<hbm>> -> memref<16x1024xf32, #tpu.memory_space<hbm>>
    %dma_start3A_962 = arith.constant 0 : i32
    %dma_start3A_963 = tpu.memref_slice %arg4[%dma_start3A_958, %add3A_957, %dma_start3A_962] : memref<4x4096x1024xf32, #tpu.memory_space<hbm>> -> memref<1x16x1024xf32, #tpu.memory_space<hbm>>
    %dma_start3A_964 = tpu.memref_squeeze %dma_start3A_963 : memref<1x16x1024xf32, #tpu.memory_space<hbm>> -> memref<16x1024xf32, #tpu.memory_space<hbm>>
    tpu.enqueue_dma source(%arg5 : memref<16x1024xf32, #tpu.memory_space<vmem>>) target(%dma_start3A_964 : memref<16x1024xf32, #tpu.memory_space<hbm>>) target_semaphore(%arg14 : memref<!tpu.dma_semaphore, #tpu.memory_space<semaphore_mem>>)
    %dma_wait3A_965 = arith.constant 1 : i32
    %dma_wait3A_966 = arith.constant 0 : i32
    %dma_wait3A_967 = tpu.memref_slice %arg2[%dma_wait3A_965, %add3A_875, %dma_wait3A_966] : memref<4x4096x1024xf32, #tpu.memory_space<hbm>> -> memref<1x16x1024xf32, #tpu.memory_space<hbm>>
    %dma_wait3A_968 = tpu.memref_squeeze %dma_wait3A_967 : memref<1x16x1024xf32, #tpu.memory_space<hbm>> -> memref<16x1024xf32, #tpu.memory_space<hbm>>
    %dma_wait3A_969 = arith.constant 0 : i32
    %dma_wait3A_970 = tpu.memref_slice %arg2[%dma_wait3A_965, %add3A_875, %dma_wait3A_969] : memref<4x4096x1024xf32, #tpu.memory_space<hbm>> -> memref<1x16x1024xf32, #tpu.memory_space<hbm>>
    %dma_wait3A_971 = tpu.memref_squeeze %dma_wait3A_970 : memref<1x16x1024xf32, #tpu.memory_space<hbm>> -> memref<16x1024xf32, #tpu.memory_space<hbm>>
    tpu.wait_dma2 semaphore(%arg11 : memref<!tpu.dma_semaphore, #tpu.memory_space<semaphore_mem>>) src(%dma_wait3A_971 : memref<16x1024xf32, #tpu.memory_space<hbm>>) dst(%arg6 : memref<16x1024xf32, #tpu.memory_space<vmem>>)
    %add3A_972 = arith.constant 112 : i32
    %add3A_973 = arith.addi %mul3A_2, %add3A_972 : i32
    %dma_start3A_974 = arith.constant 1 : i32
    %dma_start3A_975 = arith.constant 0 : i32
    %dma_start3A_976 = tpu.memref_slice %arg4[%dma_start3A_974, %add3A_973, %dma_start3A_975] : memref<4x4096x1024xf32, #tpu.memory_space<hbm>> -> memref<1x16x1024xf32, #tpu.memory_space<hbm>>
    %dma_start3A_977 = tpu.memref_squeeze %dma_start3A_976 : memref<1x16x1024xf32, #tpu.memory_space<hbm>> -> memref<16x1024xf32, #tpu.memory_space<hbm>>
    %dma_start3A_978 = arith.constant 0 : i32
    %dma_start3A_979 = tpu.memref_slice %arg4[%dma_start3A_974, %add3A_973, %dma_start3A_978] : memref<4x4096x1024xf32, #tpu.memory_space<hbm>> -> memref<1x16x1024xf32, #tpu.memory_space<hbm>>
    %dma_start3A_980 = tpu.memref_squeeze %dma_start3A_979 : memref<1x16x1024xf32, #tpu.memory_space<hbm>> -> memref<16x1024xf32, #tpu.memory_space<hbm>>
    tpu.enqueue_dma source(%arg6 : memref<16x1024xf32, #tpu.memory_space<vmem>>) target(%dma_start3A_980 : memref<16x1024xf32, #tpu.memory_space<hbm>>) target_semaphore(%arg15 : memref<!tpu.dma_semaphore, #tpu.memory_space<semaphore_mem>>)
    %dma_wait3A_981 = arith.constant 2 : i32
    %dma_wait3A_982 = arith.constant 0 : i32
    %dma_wait3A_983 = tpu.memref_slice %arg2[%dma_wait3A_981, %add3A_907, %dma_wait3A_982] : memref<4x4096x1024xf32, #tpu.memory_space<hbm>> -> memref<1x16x1024xf32, #tpu.memory_space<hbm>>
    %dma_wait3A_984 = tpu.memref_squeeze %dma_wait3A_983 : memref<1x16x1024xf32, #tpu.memory_space<hbm>> -> memref<16x1024xf32, #tpu.memory_space<hbm>>
    %dma_wait3A_985 = arith.constant 0 : i32
    %dma_wait3A_986 = tpu.memref_slice %arg2[%dma_wait3A_981, %add3A_907, %dma_wait3A_985] : memref<4x4096x1024xf32, #tpu.memory_space<hbm>> -> memref<1x16x1024xf32, #tpu.memory_space<hbm>>
    %dma_wait3A_987 = tpu.memref_squeeze %dma_wait3A_986 : memref<1x16x1024xf32, #tpu.memory_space<hbm>> -> memref<16x1024xf32, #tpu.memory_space<hbm>>
    tpu.wait_dma2 semaphore(%arg12 : memref<!tpu.dma_semaphore, #tpu.memory_space<semaphore_mem>>) src(%dma_wait3A_987 : memref<16x1024xf32, #tpu.memory_space<hbm>>) dst(%arg7 : memref<16x1024xf32, #tpu.memory_space<vmem>>)
    %add3A_988 = arith.constant 112 : i32
    %add3A_989 = arith.addi %mul3A_2, %add3A_988 : i32
    %dma_start3A_990 = arith.constant 2 : i32
    %dma_start3A_991 = arith.constant 0 : i32
    %dma_start3A_992 = tpu.memref_slice %arg4[%dma_start3A_990, %add3A_989, %dma_start3A_991] : memref<4x4096x1024xf32, #tpu.memory_space<hbm>> -> memref<1x16x1024xf32, #tpu.memory_space<hbm>>
    %dma_start3A_993 = tpu.memref_squeeze %dma_start3A_992 : memref<1x16x1024xf32, #tpu.memory_space<hbm>> -> memref<16x1024xf32, #tpu.memory_space<hbm>>
    %dma_start3A_994 = arith.constant 0 : i32
    %dma_start3A_995 = tpu.memref_slice %arg4[%dma_start3A_990, %add3A_989, %dma_start3A_994] : memref<4x4096x1024xf32, #tpu.memory_space<hbm>> -> memref<1x16x1024xf32, #tpu.memory_space<hbm>>
    %dma_start3A_996 = tpu.memref_squeeze %dma_start3A_995 : memref<1x16x1024xf32, #tpu.memory_space<hbm>> -> memref<16x1024xf32, #tpu.memory_space<hbm>>
    tpu.enqueue_dma source(%arg7 : memref<16x1024xf32, #tpu.memory_space<vmem>>) target(%dma_start3A_996 : memref<16x1024xf32, #tpu.memory_space<hbm>>) target_semaphore(%arg16 : memref<!tpu.dma_semaphore, #tpu.memory_space<semaphore_mem>>)
    %dma_wait3A_997 = arith.constant 3 : i32
    %dma_wait3A_998 = arith.constant 0 : i32
    %dma_wait3A_999 = tpu.memref_slice %arg2[%dma_wait3A_997, %add3A_941, %dma_wait3A_998] : memref<4x4096x1024xf32, #tpu.memory_space<hbm>> -> memref<1x16x1024xf32, #tpu.memory_space<hbm>>
    %dma_wait3A_1000 = tpu.memref_squeeze %dma_wait3A_999 : memref<1x16x1024xf32, #tpu.memory_space<hbm>> -> memref<16x1024xf32, #tpu.memory_space<hbm>>
    %dma_wait3A_1001 = arith.constant 0 : i32
    %dma_wait3A_1002 = tpu.memref_slice %arg2[%dma_wait3A_997, %add3A_941, %dma_wait3A_1001] : memref<4x4096x1024xf32, #tpu.memory_space<hbm>> -> memref<1x16x1024xf32, #tpu.memory_space<hbm>>
    %dma_wait3A_1003 = tpu.memref_squeeze %dma_wait3A_1002 : memref<1x16x1024xf32, #tpu.memory_space<hbm>> -> memref<16x1024xf32, #tpu.memory_space<hbm>>
    tpu.wait_dma2 semaphore(%arg13 : memref<!tpu.dma_semaphore, #tpu.memory_space<semaphore_mem>>) src(%dma_wait3A_1003 : memref<16x1024xf32, #tpu.memory_space<hbm>>) dst(%arg8 : memref<16x1024xf32, #tpu.memory_space<vmem>>)
    %add3A_1004 = arith.constant 112 : i32
    %add3A_1005 = arith.addi %mul3A_2, %add3A_1004 : i32
    %dma_start3A_1006 = arith.constant 3 : i32
    %dma_start3A_1007 = arith.constant 0 : i32
    %dma_start3A_1008 = tpu.memref_slice %arg4[%dma_start3A_1006, %add3A_1005, %dma_start3A_1007] : memref<4x4096x1024xf32, #tpu.memory_space<hbm>> -> memref<1x16x1024xf32, #tpu.memory_space<hbm>>
    %dma_start3A_1009 = tpu.memref_squeeze %dma_start3A_1008 : memref<1x16x1024xf32, #tpu.memory_space<hbm>> -> memref<16x1024xf32, #tpu.memory_space<hbm>>
    %dma_start3A_1010 = arith.constant 0 : i32
    %dma_start3A_1011 = tpu.memref_slice %arg4[%dma_start3A_1006, %add3A_1005, %dma_start3A_1010] : memref<4x4096x1024xf32, #tpu.memory_space<hbm>> -> memref<1x16x1024xf32, #tpu.memory_space<hbm>>
    %dma_start3A_1012 = tpu.memref_squeeze %dma_start3A_1011 : memref<1x16x1024xf32, #tpu.memory_space<hbm>> -> memref<16x1024xf32, #tpu.memory_space<hbm>>
    tpu.enqueue_dma source(%arg8 : memref<16x1024xf32, #tpu.memory_space<vmem>>) target(%dma_start3A_1012 : memref<16x1024xf32, #tpu.memory_space<hbm>>) target_semaphore(%arg17 : memref<!tpu.dma_semaphore, #tpu.memory_space<semaphore_mem>>)
    %dma_wait3A_1013 = arith.constant 1 : i32
    %dma_wait3A_1014 = arith.constant 0 : i32
    %dma_wait3A_1015 = tpu.memref_slice %arg4[%dma_wait3A_1013, %add3A_973, %dma_wait3A_1014] : memref<4x4096x1024xf32, #tpu.memory_space<hbm>> -> memref<1x16x1024xf32, #tpu.memory_space<hbm>>
    %dma_wait3A_1016 = tpu.memref_squeeze %dma_wait3A_1015 : memref<1x16x1024xf32, #tpu.memory_space<hbm>> -> memref<16x1024xf32, #tpu.memory_space<hbm>>
    %dma_wait3A_1017 = arith.constant 0 : i32
    %dma_wait3A_1018 = tpu.memref_slice %arg4[%dma_wait3A_1013, %add3A_973, %dma_wait3A_1017] : memref<4x4096x1024xf32, #tpu.memory_space<hbm>> -> memref<1x16x1024xf32, #tpu.memory_space<hbm>>
    %dma_wait3A_1019 = tpu.memref_squeeze %dma_wait3A_1018 : memref<1x16x1024xf32, #tpu.memory_space<hbm>> -> memref<16x1024xf32, #tpu.memory_space<hbm>>
    tpu.wait_dma2 semaphore(%arg15 : memref<!tpu.dma_semaphore, #tpu.memory_space<semaphore_mem>>) src(%arg6 : memref<16x1024xf32, #tpu.memory_space<vmem>>) dst(%dma_wait3A_1019 : memref<16x1024xf32, #tpu.memory_space<hbm>>)
    %dma_wait3A_1020 = arith.constant 2 : i32
    %dma_wait3A_1021 = arith.constant 0 : i32
    %dma_wait3A_1022 = tpu.memref_slice %arg4[%dma_wait3A_1020, %add3A_989, %dma_wait3A_1021] : memref<4x4096x1024xf32, #tpu.memory_space<hbm>> -> memref<1x16x1024xf32, #tpu.memory_space<hbm>>
    %dma_wait3A_1023 = tpu.memref_squeeze %dma_wait3A_1022 : memref<1x16x1024xf32, #tpu.memory_space<hbm>> -> memref<16x1024xf32, #tpu.memory_space<hbm>>
    %dma_wait3A_1024 = arith.constant 0 : i32
    %dma_wait3A_1025 = tpu.memref_slice %arg4[%dma_wait3A_1020, %add3A_989, %dma_wait3A_1024] : memref<4x4096x1024xf32, #tpu.memory_space<hbm>> -> memref<1x16x1024xf32, #tpu.memory_space<hbm>>
    %dma_wait3A_1026 = tpu.memref_squeeze %dma_wait3A_1025 : memref<1x16x1024xf32, #tpu.memory_space<hbm>> -> memref<16x1024xf32, #tpu.memory_space<hbm>>
    tpu.wait_dma2 semaphore(%arg16 : memref<!tpu.dma_semaphore, #tpu.memory_space<semaphore_mem>>) src(%arg7 : memref<16x1024xf32, #tpu.memory_space<vmem>>) dst(%dma_wait3A_1026 : memref<16x1024xf32, #tpu.memory_space<hbm>>)
    %dma_wait3A_1027 = arith.constant 3 : i32
    %dma_wait3A_1028 = arith.constant 0 : i32
    %dma_wait3A_1029 = tpu.memref_slice %arg4[%dma_wait3A_1027, %add3A_1005, %dma_wait3A_1028] : memref<4x4096x1024xf32, #tpu.memory_space<hbm>> -> memref<1x16x1024xf32, #tpu.memory_space<hbm>>
    %dma_wait3A_1030 = tpu.memref_squeeze %dma_wait3A_1029 : memref<1x16x1024xf32, #tpu.memory_space<hbm>> -> memref<16x1024xf32, #tpu.memory_space<hbm>>
    %dma_wait3A_1031 = arith.constant 0 : i32
    %dma_wait3A_1032 = tpu.memref_slice %arg4[%dma_wait3A_1027, %add3A_1005, %dma_wait3A_1031] : memref<4x4096x1024xf32, #tpu.memory_space<hbm>> -> memref<1x16x1024xf32, #tpu.memory_space<hbm>>
    %dma_wait3A_1033 = tpu.memref_squeeze %dma_wait3A_1032 : memref<1x16x1024xf32, #tpu.memory_space<hbm>> -> memref<16x1024xf32, #tpu.memory_space<hbm>>
    tpu.wait_dma2 semaphore(%arg17 : memref<!tpu.dma_semaphore, #tpu.memory_space<semaphore_mem>>) src(%arg8 : memref<16x1024xf32, #tpu.memory_space<vmem>>) dst(%dma_wait3A_1033 : memref<16x1024xf32, #tpu.memory_space<hbm>>)
    return
  }
}

</mosaic_0001>

<sc_bundles>
// kernel: kernel.3.cloned.1.call-start
scs
__scs_entry_jumppad:
0x0: {  	(pc) =	sbr.rel $0x88, $3  }
0x1: {  	(tag) =	ssettag $0x0;
	lr =	simm.s32 $0x1  }
0x2: {  	[smem:$0x3F9F] =	sst lr;
	_ =	strace $0xD0000000  }
0x3: {  	_ = 	snop  }
0x4: {  	_ = 	snop  }
0x5: {  	_ = 	snop  }
0x6: {  	_ = 	snop  }
0x7: {  	_ = 	snop  }
__scs_overlays_trampoline_lowered:
0x8: {  	[smem:$0x3FAE] =	sst s0  }
0x9: {  	[smem:$0x3FAF] =	sst s1  }
0xa: {  	[smem:$0x3FB0] =	sst s2  }
0xb: {  	[smem:$0x3FB1] =	sst s3  }
0xc: {  	[smem:$0x3FB2] =	sst s4  }
0xd: {  	[smem:$0x3FB3] =	sst s5  }
0xe: {  	[smem:$0x3FB4] =	sst s6  }
0xf: {  	[smem:$0x3FB5] =	sst s7  }
0x10: {  	[smem:$0x3FB6] =	sst s8  }
0x11: {  	[smem:$0x3FB7] =	sst s9;
	s0 =	simm.s32 @!p0 $0x0  }
0x12: {  	s1 =	sld [smem:$0x3F9D];
	s0 =	simm.s32 @p0 $0x1  }
0x13: {  	[smem:$0x3FB8] =	sst s0;
	s0 =	simm.s32 @!p1 $0x0  }
0x14: {  	s2 =	sld [smem:$0x3F9C];
	s0 =	simm.s32 @p1 $0x1  }
0x15: {  	[smem:$0x3FB9] =	sst s0;
	s0 =	simm.s32 @!p2 $0x0  }
0x16: {  	s3 =	sld [smem:$0x3FDB];
	s0 =	simm.s32 @p2 $0x1  }
0x17: {  	s4 =	simm.s32 $0x1BF5;
	[smem:$0x3FBB] =	sst s0  }
0x18: {  	s0 =	sld [smem:$0x3F9E];
	_ =	swait.ge [sflag:s4], $0x0  }
0x19: {  	s7 =	sld [smem:$0x3F9F]  }
0x1a: {  	s8 =	sadd.s32 $0xFFFFE003, lr  }
0x1b: {  	s9 =	sadd.s32 $0xFFFFFEF7, lr;
	s5 =	simm.s32 $0xFFFFFFFF;
	p2 =	slt.u32 s8, $0xFFFFF086  }
0x1c: {  	p1 =	slt.u32 s9, $0xF7A;
	s5 =	simm.s32 @!p2 $0x0  }
0x1d: {  	s5 =	simm.s32 @p1 $0x1;
	p0 =	seq.s32 s7, s2  }
0x1e: {  	s7 =	smul.u32 @!p0 $0xF7A, s2;
	p2 =	seq.s32 @!p0 s5, $0x0  }
0x1f: {  	s9 =	smul.u32 $0xF7A, s1;
	s8 =	simm.s32 @!p0 $0x1BF5;
	p2 =	por !p2, p0  }
0x20: {  	[sflag:s8] =	ssyncset.s32 @!p0 $0xFFFFF086;
	s6 =	sadd.s32 @!p0 s3, s7;
	s7 =	simm.s32 @!p0 $0x108  }
0x21: {  	s3 =	sadd.s32 s3, s9;
	s6 =	sadd.s32 @!p0 $0x88, s6;
	s7 =	simm.s32 @p2 $0x1082  }
0x22: {  	[simem:s7], [sflag:s8] =	dma.local @!p0 [hbm:s6], $0xF7A  }
0x23: {  	s9 =	sor.u32 $0xD0000000, s2;
	s6 =	simm.s32 $0x108;
	_ =	swait.ge @!p0 [sflag:s8], $0x0  }
0x24: {  	s3 =	sadd.s32 $0x88, s3;
	s6 =	simm.s32 @!p1 $0x1082;
	[sflag:s4] =	ssyncset.s32 $0xFFFFF086  }
0x25: {  	[simem:s6], [sflag:s4] =	dma.local [hbm:s3], $0xF7A  }
0x26: {  	[smem:$0x3F9F] =	sst s1;
	(tag) =	ssettag s2;
	_ =	strace s9  }
0x27: {  	s1 =	sld [smem:$0x3FAF]  }
0x28: {  	s2 =	sld [smem:$0x3FB0]  }
0x29: {  	s4 =	sld [smem:$0x3FB2]  }
0x2a: {  	p0 =	seq.s32 s5, $0x0;
	s5 =	sld [smem:$0x3FB3]  }
0x2b: {  	s6 =	sld [smem:$0x3FB4]  }
0x2c: {  	s7 =	sld [smem:$0x3FB5]  }
0x2d: {  	s3 =	simm.s32 $0x108;
	s8 =	sld [smem:$0x3FB6]  }
0x2e: {  	s3 =	simm.s32 @!p0 $0x1082;
	s9 =	sld [smem:$0x3FB7]  }
0x2f: {  	lr =	sadd.s32 s0, s3;
	s0 =	sld [smem:$0x3FAE]  }
0x30: {  	s3 =	sld [smem:$0x3FB1]  }
0x31: {  	[smem:$0x3FBA] =	sst s10  }
0x32: {  	s10 =	sld [smem:$0x3FB8];
	_ =	sdelay $0x3  }
0x33: {  	p0 =	seq.s32 s10, $0x1;
	s10 =	sld [smem:$0x3FBA];
	_ =	sdelay $0x3  }
0x34: {  	[smem:$0x3FBA] =	sst s10  }
0x35: {  	s10 =	sld [smem:$0x3FB9];
	_ =	sdelay $0x3  }
0x36: {  	p1 =	seq.s32 s10, $0x1;
	s10 =	sld [smem:$0x3FBA];
	_ =	sdelay $0x3  }
0x37: {  	[smem:$0x3FBA] =	sst s10  }
0x38: {  	s10 =	sld [smem:$0x3FBB]  }
0x39: {  	_ = 	snop;
	(pc) =	sbr.ind lr, $3  }
0x3a: {  	_ = 	snop  }
0x3b: {  	_ = 	snop  }
0x3c: {  	p2 =	seq.s32 s10, $0x1;
	s10 =	sld [smem:$0x3FBA]  }
0x3d: {  	_ =	shalt  }
0x3e: {  	_ =	shalt  }
0x3f: {  	_ =	shalt  }
0x40: {  	_ =	shalt  }
0x41: {  	_ =	shalt  }
0x42: {  	_ =	shalt  }
0x43: {  	_ =	shalt  }
0x44: {  	_ =	shalt  }
0x45: {  	_ =	shalt  }
0x46: {  	_ =	shalt  }
0x47: {  	_ =	shalt  }
0x48: {  	_ =	shalt  }
0x49: {  	_ =	shalt  }
0x4a: {  	_ =	shalt  }
0x4b: {  	_ =	shalt  }
0x4c: {  	_ =	shalt  }
0x4d: {  	_ =	shalt  }
0x4e: {  	_ =	shalt  }
0x4f: {  	_ =	shalt  }
0x50: {  	_ =	shalt  }
0x51: {  	_ =	shalt  }
0x52: {  	_ =	shalt  }
0x53: {  	_ =	shalt  }
0x54: {  	_ =	shalt  }
0x55: {  	_ =	shalt  }
0x56: {  	_ =	shalt  }
0x57: {  	_ =	shalt  }
0x58: {  	_ =	shalt  }
0x59: {  	_ =	shalt  }
0x5a: {  	_ =	shalt  }
0x5b: {  	_ =	shalt  }
0x5c: {  	_ =	shalt  }
0x5d: {  	_ =	shalt  }
0x5e: {  	_ =	shalt  }
0x5f: {  	_ =	shalt  }
0x60: {  	_ =	shalt  }
0x61: {  	_ =	shalt  }
0x62: {  	_ =	shalt  }
0x63: {  	_ =	shalt  }
0x64: {  	_ =	shalt  }
0x65: {  	_ =	shalt  }
0x66: {  	_ =	shalt  }
0x67: {  	_ =	shalt  }
0x68: {  	_ =	shalt  }
0x69: {  	_ =	shalt  }
0x6a: {  	_ =	shalt  }
0x6b: {  	_ =	shalt  }
0x6c: {  	_ =	shalt  }
0x6d: {  	_ =	shalt  }
0x6e: {  	_ =	shalt  }
0x6f: {  	_ =	shalt  }
0x70: {  	_ =	shalt  }
0x71: {  	_ =	shalt  }
0x72: {  	_ =	shalt  }
0x73: {  	_ =	shalt  }
0x74: {  	_ =	shalt  }
0x75: {  	_ =	shalt  }
0x76: {  	_ =	shalt  }
0x77: {  	_ =	shalt  }
0x78: {  	_ =	shalt  }
0x79: {  	_ =	shalt  }
0x7a: {  	_ =	shalt  }
0x7b: {  	_ =	shalt  }
0x7c: {  	_ =	shalt  }
0x7d: {  	_ =	shalt  }
0x7e: {  	_ =	shalt  }
0x7f: {  	_ =	shalt  }
0x80: {  	_ =	shalt  }
0x81: {  	_ =	shalt  }
0x82: {  	_ =	shalt  }
0x83: {  	_ =	shalt  }
0x84: {  	_ =	shalt  }
0x85: {  	_ =	shalt  }
0x86: {  	_ =	shalt  }
0x87: {  	_ =	shalt  }
.Lfunc_end0:
.L_simem_size_0:
called_computation_lowered:
.L_overlay_start_0:
0x88: {  	s2 =	sld [smem:$0x3FD9]  }
0x89: {  	s3 =	sld [smem:$0x3FFE];
	_ =	sdelay $0x1  }
0x8a: {  	s1 =	srdreg.scid  }
0x8b: {  	s0 =	sand.u32 $0x1, s1  }
0x8c: {  	s18 =	sshll.u32 s0, $0xA;
	s2 =	sadd.s32 s3, s2  }
0x8d: {  	s2 =	sadd.s32 s2, s18  }
0x8e: {  	[smem:$0x3FC6] =	sst s2  }
0x8f: {  	_ = 	snop  }
0x90: {  	s2 =	sld [smem:$0x3FC9]  }
0x91: {  	s19 =	sld [smem:$0x3FC8]  }
0x92: {  	s4 =	sld [smem:$0x3FD0];
	(tm) =	ssettm $0x1  }
0x93: {  	s5 =	sld [smem:$0x3FFB];
	_ =	sdelay $0x3  }
0x94: {  	_ =	strace s5  }
0x95: {  	s5 =	sld [smem:$0x3FFC];
	_ =	sdelay $0x3  }
0x96: {  	_ =	strace s5  }
0x97: {  	s5 =	sld [smem:$0x3FFD];
	_ =	sdelay $0x3  }
0x98: {  	_ =	strace s5  }
0x99: {  	_ =	strace $0x8FFFFFFF  }
0x9a: {  	s20 =	sld [smem:$0x3FDB];
	_ =	sdelay $0x1  }
0x9b: {  	s6 =	simm.s32 $_scs_section_size  }
0x9c: {  	s7 =	simm.s32 $_size__tile_overlayer_lowered;
	s8 =	simm.s32 $_tile_overlayer_lowered  }
0x9d: {  	s23 =	simm.s32 $0x1BFF;
	s22 =	sshll.u32 s8, $0x1;
	s5 =	sadd.s32 s6, s20  }
0x9e: {  	s9 =	simm.s32 $0x0;
	s21 =	sshll.u32 s7, $0x1;
	s7 =	sadd.s32 s22, s5  }
0x9f: {  	[timem:s9], [sflag:s23] =	dma.local [hbm:s7], s21  }
0xa0: {  	_ =	swait.ge [sflag:s23], s21  }
0xa1: {  	s6 =	ssub.s32 $0x0, s21;
	[sflag:s23] =	ssyncset.done $0x0  }
0xa2: {  	[sflag:s23] =	ssyncadd.s32 s6;
	_ =	sdelay $0x1  }
0xa3: {  	s24 =	simm.s32 $0x1B8B  }
0xa4: {  	_ =	swait.ge [sflag:s24], $0x1  }
0xa5: {  	[sflag:s24] =	ssyncset.done $0x0  }
0xa6: {  	s25 =	simm.s32 $0x1B8E;
	[sflag:s24] =	ssyncadd.s32 $0xFFFFFFFF  }
0xa7: {  	s26 =	simm.s32 $execute0_lowered;
	[smem:$0x3FD2] =	sst s25  }
0xa8: {  	s6 =	sshll.u32 s26, $0x1;
	_ =	strace $0x80000046;
	[dreg:$0x1] =	wrdreg $0xFFFFFFFF  }
0xa9: {  	s28 =	simm.s32 $_size_execute0_lowered;
	s5 =	sadd.s32 s5, s6;
	[dreg:$0x0] =	wrdreg $0x0  }
0xaa: {  	s6 =	sshll.u32 s28, $0x1;
	[dreg:$0x2] =	wrdreg s5  }
0xab: {  	[dreg:$0x3] =	wrdreg s6  }
0xac: {  	[dreg:$0x4] =	wrdreg $0xC0  }
0xad: {  	_ =	task [dreg:s9], $0x5FFFF  }
0xae: {  	[dreg:$0x1] =	wrdreg $0xFFFFFFFF  }
0xaf: {  	[dreg:$0x0] =	wrdreg $0x60  }
0xb0: {  	[dreg:$0x2] =	wrdreg s2  }
0xb1: {  	[dreg:$0x3] =	wrdreg s19  }
0xb2: {  	[dreg:$0x4] =	wrdreg s4  }
0xb3: {  	[dreg:$0x5] =	wrdreg $0x9  }
0xb4: {  	_ =	task.clear_ibuf [dreg:s9], $0x6FFFF;
	_ =	strace $0x90000046  }
0xb5: {  	s29 =	simm.s32 $0x9;
	_ =	strace $0x80000048  }
0xb6: {  	_ =	swait.ge [sflag:s29], $0x1  }
0xb7: {  	[sflag:s29] =	ssyncadd.s32 $0xFFFFFFFF  }
0xb8: {  	_ =	strace $0x90000048  }
0xb9: {  	_ =	sfence  }
0xba: {  	s30 =	sld [smem:$0x0];
	_ =	sdelay $0x2  }
0xbb: {  	s31 =	sshll.u32 s1, $0xD;
	s1 =	sshrl.u32 s1, $0x2  }
0xbc: {  	s3 =	sand.u32 $0x4000, s31;
	s1 =	sadd.s32 s1, s30  }
0xbd: {  	s0 =	sor.u32 s3, s0;
	s1 =	sshll.u32 s1, $0x11  }
0xbe: {  	s0 =	sor.u32 s1, s0  }
0xbf: {  	s0 =	sadd.s32 $0x8F2B, s0  }
0xc0: {  	[sflag:s0] =	ssyncadd.remote.s32 $0x1  }
0xc1: {  	_ =	sfence.sel $0xFFFF  }
0xc2: {  	[dreg:$0x0] =	wrdreg $0xFFFFFFFF;
	(pc) =	sbr.abs _section_cstart, $3  }
0xc3: {  	[dreg:$0x1] =	wrdreg $0xFFFFFFFF  }
0xc4: {  	_ =	task.clear_ibuf [dreg:s9], $0x2FFFF;
	_ =	strace $0x9FFFFFFF  }
0xc5: {  	(tm) =	ssettm $0x7FFFFFFF  }
tec
execute0_lowered:
.L_overlay_start_1:
0x0: {  	(tag) =	ssettag $0x1  }
0x1: {  	s1 =	srdreg.scid  }
0x2: {  	s3 =	rddreg [dreg:$0x0];
	s5 =	stileid.u32;
	s6 =	sand.u32 $0x1, s1  }
0x3: {  	s12 =	rddreg [dreg:$0x1];
	s14 =	sshll.u32 s5, $0xF;
	s15 =	sshll.u32 s6, $0xE  }
0x4: {  	s0 =	rddreg [dreg:$0x2];
	s2 =	simm.s32 $0x0;
	s5 =	sor.u32 s15, s14  }
0x5: {  	[smem:$0x7FF] =	sst s2;
	s1 =	sadd.s32 s3, s5  }
0x6: {  	_ =	strace $0x80000047;
	s18 =	sadd.s32 s12, s5;
	[dreg:$0x4] =	wrdreg s1  }
0x7: {  	s7 =	sor.u32 $0x80000, s5;
	s20 =	sadd.s32 s0, s5;
	[dreg:$0x7] =	wrdreg s18  }
0x8: {  	s8 =	sor.u32 $0x100000, s5;
	s16 =	sadd.s32 s3, s7;
	[dreg:$0x9] =	wrdreg s20  }
0x9: {  	s9 =	sor.u32 $0x180000, s5;
	s17 =	sadd.s32 s3, s8;
	[dreg:$0x5] =	wrdreg s16  }
0xa: {  	s10 =	sor.u32 $0x800, s5;
	s19 =	sadd.s32 s3, s9;
	[dreg:$0x6] =	wrdreg s17  }
0xb: {  	s21 =	sadd.s32 s3, s10;
	[dreg:$0x8] =	wrdreg s19  }
0xc: {  	s23 =	sor.u32 $0x80800, s5;
	s22 =	sadd.s32 s0, s7;
	[dreg:$0xa] =	wrdreg s21  }
0xd: {  	s24 =	sadd.s32 s3, s23;
	[dreg:$0xb] =	wrdreg s22  }
0xe: {  	s26 =	sor.u32 $0x100800, s5;
	s25 =	sadd.s32 s0, s8;
	[dreg:$0xc] =	wrdreg s24  }
0xf: {  	s4 =	sadd.s32 s3, s26;
	[dreg:$0xd] =	wrdreg s25  }
0x10: {  	s9 =	sadd.s32 s0, s9;
	[dreg:$0xe] =	wrdreg s4  }
0x11: {  	s13 =	sor.u32 $0x180800, s5;
	s11 =	sadd.s32 s12, s10;
	[dreg:$0xf] =	wrdreg s9  }
0x12: {  	s14 =	sadd.s32 s3, s13;
	[dreg:$0x10] =	wrdreg s11  }
0x13: {  	s15 =	sadd.s32 s0, s10;
	[dreg:$0x11] =	wrdreg s14  }
0x14: {  	s18 =	sadd.s32 s0, s23;
	[dreg:$0x12] =	wrdreg s15  }
0x15: {  	[dreg:$0x14] =	wrdreg s18  }
0x16: {  	s21 =	sadd.s32 s0, s26;
	s1 =	rddreg [dreg:$0x4]  }
0x17: {  	s16 =	sor.u32 $0x1000, s5;
	s24 =	sadd.s32 s0, s13;
	[dreg:$0x16] =	wrdreg s21  }
0x18: {  	s19 =	sor.u32 $0x81000, s5;
	s17 =	sadd.s32 s3, s16;
	[dreg:$0x18] =	wrdreg s24  }
0x19: {  	s22 =	sor.u32 $0x101000, s5;
	s20 =	sadd.s32 s3, s19;
	[dreg:$0x13] =	wrdreg s17  }
0x1a: {  	s23 =	sadd.s32 s3, s22;
	[dreg:$0x15] =	wrdreg s20  }
0x1b: {  	s26 =	sor.u32 $0x181000, s5;
	s25 =	sadd.s32 s12, s16;
	[dreg:$0x17] =	wrdreg s23  }
0x1c: {  	s4 =	sadd.s32 s3, s26;
	[dreg:$0x19] =	wrdreg s25  }
0x1d: {  	s13 =	sor.u32 $0x1800, s5;
	s11 =	sadd.s32 s0, s16;
	[dreg:$0x1a] =	wrdreg s4  }
0x1e: {  	s14 =	sadd.s32 s3, s13;
	[dreg:$0x1b] =	wrdreg s11  }
0x1f: {  	s15 =	sadd.s32 s0, s19;
	[dreg:$0x1c] =	wrdreg s14  }
0x20: {  	s18 =	sadd.s32 s0, s22;
	[dreg:$0x1d] =	wrdreg s15  }
0x21: {  	s21 =	sadd.s32 s0, s26;
	[dreg:$0x1f] =	wrdreg s18  }
0x22: {  	s16 =	sor.u32 $0x81800, s5;
	s22 =	sadd.s32 s12, s13;
	[smem:$0x7E2] =	sst s21  }
0x23: {  	s19 =	sor.u32 $0x101800, s5;
	s17 =	sadd.s32 s3, s16;
	[smem:$0x7E3] =	sst s22  }
0x24: {  	s31 =	simm.s32 $0x5;
	s20 =	sadd.s32 s3, s19;
	[dreg:$0x1e] =	wrdreg s17  }
0x25: {  	s26 =	sor.u32 $0x2000, s5;
	s25 =	sadd.s32 s0, s13;
	[smem:$0x7E1] =	sst s20  }
0x26: {  	p0 =	por $0x0, $0x0;
	s4 =	sadd.s32 s3, s26;
	[smem:$0x7E5] =	sst s25  }
0x27: {  	s6 =	ssub.s32 $0x2, s6;
	s11 =	sadd.s32 s0, s16;
	[smem:$0x7E6] =	sst s4  }
0x28: {  	s7 =	simm.s32 $0x8000;
	s15 =	sadd.s32 s0, s19;
	[smem:$0x7E7] =	sst s11  }
0x29: {  	s10 =	simm.s32 $0x7;
	s19 =	sadd.s32 s12, s26;
	[smem:$0x7E9] =	sst s15  }
0x2a: {  	s23 =	sor.u32 $0x181800, s5;
	s22 =	sadd.s32 s0, s26;
	[smem:$0x7EC] =	sst s19  }
0x2b: {  	s13 =	sor.u32 $0x82000, s5;
	s24 =	sadd.s32 s3, s23;
	[smem:$0x7EE] =	sst s22  }
0x2c: {  	s16 =	sor.u32 $0x102000, s5;
	s14 =	sadd.s32 s3, s13;
	[smem:$0x7E4] =	sst s24  }
0x2d: {  	s9 =	sor.u32 $0x183000, s5;
	s17 =	sadd.s32 s3, s16;
	[smem:$0x7E8] =	sst s14  }
0x2e: {  	s29 =	sadd.s32 s3, s9;
	s18 =	sadd.s32 s0, s23;
	[smem:$0x7EA] =	sst s17  }
0x2f: {  	s26 =	sor.u32 $0x82800, s5;
	s25 =	sadd.s32 s0, s13;
	[smem:$0x7EB] =	sst s18  }
0x30: {  	s20 =	sor.u32 $0x182000, s5;
	s4 =	sadd.s32 s3, s26;
	[smem:$0x7F0] =	sst s25  }
0x31: {  	s23 =	sor.u32 $0x2800, s5;
	s8 =	sadd.s32 s0, s16;
	[smem:$0x7F1] =	sst s4  }
0x32: {  	s11 =	sor.u32 $0x102800, s5;
	s21 =	sadd.s32 s3, s20;
	[smem:$0x7F2] =	sst s8  }
0x33: {  	s16 =	sor.u32 $0x182800, s5;
	s24 =	sadd.s32 s3, s23;
	[smem:$0x7ED] =	sst s21  }
0x34: {  	s19 =	sor.u32 $0x3000, s5;
	s13 =	sadd.s32 s3, s11;
	[smem:$0x7EF] =	sst s24  }
0x35: {  	s22 =	sor.u32 $0x83000, s5;
	s14 =	sadd.s32 s0, s20;
	[smem:$0x7F3] =	sst s13  }
0x36: {  	s15 =	sadd.s32 s12, s23;
	s17 =	sadd.s32 s3, s16;
	[smem:$0x7F4] =	sst s14  }
0x37: {  	s18 =	sadd.s32 s0, s23;
	s20 =	sadd.s32 s3, s19;
	[smem:$0x7F5] =	sst s15  }
0x38: {  	s23 =	sadd.s32 s3, s22;
	s25 =	sor.u32 $0x103000, s5;
	[smem:$0x7F6] =	sst s17  }
0x39: {  	s4 =	sadd.s32 s0, s16;
	s28 =	sadd.s32 s0, s19;
	[smem:$0x7F7] =	sst s18  }
0x3a: {  	s8 =	simm.s32 $0x8;
	[smem:$0x7F8] =	sst s20;
	s21 =	sadd.s32 s0, s26  }
0x3b: {  	[smem:$0x7FA] =	sst s23;
	s24 =	sadd.s32 s0, s11;
	s11 =	sshrl.u32 s6, $0x1  }
0x3c: {  	s26 =	sadd.s32 s3, s25;
	[smem:$0x7FD] =	sst s4;
	s4 =	sadd.s32 s12, s19  }
0x3d: {  	s15 =	sor.u32 $0x83800, s5;
	s17 =	sor.u32 $0x103800, s5;
	[smem:$0x7F9] =	sst s21  }
0x3e: {  	s14 =	sadd.s32 s0, s9;
	s19 =	sor.u32 $0x183800, s5;
	[smem:$0x7FB] =	sst s24  }
0x3f: {  	s23 =	simm.s32 $0x9;
	s6 =	ssub.s32 s6, s11;
	[smem:$0x7FC] =	sst s26  }
0x40: {  	s11 =	sor.u32 $0x3800, s5;
	s24 =	sadd.s32 s0, s22;
	s22 =	sadd.s32 s3, s15  }
0x41: {  	s21 =	sadd.s32 s0, s25;
	s18 =	sadd.s32 s3, s17;
	s20 =	smax.u32 s6, $0x1  }
0x42: {  	s13 =	sadd.s32 s3, s19;
	s5 =	sadd.s32 s0, s15;
	p1 =	sne.s32 s20, $0x1  }
.Ltmp0:
0x43: {  	s30 =	sadd.s32 s0, s19;
	s25 =	simm.s32 $0x10000;
	(pc) =	sbr.rel @!p1 .LBB2_3-.Ltmp0, $4  }
0x44: {  	s19 =	simm.s32 $0x1;
	s15 =	simm.s32 $0x4;
	s26 =	sadd.s32 s3, s11  }
0x45: {  	s16 =	sadd.s32 s12, s11;
	s9 =	sadd.s32 s0, s11;
	s3 =	sadd.s32 s0, s17  }
0x46: {  	s11 =	simm.s32 $0x4000;
	s6 =	simm.s32 $0xC000;
	s12 =	simm.s32 $0x6  }
0x47: {  	s17 =	simm.s32 $0x3;
	s0 =	sadd.s32 $0xFFFFFFFF, s20;
	s20 =	simm.s32 $0x2  }
0x48: {  	[smem:$0x7DE] =	sst s0  }
0x49: {  	[tilespmem:s2], [sflag:$0x1] =	stream.linear.gather [hbm4b:s1+s2], $0x4000, $0x38;
	[tilespmem:$0x14000] =	vst v63  }
0x4a: {  	s0 =	rddreg [dreg:$0x5]  }
0x4b: {  	[tilespmem:s11], [sflag:$0x2] =	stream.linear.gather [hbm4b:s0+s2], $0x4000, $0x38;
	[tilespmem:$0x14000] =	vst v63  }
0x4c: {  	s1 =	rddreg [dreg:$0x6]  }
0x4d: {  	[tilespmem:s7], [sflag:$0x3] =	stream.linear.gather [hbm4b:s1+s2], $0x4000, $0x38;
	[tilespmem:$0x14000] =	vst v63  }
0x4e: {  	s0 =	rddreg [dreg:$0x7]  }
0x4f: {  	[tilespmem:s25], [sflag:$0x9] =	stream.linear.gather [hbm4b:s0+s2], $0x4000, $0x38;
	[tilespmem:$0x14000] =	vst v63  }
0x50: {  	_ =	swait.ge [sflag:s23], $0x4000  }
0x51: {  	[sflag:s23] =	ssyncset.done $0x0  }
0x52: {  	s1 =	rddreg [dreg:$0x8];
	[sflag:s23] =	ssyncadd.s32 $0xFFFFC000  }
0x53: {  	[tilespmem:s6], [sflag:$0x4] =	stream.linear.gather [hbm4b:s1+s2], $0x4000, $0x38;
	[tilespmem:$0x14000] =	vst v63  }
0x54: {  	_ =	swait.ge [sflag:s19], $0x4000  }
0x55: {  	[sflag:s19] =	ssyncset.done $0x0  }
0x56: {  	s1 =	rddreg [dreg:$0x9];
	[sflag:s19] =	ssyncadd.s32 $0xFFFFC000  }
0x57: {  	[hbm4b:s1+s2] =	stream.linear.scatter [tilespmem:s2], [sflag:$0x5], $0x4000, $0x38;
	[tilespmem:$0x14000] =	vst v63  }
0x58: {  	_ =	swait.ge [sflag:s31], $0x4000  }
0x59: {  	[sflag:s31] =	ssyncset.done $0x0  }
0x5a: {  	s1 =	rddreg [dreg:$0xa];
	[sflag:s31] =	ssyncadd.s32 $0xFFFFC000  }
0x5b: {  	[tilespmem:s2], [sflag:$0x1] =	stream.linear.gather [hbm4b:s1+s2], $0x4000, $0x38;
	[tilespmem:$0x14000] =	vst v63  }
0x5c: {  	_ =	swait.ge [sflag:s20], $0x4000  }
0x5d: {  	[sflag:s20] =	ssyncset.done $0x0  }
0x5e: {  	s1 =	rddreg [dreg:$0xb];
	[sflag:s20] =	ssyncadd.s32 $0xFFFFC000  }
0x5f: {  	[hbm4b:s1+s2] =	stream.linear.scatter [tilespmem:s11], [sflag:$0x6], $0x4000, $0x38;
	[tilespmem:$0x14000] =	vst v63  }
0x60: {  	_ =	swait.ge [sflag:s12], $0x4000  }
0x61: {  	[sflag:s12] =	ssyncset.done $0x0  }
0x62: {  	s1 =	rddreg [dreg:$0xc];
	[sflag:s12] =	ssyncadd.s32 $0xFFFFC000  }
0x63: {  	[tilespmem:s11], [sflag:$0x2] =	stream.linear.gather [hbm4b:s1+s2], $0x4000, $0x38;
	[tilespmem:$0x14000] =	vst v63  }
0x64: {  	_ =	swait.ge [sflag:s17], $0x4000  }
0x65: {  	[sflag:s17] =	ssyncset.done $0x0  }
0x66: {  	s1 =	rddreg [dreg:$0xd];
	[sflag:s17] =	ssyncadd.s32 $0xFFFFC000  }
0x67: {  	[hbm4b:s1+s2] =	stream.linear.scatter [tilespmem:s7], [sflag:$0x7], $0x4000, $0x38;
	[tilespmem:$0x14000] =	vst v63  }
0x68: {  	_ =	swait.ge [sflag:s10], $0x4000  }
0x69: {  	[sflag:s10] =	ssyncset.done $0x0  }
0x6a: {  	s1 =	rddreg [dreg:$0xe];
	[sflag:s10] =	ssyncadd.s32 $0xFFFFC000  }
0x6b: {  	[tilespmem:s7], [sflag:$0x3] =	stream.linear.gather [hbm4b:s1+s2], $0x4000, $0x38;
	[tilespmem:$0x14000] =	vst v63  }
0x6c: {  	_ =	swait.ge [sflag:s15], $0x4000  }
0x6d: {  	[sflag:s15] =	ssyncset.done $0x0  }
0x6e: {  	s0 =	rddreg [dreg:$0xf];
	[sflag:s15] =	ssyncadd.s32 $0xFFFFC000  }
0x6f: {  	[hbm4b:s0+s2] =	stream.linear.scatter [tilespmem:s6], [sflag:$0x8], $0x4000, $0x38;
	[tilespmem:$0x14000] =	vst v63  }
0x70: {  	s1 =	rddreg [dreg:$0x10]  }
0x71: {  	[tilespmem:s25], [sflag:$0x9] =	stream.linear.gather [hbm4b:s1+s2], $0x4000, $0x38;
	[tilespmem:$0x14000] =	vst v63  }
0x72: {  	_ =	swait.ge [sflag:s23], $0x4000  }
0x73: {  	[sflag:s23] =	ssyncset.done $0x0  }
0x74: {  	[sflag:s23] =	ssyncadd.s32 $0xFFFFC000  }
0x75: {  	_ =	swait.ge [sflag:s8], $0x4000  }
0x76: {  	[sflag:s8] =	ssyncset.done $0x0  }
0x77: {  	s1 =	rddreg [dreg:$0x11];
	[sflag:s8] =	ssyncadd.s32 $0xFFFFC000  }
0x78: {  	[tilespmem:s6], [sflag:$0x4] =	stream.linear.gather [hbm4b:s1+s2], $0x4000, $0x38;
	[tilespmem:$0x14000] =	vst v63  }
0x79: {  	_ =	swait.ge [sflag:s19], $0x4000  }
0x7a: {  	[sflag:s19] =	ssyncset.done $0x0  }
0x7b: {  	s1 =	rddreg [dreg:$0x12];
	[sflag:s19] =	ssyncadd.s32 $0xFFFFC000  }
0x7c: {  	[hbm4b:s1+s2] =	stream.linear.scatter [tilespmem:s2], [sflag:$0x5], $0x4000, $0x38;
	[tilespmem:$0x14000] =	vst v63  }
0x7d: {  	_ =	swait.ge [sflag:s31], $0x4000  }
0x7e: {  	[sflag:s31] =	ssyncset.done $0x0  }
0x7f: {  	s1 =	rddreg [dreg:$0x13];
	[sflag:s31] =	ssyncadd.s32 $0xFFFFC000  }
0x80: {  	[tilespmem:s2], [sflag:$0x1] =	stream.linear.gather [hbm4b:s1+s2], $0x4000, $0x38;
	[tilespmem:$0x14000] =	vst v63  }
0x81: {  	_ =	swait.ge [sflag:s20], $0x4000  }
0x82: {  	[sflag:s20] =	ssyncset.done $0x0  }
0x83: {  	s1 =	rddreg [dreg:$0x14];
	[sflag:s20] =	ssyncadd.s32 $0xFFFFC000  }
0x84: {  	[hbm4b:s1+s2] =	stream.linear.scatter [tilespmem:s11], [sflag:$0x6], $0x4000, $0x38;
	[tilespmem:$0x14000] =	vst v63  }
0x85: {  	_ =	swait.ge [sflag:s12], $0x4000  }
0x86: {  	[sflag:s12] =	ssyncset.done $0x0  }
0x87: {  	s1 =	rddreg [dreg:$0x15];
	[sflag:s12] =	ssyncadd.s32 $0xFFFFC000  }
0x88: {  	[tilespmem:s11], [sflag:$0x2] =	stream.linear.gather [hbm4b:s1+s2], $0x4000, $0x38;
	[tilespmem:$0x14000] =	vst v63  }
0x89: {  	_ =	swait.ge [sflag:s17], $0x4000  }
0x8a: {  	[sflag:s17] =	ssyncset.done $0x0  }
0x8b: {  	s1 =	rddreg [dreg:$0x16];
	[sflag:s17] =	ssyncadd.s32 $0xFFFFC000  }
0x8c: {  	[hbm4b:s1+s2] =	stream.linear.scatter [tilespmem:s7], [sflag:$0x7], $0x4000, $0x38;
	[tilespmem:$0x14000] =	vst v63  }
0x8d: {  	_ =	swait.ge [sflag:s10], $0x4000  }
0x8e: {  	[sflag:s10] =	ssyncset.done $0x0  }
0x8f: {  	s1 =	rddreg [dreg:$0x17];
	[sflag:s10] =	ssyncadd.s32 $0xFFFFC000  }
0x90: {  	[tilespmem:s7], [sflag:$0x3] =	stream.linear.gather [hbm4b:s1+s2], $0x4000, $0x38;
	[tilespmem:$0x14000] =	vst v63  }
0x91: {  	_ =	swait.ge [sflag:s15], $0x4000  }
0x92: {  	[sflag:s15] =	ssyncset.done $0x0  }
0x93: {  	s0 =	rddreg [dreg:$0x18];
	[sflag:s15] =	ssyncadd.s32 $0xFFFFC000  }
0x94: {  	[hbm4b:s0+s2] =	stream.linear.scatter [tilespmem:s6], [sflag:$0x8], $0x4000, $0x38;
	[tilespmem:$0x14000] =	vst v63  }
0x95: {  	s1 =	rddreg [dreg:$0x19]  }
0x96: {  	[tilespmem:s25], [sflag:$0x9] =	stream.linear.gather [hbm4b:s1+s2], $0x4000, $0x38;
	[tilespmem:$0x14000] =	vst v63  }
0x97: {  	_ =	swait.ge [sflag:s23], $0x4000  }
0x98: {  	[sflag:s23] =	ssyncset.done $0x0  }
0x99: {  	[sflag:s23] =	ssyncadd.s32 $0xFFFFC000  }
0x9a: {  	_ =	swait.ge [sflag:s8], $0x4000  }
0x9b: {  	[sflag:s8] =	ssyncset.done $0x0  }
0x9c: {  	s1 =	rddreg [dreg:$0x1a];
	[sflag:s8] =	ssyncadd.s32 $0xFFFFC000  }
0x9d: {  	[tilespmem:s6], [sflag:$0x4] =	stream.linear.gather [hbm4b:s1+s2], $0x4000, $0x38;
	[tilespmem:$0x14000] =	vst v63  }
0x9e: {  	_ =	swait.ge [sflag:s19], $0x4000  }
0x9f: {  	[sflag:s19] =	ssyncset.done $0x0  }
0xa0: {  	s1 =	rddreg [dreg:$0x1b];
	[sflag:s19] =	ssyncadd.s32 $0xFFFFC000  }
0xa1: {  	[hbm4b:s1+s2] =	stream.linear.scatter [tilespmem:s2], [sflag:$0x5], $0x4000, $0x38;
	[tilespmem:$0x14000] =	vst v63  }
0xa2: {  	_ =	swait.ge [sflag:s31], $0x4000  }
0xa3: {  	[sflag:s31] =	ssyncset.done $0x0  }
0xa4: {  	s1 =	rddreg [dreg:$0x1c];
	[sflag:s31] =	ssyncadd.s32 $0xFFFFC000  }
0xa5: {  	[tilespmem:s2], [sflag:$0x1] =	stream.linear.gather [hbm4b:s1+s2], $0x4000, $0x38;
	[tilespmem:$0x14000] =	vst v63  }
0xa6: {  	_ =	swait.ge [sflag:s20], $0x4000  }
0xa7: {  	[sflag:s20] =	ssyncset.done $0x0  }
0xa8: {  	s1 =	rddreg [dreg:$0x1d];
	[sflag:s20] =	ssyncadd.s32 $0xFFFFC000  }
0xa9: {  	[hbm4b:s1+s2] =	stream.linear.scatter [tilespmem:s11], [sflag:$0x6], $0x4000, $0x38;
	[tilespmem:$0x14000] =	vst v63  }
0xaa: {  	_ =	swait.ge [sflag:s12], $0x4000  }
0xab: {  	[sflag:s12] =	ssyncset.done $0x0  }
0xac: {  	s1 =	rddreg [dreg:$0x1e];
	[sflag:s12] =	ssyncadd.s32 $0xFFFFC000  }
0xad: {  	[tilespmem:s11], [sflag:$0x2] =	stream.linear.gather [hbm4b:s1+s2], $0x4000, $0x38;
	[tilespmem:$0x14000] =	vst v63  }
0xae: {  	_ =	swait.ge [sflag:s17], $0x4000  }
0xaf: {  	[sflag:s17] =	ssyncset.done $0x0  }
0xb0: {  	s1 =	rddreg [dreg:$0x1f];
	[sflag:s17] =	ssyncadd.s32 $0xFFFFC000  }
0xb1: {  	[hbm4b:s1+s2] =	stream.linear.scatter [tilespmem:s7], [sflag:$0x7], $0x4000, $0x38;
	[tilespmem:$0x14000] =	vst v63  }
0xb2: {  	_ =	swait.ge [sflag:s10], $0x4000  }
0xb3: {  	s1 =	sld [smem:$0x7E1]  }
0xb4: {  	[sflag:s10] =	ssyncset.done $0x0  }
0xb5: {  	[sflag:s10] =	ssyncadd.s32 $0xFFFFC000  }
0xb6: {  	[tilespmem:s7], [sflag:$0x3] =	stream.linear.gather [hbm4b:s1+s2], $0x4000, $0x38;
	[tilespmem:$0x14000] =	vst v63  }
0xb7: {  	_ =	swait.ge [sflag:s15], $0x4000  }
0xb8: {  	s0 =	sld [smem:$0x7E2]  }
0xb9: {  	[sflag:s15] =	ssyncset.done $0x0  }
0xba: {  	s1 =	sld [smem:$0x7E3];
	[sflag:s15] =	ssyncadd.s32 $0xFFFFC000  }
0xbb: {  	[hbm4b:s0+s2] =	stream.linear.scatter [tilespmem:s6], [sflag:$0x8], $0x4000, $0x38;
	[tilespmem:$0x14000] =	vst v63  }
0xbc: {  	_ = 	snop  }
0xbd: {  	[tilespmem:s25], [sflag:$0x9] =	stream.linear.gather [hbm4b:s1+s2], $0x4000, $0x38;
	[tilespmem:$0x14000] =	vst v63  }
0xbe: {  	_ =	swait.ge [sflag:s23], $0x4000  }
0xbf: {  	[sflag:s23] =	ssyncset.done $0x0  }
0xc0: {  	[sflag:s23] =	ssyncadd.s32 $0xFFFFC000  }
0xc1: {  	_ =	swait.ge [sflag:s8], $0x4000  }
0xc2: {  	s1 =	sld [smem:$0x7E4]  }
0xc3: {  	[sflag:s8] =	ssyncset.done $0x0  }
0xc4: {  	[sflag:s8] =	ssyncadd.s32 $0xFFFFC000  }
0xc5: {  	[tilespmem:s6], [sflag:$0x4] =	stream.linear.gather [hbm4b:s1+s2], $0x4000, $0x38;
	[tilespmem:$0x14000] =	vst v63  }
0xc6: {  	_ =	swait.ge [sflag:s19], $0x4000  }
0xc7: {  	s1 =	sld [smem:$0x7E5]  }
0xc8: {  	[sflag:s19] =	ssyncset.done $0x0  }
0xc9: {  	[sflag:s19] =	ssyncadd.s32 $0xFFFFC000  }
0xca: {  	[hbm4b:s1+s2] =	stream.linear.scatter [tilespmem:s2], [sflag:$0x5], $0x4000, $0x38;
	[tilespmem:$0x14000] =	vst v63  }
0xcb: {  	_ =	swait.ge [sflag:s31], $0x4000  }
0xcc: {  	s1 =	sld [smem:$0x7E6]  }
0xcd: {  	[sflag:s31] =	ssyncset.done $0x0  }
0xce: {  	[sflag:s31] =	ssyncadd.s32 $0xFFFFC000  }
0xcf: {  	[tilespmem:s2], [sflag:$0x1] =	stream.linear.gather [hbm4b:s1+s2], $0x4000, $0x38;
	[tilespmem:$0x14000] =	vst v63  }
0xd0: {  	_ =	swait.ge [sflag:s20], $0x4000  }
0xd1: {  	s1 =	sld [smem:$0x7E7]  }
0xd2: {  	[sflag:s20] =	ssyncset.done $0x0  }
0xd3: {  	[sflag:s20] =	ssyncadd.s32 $0xFFFFC000  }
0xd4: {  	[hbm4b:s1+s2] =	stream.linear.scatter [tilespmem:s11], [sflag:$0x6], $0x4000, $0x38;
	[tilespmem:$0x14000] =	vst v63  }
0xd5: {  	_ =	swait.ge [sflag:s12], $0x4000  }
0xd6: {  	s1 =	sld [smem:$0x7E8]  }
0xd7: {  	[sflag:s12] =	ssyncset.done $0x0  }
0xd8: {  	[sflag:s12] =	ssyncadd.s32 $0xFFFFC000  }
0xd9: {  	[tilespmem:s11], [sflag:$0x2] =	stream.linear.gather [hbm4b:s1+s2], $0x4000, $0x38;
	[tilespmem:$0x14000] =	vst v63  }
0xda: {  	_ =	swait.ge [sflag:s17], $0x4000  }
0xdb: {  	s1 =	sld [smem:$0x7E9]  }
0xdc: {  	[sflag:s17] =	ssyncset.done $0x0  }
0xdd: {  	[sflag:s17] =	ssyncadd.s32 $0xFFFFC000  }
0xde: {  	[hbm4b:s1+s2] =	stream.linear.scatter [tilespmem:s7], [sflag:$0x7], $0x4000, $0x38;
	[tilespmem:$0x14000] =	vst v63  }
0xdf: {  	_ =	swait.ge [sflag:s10], $0x4000  }
0xe0: {  	s1 =	sld [smem:$0x7EA]  }
0xe1: {  	[sflag:s10] =	ssyncset.done $0x0  }
0xe2: {  	[sflag:s10] =	ssyncadd.s32 $0xFFFFC000  }
0xe3: {  	[tilespmem:s7], [sflag:$0x3] =	stream.linear.gather [hbm4b:s1+s2], $0x4000, $0x38;
	[tilespmem:$0x14000] =	vst v63  }
0xe4: {  	_ =	swait.ge [sflag:s15], $0x4000  }
0xe5: {  	s0 =	sld [smem:$0x7EB]  }
0xe6: {  	[sflag:s15] =	ssyncset.done $0x0  }
0xe7: {  	s1 =	sld [smem:$0x7EC];
	[sflag:s15] =	ssyncadd.s32 $0xFFFFC000  }
0xe8: {  	[hbm4b:s0+s2] =	stream.linear.scatter [tilespmem:s6], [sflag:$0x8], $0x4000, $0x38;
	[tilespmem:$0x14000] =	vst v63  }
0xe9: {  	_ = 	snop  }
0xea: {  	[tilespmem:s25], [sflag:$0x9] =	stream.linear.gather [hbm4b:s1+s2], $0x4000, $0x38;
	[tilespmem:$0x14000] =	vst v63  }
0xeb: {  	_ =	swait.ge [sflag:s23], $0x4000  }
0xec: {  	[sflag:s23] =	ssyncset.done $0x0  }
0xed: {  	[sflag:s23] =	ssyncadd.s32 $0xFFFFC000  }
0xee: {  	_ =	swait.ge [sflag:s8], $0x4000  }
0xef: {  	s1 =	sld [smem:$0x7ED]  }
0xf0: {  	[sflag:s8] =	ssyncset.done $0x0  }
0xf1: {  	[sflag:s8] =	ssyncadd.s32 $0xFFFFC000  }
0xf2: {  	[tilespmem:s6], [sflag:$0x4] =	stream.linear.gather [hbm4b:s1+s2], $0x4000, $0x38;
	[tilespmem:$0x14000] =	vst v63  }
0xf3: {  	_ =	swait.ge [sflag:s19], $0x4000  }
0xf4: {  	s1 =	sld [smem:$0x7EE]  }
0xf5: {  	[sflag:s19] =	ssyncset.done $0x0  }
0xf6: {  	[sflag:s19] =	ssyncadd.s32 $0xFFFFC000  }
0xf7: {  	[hbm4b:s1+s2] =	stream.linear.scatter [tilespmem:s2], [sflag:$0x5], $0x4000, $0x38;
	[tilespmem:$0x14000] =	vst v63  }
0xf8: {  	_ =	swait.ge [sflag:s31], $0x4000  }
0xf9: {  	s1 =	sld [smem:$0x7EF]  }
0xfa: {  	[sflag:s31] =	ssyncset.done $0x0  }
0xfb: {  	[sflag:s31] =	ssyncadd.s32 $0xFFFFC000  }
0xfc: {  	[tilespmem:s2], [sflag:$0x1] =	stream.linear.gather [hbm4b:s1+s2], $0x4000, $0x38;
	[tilespmem:$0x14000] =	vst v63  }
0xfd: {  	_ =	swait.ge [sflag:s20], $0x4000  }
0xfe: {  	s1 =	sld [smem:$0x7F0]  }
0xff: {  	[sflag:s20] =	ssyncset.done $0x0  }
0x100: {  	[sflag:s20] =	ssyncadd.s32 $0xFFFFC000  }
0x101: {  	[hbm4b:s1+s2] =	stream.linear.scatter [tilespmem:s11], [sflag:$0x6], $0x4000, $0x38;
	[tilespmem:$0x14000] =	vst v63  }
0x102: {  	_ =	swait.ge [sflag:s12], $0x4000  }
0x103: {  	s1 =	sld [smem:$0x7F1]  }
0x104: {  	[sflag:s12] =	ssyncset.done $0x0  }
0x105: {  	[sflag:s12] =	ssyncadd.s32 $0xFFFFC000  }
0x106: {  	[tilespmem:s11], [sflag:$0x2] =	stream.linear.gather [hbm4b:s1+s2], $0x4000, $0x38;
	[tilespmem:$0x14000] =	vst v63  }
0x107: {  	_ =	swait.ge [sflag:s17], $0x4000  }
0x108: {  	s1 =	sld [smem:$0x7F2]  }
0x109: {  	[sflag:s17] =	ssyncset.done $0x0  }
0x10a: {  	[sflag:s17] =	ssyncadd.s32 $0xFFFFC000  }
0x10b: {  	[hbm4b:s1+s2] =	stream.linear.scatter [tilespmem:s7], [sflag:$0x7], $0x4000, $0x38;
	[tilespmem:$0x14000] =	vst v63  }
0x10c: {  	_ =	swait.ge [sflag:s10], $0x4000  }
0x10d: {  	s1 =	sld [smem:$0x7F3]  }
0x10e: {  	[sflag:s10] =	ssyncset.done $0x0  }
0x10f: {  	[sflag:s10] =	ssyncadd.s32 $0xFFFFC000  }
0x110: {  	[tilespmem:s7], [sflag:$0x3] =	stream.linear.gather [hbm4b:s1+s2], $0x4000, $0x38;
	[tilespmem:$0x14000] =	vst v63  }
0x111: {  	_ =	swait.ge [sflag:s15], $0x4000  }
0x112: {  	s0 =	sld [smem:$0x7F4]  }
0x113: {  	[sflag:s15] =	ssyncset.done $0x0  }
0x114: {  	s1 =	sld [smem:$0x7F5];
	[sflag:s15] =	ssyncadd.s32 $0xFFFFC000  }
0x115: {  	[hbm4b:s0+s2] =	stream.linear.scatter [tilespmem:s6], [sflag:$0x8], $0x4000, $0x38;
	[tilespmem:$0x14000] =	vst v63  }
0x116: {  	_ = 	snop  }
0x117: {  	[tilespmem:s25], [sflag:$0x9] =	stream.linear.gather [hbm4b:s1+s2], $0x4000, $0x38;
	[tilespmem:$0x14000] =	vst v63  }
0x118: {  	_ =	swait.ge [sflag:s23], $0x4000  }
0x119: {  	[sflag:s23] =	ssyncset.done $0x0  }
0x11a: {  	[sflag:s23] =	ssyncadd.s32 $0xFFFFC000  }
0x11b: {  	_ =	swait.ge [sflag:s8], $0x4000  }
0x11c: {  	s1 =	sld [smem:$0x7F6]  }
0x11d: {  	[sflag:s8] =	ssyncset.done $0x0  }
0x11e: {  	[sflag:s8] =	ssyncadd.s32 $0xFFFFC000  }
0x11f: {  	[tilespmem:s6], [sflag:$0x4] =	stream.linear.gather [hbm4b:s1+s2], $0x4000, $0x38;
	[tilespmem:$0x14000] =	vst v63  }
0x120: {  	_ =	swait.ge [sflag:s19], $0x4000  }
0x121: {  	s1 =	sld [smem:$0x7F7]  }
0x122: {  	[sflag:s19] =	ssyncset.done $0x0  }
0x123: {  	[sflag:s19] =	ssyncadd.s32 $0xFFFFC000  }
0x124: {  	[hbm4b:s1+s2] =	stream.linear.scatter [tilespmem:s2], [sflag:$0x5], $0x4000, $0x38;
	[tilespmem:$0x14000] =	vst v63  }
0x125: {  	_ =	swait.ge [sflag:s31], $0x4000  }
0x126: {  	s1 =	sld [smem:$0x7F8]  }
0x127: {  	[sflag:s31] =	ssyncset.done $0x0  }
0x128: {  	[sflag:s31] =	ssyncadd.s32 $0xFFFFC000  }
0x129: {  	[tilespmem:s2], [sflag:$0x1] =	stream.linear.gather [hbm4b:s1+s2], $0x4000, $0x38;
	[tilespmem:$0x14000] =	vst v63  }
0x12a: {  	_ =	swait.ge [sflag:s20], $0x4000  }
0x12b: {  	s1 =	sld [smem:$0x7F9]  }
0x12c: {  	[sflag:s20] =	ssyncset.done $0x0  }
0x12d: {  	[sflag:s20] =	ssyncadd.s32 $0xFFFFC000  }
0x12e: {  	[hbm4b:s1+s2] =	stream.linear.scatter [tilespmem:s11], [sflag:$0x6], $0x4000, $0x38;
	[tilespmem:$0x14000] =	vst v63  }
0x12f: {  	_ =	swait.ge [sflag:s12], $0x4000  }
0x130: {  	s1 =	sld [smem:$0x7FA]  }
0x131: {  	[sflag:s12] =	ssyncset.done $0x0  }
0x132: {  	[sflag:s12] =	ssyncadd.s32 $0xFFFFC000  }
0x133: {  	[tilespmem:s11], [sflag:$0x2] =	stream.linear.gather [hbm4b:s1+s2], $0x4000, $0x38;
	[tilespmem:$0x14000] =	vst v63  }
0x134: {  	_ =	swait.ge [sflag:s17], $0x4000  }
0x135: {  	s1 =	sld [smem:$0x7FB]  }
0x136: {  	[sflag:s17] =	ssyncset.done $0x0  }
0x137: {  	[sflag:s17] =	ssyncadd.s32 $0xFFFFC000  }
0x138: {  	[hbm4b:s1+s2] =	stream.linear.scatter [tilespmem:s7], [sflag:$0x7], $0x4000, $0x38;
	[tilespmem:$0x14000] =	vst v63  }
0x139: {  	_ =	swait.ge [sflag:s10], $0x4000  }
0x13a: {  	s1 =	sld [smem:$0x7FC]  }
0x13b: {  	[sflag:s10] =	ssyncset.done $0x0  }
0x13c: {  	[sflag:s10] =	ssyncadd.s32 $0xFFFFC000  }
0x13d: {  	[tilespmem:s7], [sflag:$0x3] =	stream.linear.gather [hbm4b:s1+s2], $0x4000, $0x38;
	[tilespmem:$0x14000] =	vst v63  }
0x13e: {  	_ =	swait.ge [sflag:s15], $0x4000  }
0x13f: {  	s1 =	sld [smem:$0x7FD]  }
0x140: {  	[sflag:s15] =	ssyncset.done $0x0  }
0x141: {  	[sflag:s15] =	ssyncadd.s32 $0xFFFFC000  }
0x142: {  	[hbm4b:s1+s2] =	stream.linear.scatter [tilespmem:s6], [sflag:$0x8], $0x4000, $0x38;
	[tilespmem:$0x14000] =	vst v63  }
0x143: {  	_ = 	snop  }
0x144: {  	[tilespmem:s25], [sflag:$0x9] =	stream.linear.gather [hbm4b:s4+s2], $0x4000, $0x38;
	[tilespmem:$0x14000] =	vst v63  }
0x145: {  	_ =	swait.ge [sflag:s23], $0x4000  }
0x146: {  	[sflag:s23] =	ssyncset.done $0x0  }
0x147: {  	[sflag:s23] =	ssyncadd.s32 $0xFFFFC000  }
0x148: {  	_ =	swait.ge [sflag:s8], $0x4000  }
0x149: {  	[sflag:s8] =	ssyncset.done $0x0  }
0x14a: {  	[sflag:s8] =	ssyncadd.s32 $0xFFFFC000  }
0x14b: {  	[tilespmem:s6], [sflag:$0x4] =	stream.linear.gather [hbm4b:s29+s2], $0x4000, $0x38;
	[tilespmem:$0x14000] =	vst v63  }
0x14c: {  	_ =	swait.ge [sflag:s19], $0x4000  }
0x14d: {  	[sflag:s19] =	ssyncset.done $0x0  }
0x14e: {  	[sflag:s19] =	ssyncadd.s32 $0xFFFFC000  }
0x14f: {  	[hbm4b:s28+s2] =	stream.linear.scatter [tilespmem:s2], [sflag:$0x5], $0x4000, $0x38;
	[tilespmem:$0x14000] =	vst v63  }
0x150: {  	_ =	swait.ge [sflag:s31], $0x4000  }
0x151: {  	[sflag:s31] =	ssyncset.done $0x0  }
0x152: {  	[sflag:s31] =	ssyncadd.s32 $0xFFFFC000  }
0x153: {  	[tilespmem:s2], [sflag:$0x1] =	stream.linear.gather [hbm4b:s26+s2], $0x4000, $0x38;
	[tilespmem:$0x14000] =	vst v63  }
0x154: {  	_ =	swait.ge [sflag:s20], $0x4000  }
0x155: {  	[sflag:s20] =	ssyncset.done $0x0  }
0x156: {  	[sflag:s20] =	ssyncadd.s32 $0xFFFFC000  }
0x157: {  	[hbm4b:s24+s2] =	stream.linear.scatter [tilespmem:s11], [sflag:$0x6], $0x4000, $0x38;
	[tilespmem:$0x14000] =	vst v63  }
0x158: {  	_ =	swait.ge [sflag:s12], $0x4000  }
0x159: {  	[sflag:s12] =	ssyncset.done $0x0  }
0x15a: {  	[sflag:s12] =	ssyncadd.s32 $0xFFFFC000  }
0x15b: {  	[tilespmem:s11], [sflag:$0x2] =	stream.linear.gather [hbm4b:s22+s2], $0x4000, $0x38;
	[tilespmem:$0x14000] =	vst v63  }
0x15c: {  	_ =	swait.ge [sflag:s17], $0x4000  }
0x15d: {  	[sflag:s17] =	ssyncset.done $0x0  }
0x15e: {  	[sflag:s17] =	ssyncadd.s32 $0xFFFFC000  }
0x15f: {  	[hbm4b:s21+s2] =	stream.linear.scatter [tilespmem:s7], [sflag:$0x7], $0x4000, $0x38;
	[tilespmem:$0x14000] =	vst v63  }
0x160: {  	_ =	swait.ge [sflag:s10], $0x4000  }
0x161: {  	[sflag:s10] =	ssyncset.done $0x0  }
0x162: {  	[sflag:s10] =	ssyncadd.s32 $0xFFFFC000  }
0x163: {  	[tilespmem:s7], [sflag:$0x3] =	stream.linear.gather [hbm4b:s18+s2], $0x4000, $0x38;
	[tilespmem:$0x14000] =	vst v63  }
0x164: {  	_ =	swait.ge [sflag:s15], $0x4000  }
0x165: {  	[sflag:s15] =	ssyncset.done $0x0  }
0x166: {  	[sflag:s15] =	ssyncadd.s32 $0xFFFFC000  }
0x167: {  	[hbm4b:s14+s2] =	stream.linear.scatter [tilespmem:s6], [sflag:$0x8], $0x4000, $0x38;
	[tilespmem:$0x14000] =	vst v63  }
0x168: {  	_ = 	snop  }
0x169: {  	[tilespmem:s25], [sflag:$0x9] =	stream.linear.gather [hbm4b:s16+s2], $0x4000, $0x38;
	[tilespmem:$0x14000] =	vst v63  }
0x16a: {  	_ =	swait.ge [sflag:s23], $0x4000  }
0x16b: {  	[sflag:s23] =	ssyncset.done $0x0  }
0x16c: {  	[sflag:s23] =	ssyncadd.s32 $0xFFFFC000  }
0x16d: {  	_ =	swait.ge [sflag:s8], $0x4000  }
0x16e: {  	[sflag:s8] =	ssyncset.done $0x0  }
0x16f: {  	[sflag:s8] =	ssyncadd.s32 $0xFFFFC000  }
0x170: {  	[tilespmem:s6], [sflag:$0x4] =	stream.linear.gather [hbm4b:s13+s2], $0x4000, $0x38;
	[tilespmem:$0x14000] =	vst v63  }
0x171: {  	_ =	swait.ge [sflag:s19], $0x4000  }
0x172: {  	[sflag:s19] =	ssyncset.done $0x0  }
0x173: {  	[sflag:s19] =	ssyncadd.s32 $0xFFFFC000  }
0x174: {  	[hbm4b:s9+s2] =	stream.linear.scatter [tilespmem:s2], [sflag:$0x5], $0x4000, $0x38;
	[tilespmem:$0x14000] =	vst v63  }
0x175: {  	_ =	swait.ge [sflag:s20], $0x4000  }
0x176: {  	[sflag:s20] =	ssyncset.done $0x0  }
0x177: {  	[sflag:s20] =	ssyncadd.s32 $0xFFFFC000  }
0x178: {  	[hbm4b:s5+s2] =	stream.linear.scatter [tilespmem:s11], [sflag:$0x6], $0x4000, $0x38;
	[tilespmem:$0x14000] =	vst v63  }
0x179: {  	_ =	swait.ge [sflag:s17], $0x4000  }
0x17a: {  	[sflag:s17] =	ssyncset.done $0x0  }
0x17b: {  	[sflag:s17] =	ssyncadd.s32 $0xFFFFC000  }
0x17c: {  	[hbm4b:s3+s2] =	stream.linear.scatter [tilespmem:s7], [sflag:$0x7], $0x4000, $0x38;
	[tilespmem:$0x14000] =	vst v63  }
0x17d: {  	_ =	swait.ge [sflag:s15], $0x4000  }
0x17e: {  	[sflag:s15] =	ssyncset.done $0x0  }
0x17f: {  	[sflag:s15] =	ssyncadd.s32 $0xFFFFC000  }
0x180: {  	[hbm4b:s30+s2] =	stream.linear.scatter [tilespmem:s6], [sflag:$0x8], $0x4000, $0x38;
	[tilespmem:$0x14000] =	vst v63  }
0x181: {  	_ =	swait.ge [sflag:s12], $0x4000  }
0x182: {  	[sflag:s12] =	ssyncset.done $0x0  }
0x183: {  	[sflag:s12] =	ssyncadd.s32 $0xFFFFC000  }
0x184: {  	_ =	swait.ge [sflag:s10], $0x4000  }
0x185: {  	s1 =	sld [smem:$0x7DE];
	_ =	sdelay $0x2  }
0x186: {  	[sflag:s10] =	ssyncset.done $0x0;
	p1 =	sne.s32 s1, $0x1  }
.Ltmp1:
0x187: {  	[sflag:s10] =	ssyncadd.s32 $0xFFFFC000;
	(pc) =	sbr.rel @!p1 .LBB2_3-.Ltmp1, $4  }
0x188: {  	_ =	swait.ge [sflag:s8], $0x4000  }
0x189: {  	s0 =	sadd.s32 $0xFFFFFFFF, s1;
	s1 =	rddreg [dreg:$0x4]  }
0x18a: {  	[smem:$0x7DF] =	sst s4  }
0x18b: {  	p0 =	por $0x1, $0x1;
	[sflag:s8] =	ssyncset.done $0x0;
	[smem:$0x7E0] =	sst s29  }
.LBB2_2:
0x18c: {  	[sflag:s8] =	ssyncadd.s32 $0xFFFFC000  }
0x18d: {  	s29 =	smov.u32 s28;
	s28 =	smov.u32 s26;
	s26 =	smov.u32 s24  }
0x18e: {  	[tilespmem:s2], [sflag:$0x1] =	stream.linear.gather [hbm4b:s1+s2], $0x4000, $0x38;
	[tilespmem:$0x14000] =	vst v63  }
0x18f: {  	s24 =	smov.u32 s21;
	s21 =	smov.u32 s16;
	s16 =	rddreg [dreg:$0x5]  }
0x190: {  	[tilespmem:s11], [sflag:$0x2] =	stream.linear.gather [hbm4b:s16+s2], $0x4000, $0x38;
	[tilespmem:$0x14000] =	vst v63  }
0x191: {  	s1 =	rddreg [dreg:$0x6]  }
0x192: {  	[tilespmem:s7], [sflag:$0x3] =	stream.linear.gather [hbm4b:s1+s2], $0x4000, $0x38;
	[tilespmem:$0x14000] =	vst v63  }
0x193: {  	s4 =	simm.s32 $0x10000;
	s16 =	rddreg [dreg:$0x7]  }
0x194: {  	[tilespmem:s4], [sflag:$0x9] =	stream.linear.gather [hbm4b:s16+s2], $0x4000, $0x38;
	[tilespmem:$0x14000] =	vst v63  }
0x195: {  	_ =	swait.ge [sflag:s23], $0x4000  }
0x196: {  	[sflag:s23] =	ssyncset.done $0x0  }
0x197: {  	s16 =	rddreg [dreg:$0x8];
	[sflag:s23] =	ssyncadd.s32 $0xFFFFC000  }
0x198: {  	[tilespmem:s6], [sflag:$0x4] =	stream.linear.gather [hbm4b:s16+s2], $0x4000, $0x38;
	[tilespmem:$0x14000] =	vst v63  }
0x199: {  	s25 =	smov.u32 s22;
	s22 =	smov.u32 s18;
	_ =	swait.ge [sflag:s19], $0x4000  }
0x19a: {  	s18 =	smov.u32 s14;
	s14 =	smov.u32 s9;
	[sflag:s19] =	ssyncset.done $0x0  }
0x19b: {  	s9 =	smov.u32 s3;
	s3 =	rddreg [dreg:$0x9];
	[sflag:s19] =	ssyncadd.s32 $0xFFFFC000  }
0x19c: {  	[hbm4b:s3+s2] =	stream.linear.scatter [tilespmem:s2], [sflag:$0x5], $0x4000, $0x38;
	[tilespmem:$0x14000] =	vst v63  }
0x19d: {  	_ =	swait.ge [sflag:s31], $0x4000  }
0x19e: {  	[sflag:s31] =	ssyncset.done $0x0  }
0x19f: {  	s16 =	rddreg [dreg:$0xa];
	[sflag:s31] =	ssyncadd.s32 $0xFFFFC000  }
0x1a0: {  	[tilespmem:s2], [sflag:$0x1] =	stream.linear.gather [hbm4b:s16+s2], $0x4000, $0x38;
	[tilespmem:$0x14000] =	vst v63  }
0x1a1: {  	_ =	swait.ge [sflag:s20], $0x4000  }
0x1a2: {  	[sflag:s20] =	ssyncset.done $0x0  }
0x1a3: {  	s3 =	rddreg [dreg:$0xb];
	[sflag:s20] =	ssyncadd.s32 $0xFFFFC000  }
0x1a4: {  	[hbm4b:s3+s2] =	stream.linear.scatter [tilespmem:s11], [sflag:$0x6], $0x4000, $0x38;
	[tilespmem:$0x14000] =	vst v63  }
0x1a5: {  	_ =	swait.ge [sflag:s12], $0x4000  }
0x1a6: {  	[sflag:s12] =	ssyncset.done $0x0  }
0x1a7: {  	s16 =	rddreg [dreg:$0xc];
	[sflag:s12] =	ssyncadd.s32 $0xFFFFC000  }
0x1a8: {  	[tilespmem:s11], [sflag:$0x2] =	stream.linear.gather [hbm4b:s16+s2], $0x4000, $0x38;
	[tilespmem:$0x14000] =	vst v63  }
0x1a9: {  	_ =	swait.ge [sflag:s17], $0x4000  }
0x1aa: {  	[sflag:s17] =	ssyncset.done $0x0  }
0x1ab: {  	s3 =	rddreg [dreg:$0xd];
	[sflag:s17] =	ssyncadd.s32 $0xFFFFC000  }
0x1ac: {  	[hbm4b:s3+s2] =	stream.linear.scatter [tilespmem:s7], [sflag:$0x7], $0x4000, $0x38;
	[tilespmem:$0x14000] =	vst v63  }
0x1ad: {  	_ =	swait.ge [sflag:s10], $0x4000  }
0x1ae: {  	[sflag:s10] =	ssyncset.done $0x0  }
0x1af: {  	s16 =	rddreg [dreg:$0xe];
	[sflag:s10] =	ssyncadd.s32 $0xFFFFC000  }
0x1b0: {  	[tilespmem:s7], [sflag:$0x3] =	stream.linear.gather [hbm4b:s16+s2], $0x4000, $0x38;
	[tilespmem:$0x14000] =	vst v63  }
0x1b1: {  	_ =	swait.ge [sflag:s15], $0x4000  }
0x1b2: {  	[sflag:s15] =	ssyncset.done $0x0  }
0x1b3: {  	s3 =	rddreg [dreg:$0xf];
	[sflag:s15] =	ssyncadd.s32 $0xFFFFC000  }
0x1b4: {  	[hbm4b:s3+s2] =	stream.linear.scatter [tilespmem:s6], [sflag:$0x8], $0x4000, $0x38;
	[tilespmem:$0x14000] =	vst v63  }
0x1b5: {  	s16 =	rddreg [dreg:$0x10]  }
0x1b6: {  	[tilespmem:s4], [sflag:$0x9] =	stream.linear.gather [hbm4b:s16+s2], $0x4000, $0x38;
	[tilespmem:$0x14000] =	vst v63  }
0x1b7: {  	_ =	swait.ge [sflag:s23], $0x4000  }
0x1b8: {  	[sflag:s23] =	ssyncset.done $0x0  }
0x1b9: {  	[sflag:s23] =	ssyncadd.s32 $0xFFFFC000  }
0x1ba: {  	_ =	swait.ge [sflag:s8], $0x4000  }
0x1bb: {  	[sflag:s8] =	ssyncset.done $0x0  }
0x1bc: {  	s16 =	rddreg [dreg:$0x11];
	[sflag:s8] =	ssyncadd.s32 $0xFFFFC000  }
0x1bd: {  	[tilespmem:s6], [sflag:$0x4] =	stream.linear.gather [hbm4b:s16+s2], $0x4000, $0x38;
	[tilespmem:$0x14000] =	vst v63  }
0x1be: {  	_ =	swait.ge [sflag:s19], $0x4000  }
0x1bf: {  	[sflag:s19] =	ssyncset.done $0x0  }
0x1c0: {  	s3 =	rddreg [dreg:$0x12];
	[sflag:s19] =	ssyncadd.s32 $0xFFFFC000  }
0x1c1: {  	[hbm4b:s3+s2] =	stream.linear.scatter [tilespmem:s2], [sflag:$0x5], $0x4000, $0x38;
	[tilespmem:$0x14000] =	vst v63  }
0x1c2: {  	_ =	swait.ge [sflag:s31], $0x4000  }
0x1c3: {  	[sflag:s31] =	ssyncset.done $0x0  }
0x1c4: {  	s16 =	rddreg [dreg:$0x13];
	[sflag:s31] =	ssyncadd.s32 $0xFFFFC000  }
0x1c5: {  	[tilespmem:s2], [sflag:$0x1] =	stream.linear.gather [hbm4b:s16+s2], $0x4000, $0x38;
	[tilespmem:$0x14000] =	vst v63  }
0x1c6: {  	_ =	swait.ge [sflag:s20], $0x4000  }
0x1c7: {  	[sflag:s20] =	ssyncset.done $0x0  }
0x1c8: {  	s3 =	rddreg [dreg:$0x14];
	[sflag:s20] =	ssyncadd.s32 $0xFFFFC000  }
0x1c9: {  	[hbm4b:s3+s2] =	stream.linear.scatter [tilespmem:s11], [sflag:$0x6], $0x4000, $0x38;
	[tilespmem:$0x14000] =	vst v63  }
0x1ca: {  	_ =	swait.ge [sflag:s12], $0x4000  }
0x1cb: {  	[sflag:s12] =	ssyncset.done $0x0  }
0x1cc: {  	s16 =	rddreg [dreg:$0x15];
	[sflag:s12] =	ssyncadd.s32 $0xFFFFC000  }
0x1cd: {  	[tilespmem:s11], [sflag:$0x2] =	stream.linear.gather [hbm4b:s16+s2], $0x4000, $0x38;
	[tilespmem:$0x14000] =	vst v63  }
0x1ce: {  	_ =	swait.ge [sflag:s17], $0x4000  }
0x1cf: {  	[sflag:s17] =	ssyncset.done $0x0  }
0x1d0: {  	s3 =	rddreg [dreg:$0x16];
	[sflag:s17] =	ssyncadd.s32 $0xFFFFC000  }
0x1d1: {  	[hbm4b:s3+s2] =	stream.linear.scatter [tilespmem:s7], [sflag:$0x7], $0x4000, $0x38;
	[tilespmem:$0x14000] =	vst v63  }
0x1d2: {  	_ =	swait.ge [sflag:s10], $0x4000  }
0x1d3: {  	[sflag:s10] =	ssyncset.done $0x0  }
0x1d4: {  	s16 =	rddreg [dreg:$0x17];
	[sflag:s10] =	ssyncadd.s32 $0xFFFFC000  }
0x1d5: {  	[tilespmem:s7], [sflag:$0x3] =	stream.linear.gather [hbm4b:s16+s2], $0x4000, $0x38;
	[tilespmem:$0x14000] =	vst v63  }
0x1d6: {  	_ =	swait.ge [sflag:s15], $0x4000  }
0x1d7: {  	[sflag:s15] =	ssyncset.done $0x0  }
0x1d8: {  	s3 =	rddreg [dreg:$0x18];
	[sflag:s15] =	ssyncadd.s32 $0xFFFFC000  }
0x1d9: {  	[hbm4b:s3+s2] =	stream.linear.scatter [tilespmem:s6], [sflag:$0x8], $0x4000, $0x38;
	[tilespmem:$0x14000] =	vst v63  }
0x1da: {  	s16 =	rddreg [dreg:$0x19]  }
0x1db: {  	[tilespmem:s4], [sflag:$0x9] =	stream.linear.gather [hbm4b:s16+s2], $0x4000, $0x38;
	[tilespmem:$0x14000] =	vst v63  }
0x1dc: {  	_ =	swait.ge [sflag:s23], $0x4000  }
0x1dd: {  	[sflag:s23] =	ssyncset.done $0x0  }
0x1de: {  	[sflag:s23] =	ssyncadd.s32 $0xFFFFC000  }
0x1df: {  	_ =	swait.ge [sflag:s8], $0x4000  }
0x1e0: {  	[sflag:s8] =	ssyncset.done $0x0  }
0x1e1: {  	s16 =	rddreg [dreg:$0x1a];
	[sflag:s8] =	ssyncadd.s32 $0xFFFFC000  }
0x1e2: {  	[tilespmem:s6], [sflag:$0x4] =	stream.linear.gather [hbm4b:s16+s2], $0x4000, $0x38;
	[tilespmem:$0x14000] =	vst v63  }
0x1e3: {  	_ =	swait.ge [sflag:s19], $0x4000  }
0x1e4: {  	[sflag:s19] =	ssyncset.done $0x0  }
0x1e5: {  	s3 =	rddreg [dreg:$0x1b];
	[sflag:s19] =	ssyncadd.s32 $0xFFFFC000  }
0x1e6: {  	[hbm4b:s3+s2] =	stream.linear.scatter [tilespmem:s2], [sflag:$0x5], $0x4000, $0x38;
	[tilespmem:$0x14000] =	vst v63  }
0x1e7: {  	_ =	swait.ge [sflag:s31], $0x4000  }
0x1e8: {  	[sflag:s31] =	ssyncset.done $0x0  }
0x1e9: {  	s16 =	rddreg [dreg:$0x1c];
	[sflag:s31] =	ssyncadd.s32 $0xFFFFC000  }
0x1ea: {  	[tilespmem:s2], [sflag:$0x1] =	stream.linear.gather [hbm4b:s16+s2], $0x4000, $0x38;
	[tilespmem:$0x14000] =	vst v63  }
0x1eb: {  	_ =	swait.ge [sflag:s20], $0x4000  }
0x1ec: {  	[sflag:s20] =	ssyncset.done $0x0  }
0x1ed: {  	s3 =	rddreg [dreg:$0x1d];
	[sflag:s20] =	ssyncadd.s32 $0xFFFFC000  }
0x1ee: {  	[hbm4b:s3+s2] =	stream.linear.scatter [tilespmem:s11], [sflag:$0x6], $0x4000, $0x38;
	[tilespmem:$0x14000] =	vst v63  }
0x1ef: {  	_ =	swait.ge [sflag:s12], $0x4000  }
0x1f0: {  	[sflag:s12] =	ssyncset.done $0x0  }
0x1f1: {  	s16 =	rddreg [dreg:$0x1e];
	[sflag:s12] =	ssyncadd.s32 $0xFFFFC000  }
0x1f2: {  	[tilespmem:s11], [sflag:$0x2] =	stream.linear.gather [hbm4b:s16+s2], $0x4000, $0x38;
	[tilespmem:$0x14000] =	vst v63  }
0x1f3: {  	_ =	swait.ge [sflag:s17], $0x4000  }
0x1f4: {  	[sflag:s17] =	ssyncset.done $0x0  }
0x1f5: {  	s3 =	rddreg [dreg:$0x1f];
	[sflag:s17] =	ssyncadd.s32 $0xFFFFC000  }
0x1f6: {  	[hbm4b:s3+s2] =	stream.linear.scatter [tilespmem:s7], [sflag:$0x7], $0x4000, $0x38;
	[tilespmem:$0x14000] =	vst v63  }
0x1f7: {  	_ =	swait.ge [sflag:s10], $0x4000  }
0x1f8: {  	s16 =	sld [smem:$0x7E1]  }
0x1f9: {  	[sflag:s10] =	ssyncset.done $0x0  }
0x1fa: {  	[sflag:s10] =	ssyncadd.s32 $0xFFFFC000  }
0x1fb: {  	[tilespmem:s7], [sflag:$0x3] =	stream.linear.gather [hbm4b:s16+s2], $0x4000, $0x38;
	[tilespmem:$0x14000] =	vst v63  }
0x1fc: {  	_ =	swait.ge [sflag:s15], $0x4000  }
0x1fd: {  	s3 =	sld [smem:$0x7E2]  }
0x1fe: {  	[sflag:s15] =	ssyncset.done $0x0  }
0x1ff: {  	s16 =	sld [smem:$0x7E3];
	[sflag:s15] =	ssyncadd.s32 $0xFFFFC000  }
0x200: {  	[hbm4b:s3+s2] =	stream.linear.scatter [tilespmem:s6], [sflag:$0x8], $0x4000, $0x38;
	[tilespmem:$0x14000] =	vst v63  }
0x201: {  	_ = 	snop  }
0x202: {  	[tilespmem:s4], [sflag:$0x9] =	stream.linear.gather [hbm4b:s16+s2], $0x4000, $0x38;
	[tilespmem:$0x14000] =	vst v63  }
0x203: {  	_ =	swait.ge [sflag:s23], $0x4000  }
0x204: {  	[sflag:s23] =	ssyncset.done $0x0  }
0x205: {  	[sflag:s23] =	ssyncadd.s32 $0xFFFFC000  }
0x206: {  	_ =	swait.ge [sflag:s8], $0x4000  }
0x207: {  	s16 =	sld [smem:$0x7E4]  }
0x208: {  	[sflag:s8] =	ssyncset.done $0x0  }
0x209: {  	[sflag:s8] =	ssyncadd.s32 $0xFFFFC000  }
0x20a: {  	[tilespmem:s6], [sflag:$0x4] =	stream.linear.gather [hbm4b:s16+s2], $0x4000, $0x38;
	[tilespmem:$0x14000] =	vst v63  }
0x20b: {  	_ =	swait.ge [sflag:s19], $0x4000  }
0x20c: {  	s3 =	sld [smem:$0x7E5]  }
0x20d: {  	[sflag:s19] =	ssyncset.done $0x0  }
0x20e: {  	[sflag:s19] =	ssyncadd.s32 $0xFFFFC000  }
0x20f: {  	[hbm4b:s3+s2] =	stream.linear.scatter [tilespmem:s2], [sflag:$0x5], $0x4000, $0x38;
	[tilespmem:$0x14000] =	vst v63  }
0x210: {  	_ =	swait.ge [sflag:s31], $0x4000  }
0x211: {  	s16 =	sld [smem:$0x7E6]  }
0x212: {  	[sflag:s31] =	ssyncset.done $0x0  }
0x213: {  	[sflag:s31] =	ssyncadd.s32 $0xFFFFC000  }
0x214: {  	[tilespmem:s2], [sflag:$0x1] =	stream.linear.gather [hbm4b:s16+s2], $0x4000, $0x38;
	[tilespmem:$0x14000] =	vst v63  }
0x215: {  	_ =	swait.ge [sflag:s20], $0x4000  }
0x216: {  	s3 =	sld [smem:$0x7E7]  }
0x217: {  	[sflag:s20] =	ssyncset.done $0x0  }
0x218: {  	[sflag:s20] =	ssyncadd.s32 $0xFFFFC000  }
0x219: {  	[hbm4b:s3+s2] =	stream.linear.scatter [tilespmem:s11], [sflag:$0x6], $0x4000, $0x38;
	[tilespmem:$0x14000] =	vst v63  }
0x21a: {  	_ =	swait.ge [sflag:s12], $0x4000  }
0x21b: {  	s16 =	sld [smem:$0x7E8]  }
0x21c: {  	[sflag:s12] =	ssyncset.done $0x0  }
0x21d: {  	[sflag:s12] =	ssyncadd.s32 $0xFFFFC000  }
0x21e: {  	[tilespmem:s11], [sflag:$0x2] =	stream.linear.gather [hbm4b:s16+s2], $0x4000, $0x38;
	[tilespmem:$0x14000] =	vst v63  }
0x21f: {  	_ =	swait.ge [sflag:s17], $0x4000  }
0x220: {  	s3 =	sld [smem:$0x7E9]  }
0x221: {  	[sflag:s17] =	ssyncset.done $0x0  }
0x222: {  	[sflag:s17] =	ssyncadd.s32 $0xFFFFC000  }
0x223: {  	[hbm4b:s3+s2] =	stream.linear.scatter [tilespmem:s7], [sflag:$0x7], $0x4000, $0x38;
	[tilespmem:$0x14000] =	vst v63  }
0x224: {  	_ =	swait.ge [sflag:s10], $0x4000  }
0x225: {  	s16 =	sld [smem:$0x7EA]  }
0x226: {  	[sflag:s10] =	ssyncset.done $0x0  }
0x227: {  	[sflag:s10] =	ssyncadd.s32 $0xFFFFC000  }
0x228: {  	[tilespmem:s7], [sflag:$0x3] =	stream.linear.gather [hbm4b:s16+s2], $0x4000, $0x38;
	[tilespmem:$0x14000] =	vst v63  }
0x229: {  	_ =	swait.ge [sflag:s15], $0x4000  }
0x22a: {  	s3 =	sld [smem:$0x7EB]  }
0x22b: {  	[sflag:s15] =	ssyncset.done $0x0  }
0x22c: {  	s16 =	sld [smem:$0x7EC];
	[sflag:s15] =	ssyncadd.s32 $0xFFFFC000  }
0x22d: {  	[hbm4b:s3+s2] =	stream.linear.scatter [tilespmem:s6], [sflag:$0x8], $0x4000, $0x38;
	[tilespmem:$0x14000] =	vst v63  }
0x22e: {  	_ = 	snop  }
0x22f: {  	[tilespmem:s4], [sflag:$0x9] =	stream.linear.gather [hbm4b:s16+s2], $0x4000, $0x38;
	[tilespmem:$0x14000] =	vst v63  }
0x230: {  	_ =	swait.ge [sflag:s23], $0x4000  }
0x231: {  	[sflag:s23] =	ssyncset.done $0x0  }
0x232: {  	[sflag:s23] =	ssyncadd.s32 $0xFFFFC000  }
0x233: {  	_ =	swait.ge [sflag:s8], $0x4000  }
0x234: {  	s16 =	sld [smem:$0x7ED]  }
0x235: {  	[sflag:s8] =	ssyncset.done $0x0  }
0x236: {  	[sflag:s8] =	ssyncadd.s32 $0xFFFFC000  }
0x237: {  	[tilespmem:s6], [sflag:$0x4] =	stream.linear.gather [hbm4b:s16+s2], $0x4000, $0x38;
	[tilespmem:$0x14000] =	vst v63  }
0x238: {  	_ =	swait.ge [sflag:s19], $0x4000  }
0x239: {  	s3 =	sld [smem:$0x7EE]  }
0x23a: {  	[sflag:s19] =	ssyncset.done $0x0  }
0x23b: {  	[sflag:s19] =	ssyncadd.s32 $0xFFFFC000  }
0x23c: {  	[hbm4b:s3+s2] =	stream.linear.scatter [tilespmem:s2], [sflag:$0x5], $0x4000, $0x38;
	[tilespmem:$0x14000] =	vst v63  }
0x23d: {  	_ =	swait.ge [sflag:s31], $0x4000  }
0x23e: {  	s16 =	sld [smem:$0x7EF]  }
0x23f: {  	[sflag:s31] =	ssyncset.done $0x0  }
0x240: {  	[sflag:s31] =	ssyncadd.s32 $0xFFFFC000  }
0x241: {  	[tilespmem:s2], [sflag:$0x1] =	stream.linear.gather [hbm4b:s16+s2], $0x4000, $0x38;
	[tilespmem:$0x14000] =	vst v63  }
0x242: {  	_ =	swait.ge [sflag:s20], $0x4000  }
0x243: {  	s3 =	sld [smem:$0x7F0]  }
0x244: {  	[sflag:s20] =	ssyncset.done $0x0  }
0x245: {  	[sflag:s20] =	ssyncadd.s32 $0xFFFFC000  }
0x246: {  	[hbm4b:s3+s2] =	stream.linear.scatter [tilespmem:s11], [sflag:$0x6], $0x4000, $0x38;
	[tilespmem:$0x14000] =	vst v63  }
0x247: {  	_ =	swait.ge [sflag:s12], $0x4000  }
0x248: {  	s16 =	sld [smem:$0x7F1]  }
0x249: {  	[sflag:s12] =	ssyncset.done $0x0  }
0x24a: {  	[sflag:s12] =	ssyncadd.s32 $0xFFFFC000  }
0x24b: {  	[tilespmem:s11], [sflag:$0x2] =	stream.linear.gather [hbm4b:s16+s2], $0x4000, $0x38;
	[tilespmem:$0x14000] =	vst v63  }
0x24c: {  	_ =	swait.ge [sflag:s17], $0x4000  }
0x24d: {  	s3 =	sld [smem:$0x7F2]  }
0x24e: {  	[sflag:s17] =	ssyncset.done $0x0  }
0x24f: {  	[sflag:s17] =	ssyncadd.s32 $0xFFFFC000  }
0x250: {  	[hbm4b:s3+s2] =	stream.linear.scatter [tilespmem:s7], [sflag:$0x7], $0x4000, $0x38;
	[tilespmem:$0x14000] =	vst v63  }
0x251: {  	_ =	swait.ge [sflag:s10], $0x4000  }
0x252: {  	s16 =	sld [smem:$0x7F3]  }
0x253: {  	[sflag:s10] =	ssyncset.done $0x0  }
0x254: {  	[sflag:s10] =	ssyncadd.s32 $0xFFFFC000  }
0x255: {  	[tilespmem:s7], [sflag:$0x3] =	stream.linear.gather [hbm4b:s16+s2], $0x4000, $0x38;
	[tilespmem:$0x14000] =	vst v63  }
0x256: {  	_ =	swait.ge [sflag:s15], $0x4000  }
0x257: {  	s3 =	sld [smem:$0x7F4]  }
0x258: {  	[sflag:s15] =	ssyncset.done $0x0  }
0x259: {  	s16 =	sld [smem:$0x7F5];
	[sflag:s15] =	ssyncadd.s32 $0xFFFFC000  }
0x25a: {  	[hbm4b:s3+s2] =	stream.linear.scatter [tilespmem:s6], [sflag:$0x8], $0x4000, $0x38;
	[tilespmem:$0x14000] =	vst v63  }
0x25b: {  	_ = 	snop  }
0x25c: {  	[tilespmem:s4], [sflag:$0x9] =	stream.linear.gather [hbm4b:s16+s2], $0x4000, $0x38;
	[tilespmem:$0x14000] =	vst v63  }
0x25d: {  	s16 =	smov.u32 s21;
	s21 =	smov.u32 s24;
	s24 =	smov.u32 s26  }
0x25e: {  	s26 =	smov.u32 s28;
	s28 =	smov.u32 s29;
	s29 =	sld [smem:$0x7E0]  }
0x25f: {  	s4 =	sld [smem:$0x7DF];
	_ =	swait.ge [sflag:s23], $0x4000  }
0x260: {  	[sflag:s23] =	ssyncset.done $0x0  }
0x261: {  	[sflag:s23] =	ssyncadd.s32 $0xFFFFC000  }
0x262: {  	_ =	swait.ge [sflag:s8], $0x4000  }
0x263: {  	s1 =	sld [smem:$0x7F6]  }
0x264: {  	[sflag:s8] =	ssyncset.done $0x0  }
0x265: {  	[sflag:s8] =	ssyncadd.s32 $0xFFFFC000  }
0x266: {  	[tilespmem:s6], [sflag:$0x4] =	stream.linear.gather [hbm4b:s1+s2], $0x4000, $0x38;
	[tilespmem:$0x14000] =	vst v63  }
0x267: {  	_ =	swait.ge [sflag:s19], $0x4000  }
0x268: {  	s1 =	sld [smem:$0x7F7]  }
0x269: {  	[sflag:s19] =	ssyncset.done $0x0  }
0x26a: {  	[sflag:s19] =	ssyncadd.s32 $0xFFFFC000  }
0x26b: {  	[hbm4b:s1+s2] =	stream.linear.scatter [tilespmem:s2], [sflag:$0x5], $0x4000, $0x38;
	[tilespmem:$0x14000] =	vst v63  }
0x26c: {  	_ =	swait.ge [sflag:s31], $0x4000  }
0x26d: {  	s1 =	sld [smem:$0x7F8]  }
0x26e: {  	[sflag:s31] =	ssyncset.done $0x0  }
0x26f: {  	[sflag:s31] =	ssyncadd.s32 $0xFFFFC000  }
0x270: {  	[tilespmem:s2], [sflag:$0x1] =	stream.linear.gather [hbm4b:s1+s2], $0x4000, $0x38;
	[tilespmem:$0x14000] =	vst v63  }
0x271: {  	_ =	swait.ge [sflag:s20], $0x4000  }
0x272: {  	s1 =	sld [smem:$0x7F9]  }
0x273: {  	[sflag:s20] =	ssyncset.done $0x0  }
0x274: {  	[sflag:s20] =	ssyncadd.s32 $0xFFFFC000  }
0x275: {  	[hbm4b:s1+s2] =	stream.linear.scatter [tilespmem:s11], [sflag:$0x6], $0x4000, $0x38;
	[tilespmem:$0x14000] =	vst v63  }
0x276: {  	_ =	swait.ge [sflag:s12], $0x4000  }
0x277: {  	s1 =	sld [smem:$0x7FA]  }
0x278: {  	[sflag:s12] =	ssyncset.done $0x0  }
0x279: {  	[sflag:s12] =	ssyncadd.s32 $0xFFFFC000  }
0x27a: {  	[tilespmem:s11], [sflag:$0x2] =	stream.linear.gather [hbm4b:s1+s2], $0x4000, $0x38;
	[tilespmem:$0x14000] =	vst v63  }
0x27b: {  	_ =	swait.ge [sflag:s17], $0x4000  }
0x27c: {  	s1 =	sld [smem:$0x7FB]  }
0x27d: {  	[sflag:s17] =	ssyncset.done $0x0  }
0x27e: {  	[sflag:s17] =	ssyncadd.s32 $0xFFFFC000  }
0x27f: {  	[hbm4b:s1+s2] =	stream.linear.scatter [tilespmem:s7], [sflag:$0x7], $0x4000, $0x38;
	[tilespmem:$0x14000] =	vst v63  }
0x280: {  	_ =	swait.ge [sflag:s10], $0x4000  }
0x281: {  	s1 =	sld [smem:$0x7FC]  }
0x282: {  	[sflag:s10] =	ssyncset.done $0x0  }
0x283: {  	[sflag:s10] =	ssyncadd.s32 $0xFFFFC000  }
0x284: {  	[tilespmem:s7], [sflag:$0x3] =	stream.linear.gather [hbm4b:s1+s2], $0x4000, $0x38;
	[tilespmem:$0x14000] =	vst v63  }
0x285: {  	_ =	swait.ge [sflag:s15], $0x4000  }
0x286: {  	s1 =	sld [smem:$0x7FD]  }
0x287: {  	s3 =	smov.u32 s9;
	[sflag:s15] =	ssyncset.done $0x0  }
0x288: {  	s9 =	smov.u32 s14;
	s14 =	smov.u32 s18;
	[sflag:s15] =	ssyncadd.s32 $0xFFFFC000  }
0x289: {  	[hbm4b:s1+s2] =	stream.linear.scatter [tilespmem:s6], [sflag:$0x8], $0x4000, $0x38;
	[tilespmem:$0x14000] =	vst v63  }
0x28a: {  	s18 =	smov.u32 s22;
	s22 =	smov.u32 s25;
	s25 =	simm.s32 $0x10000  }
0x28b: {  	[tilespmem:s25], [sflag:$0x9] =	stream.linear.gather [hbm4b:s4+s2], $0x4000, $0x38;
	[tilespmem:$0x14000] =	vst v63  }
0x28c: {  	_ =	swait.ge [sflag:s23], $0x4000  }
0x28d: {  	[sflag:s23] =	ssyncset.done $0x0  }
0x28e: {  	[sflag:s23] =	ssyncadd.s32 $0xFFFFC000  }
0x28f: {  	_ =	swait.ge [sflag:s8], $0x4000  }
0x290: {  	[sflag:s8] =	ssyncset.done $0x0  }
0x291: {  	[sflag:s8] =	ssyncadd.s32 $0xFFFFC000  }
0x292: {  	[tilespmem:s6], [sflag:$0x4] =	stream.linear.gather [hbm4b:s29+s2], $0x4000, $0x38;
	[tilespmem:$0x14000] =	vst v63  }
0x293: {  	_ =	swait.ge [sflag:s19], $0x4000  }
0x294: {  	[sflag:s19] =	ssyncset.done $0x0  }
0x295: {  	[sflag:s19] =	ssyncadd.s32 $0xFFFFC000  }
0x296: {  	[hbm4b:s28+s2] =	stream.linear.scatter [tilespmem:s2], [sflag:$0x5], $0x4000, $0x38;
	[tilespmem:$0x14000] =	vst v63  }
0x297: {  	_ =	swait.ge [sflag:s31], $0x4000  }
0x298: {  	[sflag:s31] =	ssyncset.done $0x0  }
0x299: {  	[sflag:s31] =	ssyncadd.s32 $0xFFFFC000  }
0x29a: {  	[tilespmem:s2], [sflag:$0x1] =	stream.linear.gather [hbm4b:s26+s2], $0x4000, $0x38;
	[tilespmem:$0x14000] =	vst v63  }
0x29b: {  	_ =	swait.ge [sflag:s20], $0x4000  }
0x29c: {  	[sflag:s20] =	ssyncset.done $0x0  }
0x29d: {  	[sflag:s20] =	ssyncadd.s32 $0xFFFFC000  }
0x29e: {  	[hbm4b:s24+s2] =	stream.linear.scatter [tilespmem:s11], [sflag:$0x6], $0x4000, $0x38;
	[tilespmem:$0x14000] =	vst v63  }
0x29f: {  	_ =	swait.ge [sflag:s12], $0x4000  }
0x2a0: {  	[sflag:s12] =	ssyncset.done $0x0  }
0x2a1: {  	[sflag:s12] =	ssyncadd.s32 $0xFFFFC000  }
0x2a2: {  	[tilespmem:s11], [sflag:$0x2] =	stream.linear.gather [hbm4b:s22+s2], $0x4000, $0x38;
	[tilespmem:$0x14000] =	vst v63  }
0x2a3: {  	_ =	swait.ge [sflag:s17], $0x4000  }
0x2a4: {  	[sflag:s17] =	ssyncset.done $0x0  }
0x2a5: {  	[sflag:s17] =	ssyncadd.s32 $0xFFFFC000  }
0x2a6: {  	[hbm4b:s21+s2] =	stream.linear.scatter [tilespmem:s7], [sflag:$0x7], $0x4000, $0x38;
	[tilespmem:$0x14000] =	vst v63  }
0x2a7: {  	_ =	swait.ge [sflag:s10], $0x4000  }
0x2a8: {  	[sflag:s10] =	ssyncset.done $0x0  }
0x2a9: {  	[sflag:s10] =	ssyncadd.s32 $0xFFFFC000  }
0x2aa: {  	[tilespmem:s7], [sflag:$0x3] =	stream.linear.gather [hbm4b:s18+s2], $0x4000, $0x38;
	[tilespmem:$0x14000] =	vst v63  }
0x2ab: {  	_ =	swait.ge [sflag:s15], $0x4000  }
0x2ac: {  	[sflag:s15] =	ssyncset.done $0x0  }
0x2ad: {  	[sflag:s15] =	ssyncadd.s32 $0xFFFFC000  }
0x2ae: {  	[hbm4b:s14+s2] =	stream.linear.scatter [tilespmem:s6], [sflag:$0x8], $0x4000, $0x38;
	[tilespmem:$0x14000] =	vst v63  }
0x2af: {  	_ = 	snop  }
0x2b0: {  	[tilespmem:s25], [sflag:$0x9] =	stream.linear.gather [hbm4b:s16+s2], $0x4000, $0x38;
	[tilespmem:$0x14000] =	vst v63  }
0x2b1: {  	_ =	swait.ge [sflag:s23], $0x4000  }
0x2b2: {  	[sflag:s23] =	ssyncset.done $0x0  }
0x2b3: {  	[sflag:s23] =	ssyncadd.s32 $0xFFFFC000  }
0x2b4: {  	_ =	swait.ge [sflag:s8], $0x4000  }
0x2b5: {  	[sflag:s8] =	ssyncset.done $0x0  }
0x2b6: {  	[sflag:s8] =	ssyncadd.s32 $0xFFFFC000  }
0x2b7: {  	[tilespmem:s6], [sflag:$0x4] =	stream.linear.gather [hbm4b:s13+s2], $0x4000, $0x38;
	[tilespmem:$0x14000] =	vst v63  }
0x2b8: {  	_ =	swait.ge [sflag:s19], $0x4000  }
0x2b9: {  	[sflag:s19] =	ssyncset.done $0x0  }
0x2ba: {  	[sflag:s19] =	ssyncadd.s32 $0xFFFFC000  }
0x2bb: {  	[hbm4b:s9+s2] =	stream.linear.scatter [tilespmem:s2], [sflag:$0x5], $0x4000, $0x38;
	[tilespmem:$0x14000] =	vst v63  }
0x2bc: {  	_ =	swait.ge [sflag:s20], $0x4000  }
0x2bd: {  	[sflag:s20] =	ssyncset.done $0x0  }
0x2be: {  	[sflag:s20] =	ssyncadd.s32 $0xFFFFC000  }
0x2bf: {  	[hbm4b:s5+s2] =	stream.linear.scatter [tilespmem:s11], [sflag:$0x6], $0x4000, $0x38;
	[tilespmem:$0x14000] =	vst v63  }
0x2c0: {  	_ =	swait.ge [sflag:s17], $0x4000  }
0x2c1: {  	[sflag:s17] =	ssyncset.done $0x0  }
0x2c2: {  	[sflag:s17] =	ssyncadd.s32 $0xFFFFC000  }
0x2c3: {  	[hbm4b:s3+s2] =	stream.linear.scatter [tilespmem:s7], [sflag:$0x7], $0x4000, $0x38;
	[tilespmem:$0x14000] =	vst v63  }
0x2c4: {  	_ =	swait.ge [sflag:s15], $0x4000  }
0x2c5: {  	[sflag:s15] =	ssyncset.done $0x0  }
0x2c6: {  	[sflag:s15] =	ssyncadd.s32 $0xFFFFC000  }
0x2c7: {  	[hbm4b:s30+s2] =	stream.linear.scatter [tilespmem:s6], [sflag:$0x8], $0x4000, $0x38;
	[tilespmem:$0x14000] =	vst v63  }
0x2c8: {  	_ =	swait.ge [sflag:s12], $0x4000  }
0x2c9: {  	[sflag:s12] =	ssyncset.done $0x0  }
0x2ca: {  	p1 =	sne.s32 s0, $0x1;
	[sflag:s12] =	ssyncadd.s32 $0xFFFFC000  }
.Ltmp2:
0x2cb: {  	_ =	swait.ge [sflag:s10], $0x4000;
	(pc) =	sbr.rel @p1 .LBB2_2-.Ltmp2, $4  }
0x2cc: {  	[sflag:s10] =	ssyncset.done $0x0  }
0x2cd: {  	[sflag:s10] =	ssyncadd.s32 $0xFFFFC000  }
0x2ce: {  	_ =	swait.ge [sflag:s8], $0x4000  }
0x2cf: {  	s0 =	sadd.s32 $0xFFFFFFFF, s0;
	s1 =	rddreg [dreg:$0x4];
	[sflag:s8] =	ssyncset.done $0x0  }
.LBB2_3:
0x2d0: {  	[sflag:s8] =	ssyncadd.s32 @p0 $0xFFFFC000  }
0x2d1: {  	[tilespmem:s2], [sflag:$0x1] =	stream.linear.gather [hbm4b:s1+s2], $0x4000, $0x38;
	[tilespmem:$0x14000] =	vst v63  }
0x2d2: {  	s0 =	rddreg [dreg:$0x5]  }
0x2d3: {  	[tilespmem:s11], [sflag:$0x2] =	stream.linear.gather [hbm4b:s0+s2], $0x4000, $0x38;
	[tilespmem:$0x14000] =	vst v63  }
0x2d4: {  	s1 =	rddreg [dreg:$0x6]  }
0x2d5: {  	[tilespmem:s7], [sflag:$0x3] =	stream.linear.gather [hbm4b:s1+s2], $0x4000, $0x38;
	[tilespmem:$0x14000] =	vst v63  }
0x2d6: {  	s0 =	rddreg [dreg:$0x7]  }
0x2d7: {  	[tilespmem:s25], [sflag:$0x9] =	stream.linear.gather [hbm4b:s0+s2], $0x4000, $0x38;
	[tilespmem:$0x14000] =	vst v63  }
0x2d8: {  	_ =	swait.ge [sflag:s23], $0x4000  }
0x2d9: {  	[sflag:s23] =	ssyncset.done $0x0  }
0x2da: {  	s1 =	rddreg [dreg:$0x8];
	[sflag:s23] =	ssyncadd.s32 $0xFFFFC000  }
0x2db: {  	[tilespmem:s6], [sflag:$0x4] =	stream.linear.gather [hbm4b:s1+s2], $0x4000, $0x38;
	[tilespmem:$0x14000] =	vst v63  }
0x2dc: {  	_ =	swait.ge [sflag:s19], $0x4000  }
0x2dd: {  	[sflag:s19] =	ssyncset.done $0x0  }
0x2de: {  	s1 =	rddreg [dreg:$0x9];
	[sflag:s19] =	ssyncadd.s32 $0xFFFFC000  }
0x2df: {  	[hbm4b:s1+s2] =	stream.linear.scatter [tilespmem:s2], [sflag:$0x5], $0x4000, $0x38;
	[tilespmem:$0x14000] =	vst v63  }
0x2e0: {  	_ =	swait.ge [sflag:s31], $0x4000  }
0x2e1: {  	[sflag:s31] =	ssyncset.done $0x0  }
0x2e2: {  	s1 =	rddreg [dreg:$0xa];
	[sflag:s31] =	ssyncadd.s32 $0xFFFFC000  }
0x2e3: {  	[tilespmem:s2], [sflag:$0x1] =	stream.linear.gather [hbm4b:s1+s2], $0x4000, $0x38;
	[tilespmem:$0x14000] =	vst v63  }
0x2e4: {  	_ =	swait.ge [sflag:s20], $0x4000  }
0x2e5: {  	[sflag:s20] =	ssyncset.done $0x0  }
0x2e6: {  	s1 =	rddreg [dreg:$0xb];
	[sflag:s20] =	ssyncadd.s32 $0xFFFFC000  }
0x2e7: {  	[hbm4b:s1+s2] =	stream.linear.scatter [tilespmem:s11], [sflag:$0x6], $0x4000, $0x38;
	[tilespmem:$0x14000] =	vst v63  }
0x2e8: {  	_ =	swait.ge [sflag:s12], $0x4000  }
0x2e9: {  	[sflag:s12] =	ssyncset.done $0x0  }
0x2ea: {  	s1 =	rddreg [dreg:$0xc];
	[sflag:s12] =	ssyncadd.s32 $0xFFFFC000  }
0x2eb: {  	[tilespmem:s11], [sflag:$0x2] =	stream.linear.gather [hbm4b:s1+s2], $0x4000, $0x38;
	[tilespmem:$0x14000] =	vst v63  }
0x2ec: {  	_ =	swait.ge [sflag:s17], $0x4000  }
0x2ed: {  	[sflag:s17] =	ssyncset.done $0x0  }
0x2ee: {  	s1 =	rddreg [dreg:$0xd];
	[sflag:s17] =	ssyncadd.s32 $0xFFFFC000  }
0x2ef: {  	[hbm4b:s1+s2] =	stream.linear.scatter [tilespmem:s7], [sflag:$0x7], $0x4000, $0x38;
	[tilespmem:$0x14000] =	vst v63  }
0x2f0: {  	_ =	swait.ge [sflag:s10], $0x4000  }
0x2f1: {  	[sflag:s10] =	ssyncset.done $0x0  }
0x2f2: {  	s1 =	rddreg [dreg:$0xe];
	[sflag:s10] =	ssyncadd.s32 $0xFFFFC000  }
0x2f3: {  	[tilespmem:s7], [sflag:$0x3] =	stream.linear.gather [hbm4b:s1+s2], $0x4000, $0x38;
	[tilespmem:$0x14000] =	vst v63  }
0x2f4: {  	_ =	swait.ge [sflag:s15], $0x4000  }
0x2f5: {  	[sflag:s15] =	ssyncset.done $0x0  }
0x2f6: {  	s0 =	rddreg [dreg:$0xf];
	[sflag:s15] =	ssyncadd.s32 $0xFFFFC000  }
0x2f7: {  	[hbm4b:s0+s2] =	stream.linear.scatter [tilespmem:s6], [sflag:$0x8], $0x4000, $0x38;
	[tilespmem:$0x14000] =	vst v63  }
0x2f8: {  	s1 =	rddreg [dreg:$0x10]  }
0x2f9: {  	[tilespmem:s25], [sflag:$0x9] =	stream.linear.gather [hbm4b:s1+s2], $0x4000, $0x38;
	[tilespmem:$0x14000] =	vst v63  }
0x2fa: {  	_ =	swait.ge [sflag:s23], $0x4000  }
0x2fb: {  	[sflag:s23] =	ssyncset.done $0x0  }
0x2fc: {  	[sflag:s23] =	ssyncadd.s32 $0xFFFFC000  }
0x2fd: {  	_ =	swait.ge [sflag:s8], $0x4000  }
0x2fe: {  	[sflag:s8] =	ssyncset.done $0x0  }
0x2ff: {  	s1 =	rddreg [dreg:$0x11];
	[sflag:s8] =	ssyncadd.s32 $0xFFFFC000  }
0x300: {  	[tilespmem:s6], [sflag:$0x4] =	stream.linear.gather [hbm4b:s1+s2], $0x4000, $0x38;
	[tilespmem:$0x14000] =	vst v63  }
0x301: {  	_ =	swait.ge [sflag:s19], $0x4000  }
0x302: {  	[sflag:s19] =	ssyncset.done $0x0  }
0x303: {  	s1 =	rddreg [dreg:$0x12];
	[sflag:s19] =	ssyncadd.s32 $0xFFFFC000  }
0x304: {  	[hbm4b:s1+s2] =	stream.linear.scatter [tilespmem:s2], [sflag:$0x5], $0x4000, $0x38;
	[tilespmem:$0x14000] =	vst v63  }
0x305: {  	_ =	swait.ge [sflag:s31], $0x4000  }
0x306: {  	[sflag:s31] =	ssyncset.done $0x0  }
0x307: {  	s1 =	rddreg [dreg:$0x13];
	[sflag:s31] =	ssyncadd.s32 $0xFFFFC000  }
0x308: {  	[tilespmem:s2], [sflag:$0x1] =	stream.linear.gather [hbm4b:s1+s2], $0x4000, $0x38;
	[tilespmem:$0x14000] =	vst v63  }
0x309: {  	_ =	swait.ge [sflag:s20], $0x4000  }
0x30a: {  	[sflag:s20] =	ssyncset.done $0x0  }
0x30b: {  	s1 =	rddreg [dreg:$0x14];
	[sflag:s20] =	ssyncadd.s32 $0xFFFFC000  }
0x30c: {  	[hbm4b:s1+s2] =	stream.linear.scatter [tilespmem:s11], [sflag:$0x6], $0x4000, $0x38;
	[tilespmem:$0x14000] =	vst v63  }
0x30d: {  	_ =	swait.ge [sflag:s12], $0x4000  }
0x30e: {  	[sflag:s12] =	ssyncset.done $0x0  }
0x30f: {  	s1 =	rddreg [dreg:$0x15];
	[sflag:s12] =	ssyncadd.s32 $0xFFFFC000  }
0x310: {  	[tilespmem:s11], [sflag:$0x2] =	stream.linear.gather [hbm4b:s1+s2], $0x4000, $0x38;
	[tilespmem:$0x14000] =	vst v63  }
0x311: {  	_ =	swait.ge [sflag:s17], $0x4000  }
0x312: {  	[sflag:s17] =	ssyncset.done $0x0  }
0x313: {  	s1 =	rddreg [dreg:$0x16];
	[sflag:s17] =	ssyncadd.s32 $0xFFFFC000  }
0x314: {  	[hbm4b:s1+s2] =	stream.linear.scatter [tilespmem:s7], [sflag:$0x7], $0x4000, $0x38;
	[tilespmem:$0x14000] =	vst v63  }
0x315: {  	_ =	swait.ge [sflag:s10], $0x4000  }
0x316: {  	[sflag:s10] =	ssyncset.done $0x0  }
0x317: {  	s1 =	rddreg [dreg:$0x17];
	[sflag:s10] =	ssyncadd.s32 $0xFFFFC000  }
0x318: {  	[tilespmem:s7], [sflag:$0x3] =	stream.linear.gather [hbm4b:s1+s2], $0x4000, $0x38;
	[tilespmem:$0x14000] =	vst v63  }
0x319: {  	_ =	swait.ge [sflag:s15], $0x4000  }
0x31a: {  	[sflag:s15] =	ssyncset.done $0x0  }
0x31b: {  	s0 =	rddreg [dreg:$0x18];
	[sflag:s15] =	ssyncadd.s32 $0xFFFFC000  }
0x31c: {  	[hbm4b:s0+s2] =	stream.linear.scatter [tilespmem:s6], [sflag:$0x8], $0x4000, $0x38;
	[tilespmem:$0x14000] =	vst v63  }
0x31d: {  	s1 =	rddreg [dreg:$0x19]  }
0x31e: {  	[tilespmem:s25], [sflag:$0x9] =	stream.linear.gather [hbm4b:s1+s2], $0x4000, $0x38;
	[tilespmem:$0x14000] =	vst v63  }
0x31f: {  	_ =	swait.ge [sflag:s23], $0x4000  }
0x320: {  	[sflag:s23] =	ssyncset.done $0x0  }
0x321: {  	[sflag:s23] =	ssyncadd.s32 $0xFFFFC000  }
0x322: {  	_ =	swait.ge [sflag:s8], $0x4000  }
0x323: {  	[sflag:s8] =	ssyncset.done $0x0  }
0x324: {  	s1 =	rddreg [dreg:$0x1a];
	[sflag:s8] =	ssyncadd.s32 $0xFFFFC000  }
0x325: {  	[tilespmem:s6], [sflag:$0x4] =	stream.linear.gather [hbm4b:s1+s2], $0x4000, $0x38;
	[tilespmem:$0x14000] =	vst v63  }
0x326: {  	_ =	swait.ge [sflag:s19], $0x4000  }
0x327: {  	[sflag:s19] =	ssyncset.done $0x0  }
0x328: {  	s1 =	rddreg [dreg:$0x1b];
	[sflag:s19] =	ssyncadd.s32 $0xFFFFC000  }
0x329: {  	[hbm4b:s1+s2] =	stream.linear.scatter [tilespmem:s2], [sflag:$0x5], $0x4000, $0x38;
	[tilespmem:$0x14000] =	vst v63  }
0x32a: {  	_ =	swait.ge [sflag:s31], $0x4000  }
0x32b: {  	[sflag:s31] =	ssyncset.done $0x0  }
0x32c: {  	s1 =	rddreg [dreg:$0x1c];
	[sflag:s31] =	ssyncadd.s32 $0xFFFFC000  }
0x32d: {  	[tilespmem:s2], [sflag:$0x1] =	stream.linear.gather [hbm4b:s1+s2], $0x4000, $0x38;
	[tilespmem:$0x14000] =	vst v63  }
0x32e: {  	_ =	swait.ge [sflag:s20], $0x4000  }
0x32f: {  	[sflag:s20] =	ssyncset.done $0x0  }
0x330: {  	s1 =	rddreg [dreg:$0x1d];
	[sflag:s20] =	ssyncadd.s32 $0xFFFFC000  }
0x331: {  	[hbm4b:s1+s2] =	stream.linear.scatter [tilespmem:s11], [sflag:$0x6], $0x4000, $0x38;
	[tilespmem:$0x14000] =	vst v63  }
0x332: {  	_ =	swait.ge [sflag:s12], $0x4000  }
0x333: {  	[sflag:s12] =	ssyncset.done $0x0  }
0x334: {  	s1 =	rddreg [dreg:$0x1e];
	[sflag:s12] =	ssyncadd.s32 $0xFFFFC000  }
0x335: {  	[tilespmem:s11], [sflag:$0x2] =	stream.linear.gather [hbm4b:s1+s2], $0x4000, $0x38;
	[tilespmem:$0x14000] =	vst v63  }
0x336: {  	_ =	swait.ge [sflag:s17], $0x4000  }
0x337: {  	[sflag:s17] =	ssyncset.done $0x0  }
0x338: {  	s1 =	rddreg [dreg:$0x1f];
	[sflag:s17] =	ssyncadd.s32 $0xFFFFC000  }
0x339: {  	[hbm4b:s1+s2] =	stream.linear.scatter [tilespmem:s7], [sflag:$0x7], $0x4000, $0x38;
	[tilespmem:$0x14000] =	vst v63  }
0x33a: {  	_ =	swait.ge [sflag:s10], $0x4000  }
0x33b: {  	s1 =	sld [smem:$0x7E1]  }
0x33c: {  	[sflag:s10] =	ssyncset.done $0x0  }
0x33d: {  	[sflag:s10] =	ssyncadd.s32 $0xFFFFC000  }
0x33e: {  	[tilespmem:s7], [sflag:$0x3] =	stream.linear.gather [hbm4b:s1+s2], $0x4000, $0x38;
	[tilespmem:$0x14000] =	vst v63  }
0x33f: {  	_ =	swait.ge [sflag:s15], $0x4000  }
0x340: {  	s0 =	sld [smem:$0x7E2]  }
0x341: {  	[sflag:s15] =	ssyncset.done $0x0  }
0x342: {  	s1 =	sld [smem:$0x7E3];
	[sflag:s15] =	ssyncadd.s32 $0xFFFFC000  }
0x343: {  	[hbm4b:s0+s2] =	stream.linear.scatter [tilespmem:s6], [sflag:$0x8], $0x4000, $0x38;
	[tilespmem:$0x14000] =	vst v63  }
0x344: {  	_ = 	snop  }
0x345: {  	[tilespmem:s25], [sflag:$0x9] =	stream.linear.gather [hbm4b:s1+s2], $0x4000, $0x38;
	[tilespmem:$0x14000] =	vst v63  }
0x346: {  	_ =	swait.ge [sflag:s23], $0x4000  }
0x347: {  	[sflag:s23] =	ssyncset.done $0x0  }
0x348: {  	[sflag:s23] =	ssyncadd.s32 $0xFFFFC000  }
0x349: {  	_ =	swait.ge [sflag:s8], $0x4000  }
0x34a: {  	s1 =	sld [smem:$0x7E4]  }
0x34b: {  	[sflag:s8] =	ssyncset.done $0x0  }
0x34c: {  	[sflag:s8] =	ssyncadd.s32 $0xFFFFC000  }
0x34d: {  	[tilespmem:s6], [sflag:$0x4] =	stream.linear.gather [hbm4b:s1+s2], $0x4000, $0x38;
	[tilespmem:$0x14000] =	vst v63  }
0x34e: {  	_ =	swait.ge [sflag:s19], $0x4000  }
0x34f: {  	s1 =	sld [smem:$0x7E5]  }
0x350: {  	[sflag:s19] =	ssyncset.done $0x0  }
0x351: {  	[sflag:s19] =	ssyncadd.s32 $0xFFFFC000  }
0x352: {  	[hbm4b:s1+s2] =	stream.linear.scatter [tilespmem:s2], [sflag:$0x5], $0x4000, $0x38;
	[tilespmem:$0x14000] =	vst v63  }
0x353: {  	_ =	swait.ge [sflag:s31], $0x4000  }
0x354: {  	s1 =	sld [smem:$0x7E6]  }
0x355: {  	[sflag:s31] =	ssyncset.done $0x0  }
0x356: {  	[sflag:s31] =	ssyncadd.s32 $0xFFFFC000  }
0x357: {  	[tilespmem:s2], [sflag:$0x1] =	stream.linear.gather [hbm4b:s1+s2], $0x4000, $0x38;
	[tilespmem:$0x14000] =	vst v63  }
0x358: {  	_ =	swait.ge [sflag:s20], $0x4000  }
0x359: {  	s1 =	sld [smem:$0x7E7]  }
0x35a: {  	[sflag:s20] =	ssyncset.done $0x0  }
0x35b: {  	[sflag:s20] =	ssyncadd.s32 $0xFFFFC000  }
0x35c: {  	[hbm4b:s1+s2] =	stream.linear.scatter [tilespmem:s11], [sflag:$0x6], $0x4000, $0x38;
	[tilespmem:$0x14000] =	vst v63  }
0x35d: {  	_ =	swait.ge [sflag:s12], $0x4000  }
0x35e: {  	s1 =	sld [smem:$0x7E8]  }
0x35f: {  	[sflag:s12] =	ssyncset.done $0x0  }
0x360: {  	[sflag:s12] =	ssyncadd.s32 $0xFFFFC000  }
0x361: {  	[tilespmem:s11], [sflag:$0x2] =	stream.linear.gather [hbm4b:s1+s2], $0x4000, $0x38;
	[tilespmem:$0x14000] =	vst v63  }
0x362: {  	_ =	swait.ge [sflag:s17], $0x4000  }
0x363: {  	s1 =	sld [smem:$0x7E9]  }
0x364: {  	[sflag:s17] =	ssyncset.done $0x0  }
0x365: {  	[sflag:s17] =	ssyncadd.s32 $0xFFFFC000  }
0x366: {  	[hbm4b:s1+s2] =	stream.linear.scatter [tilespmem:s7], [sflag:$0x7], $0x4000, $0x38;
	[tilespmem:$0x14000] =	vst v63  }
0x367: {  	_ =	swait.ge [sflag:s10], $0x4000  }
0x368: {  	s1 =	sld [smem:$0x7EA]  }
0x369: {  	[sflag:s10] =	ssyncset.done $0x0  }
0x36a: {  	[sflag:s10] =	ssyncadd.s32 $0xFFFFC000  }
0x36b: {  	[tilespmem:s7], [sflag:$0x3] =	stream.linear.gather [hbm4b:s1+s2], $0x4000, $0x38;
	[tilespmem:$0x14000] =	vst v63  }
0x36c: {  	_ =	swait.ge [sflag:s15], $0x4000  }
0x36d: {  	s0 =	sld [smem:$0x7EB]  }
0x36e: {  	[sflag:s15] =	ssyncset.done $0x0  }
0x36f: {  	s1 =	sld [smem:$0x7EC];
	[sflag:s15] =	ssyncadd.s32 $0xFFFFC000  }
0x370: {  	[hbm4b:s0+s2] =	stream.linear.scatter [tilespmem:s6], [sflag:$0x8], $0x4000, $0x38;
	[tilespmem:$0x14000] =	vst v63  }
0x371: {  	_ = 	snop  }
0x372: {  	[tilespmem:s25], [sflag:$0x9] =	stream.linear.gather [hbm4b:s1+s2], $0x4000, $0x38;
	[tilespmem:$0x14000] =	vst v63  }
0x373: {  	_ =	swait.ge [sflag:s23], $0x4000  }
0x374: {  	[sflag:s23] =	ssyncset.done $0x0  }
0x375: {  	[sflag:s23] =	ssyncadd.s32 $0xFFFFC000  }
0x376: {  	_ =	swait.ge [sflag:s8], $0x4000  }
0x377: {  	s1 =	sld [smem:$0x7ED]  }
0x378: {  	[sflag:s8] =	ssyncset.done $0x0  }
0x379: {  	[sflag:s8] =	ssyncadd.s32 $0xFFFFC000  }
0x37a: {  	[tilespmem:s6], [sflag:$0x4] =	stream.linear.gather [hbm4b:s1+s2], $0x4000, $0x38;
	[tilespmem:$0x14000] =	vst v63  }
0x37b: {  	_ =	swait.ge [sflag:s19], $0x4000  }
0x37c: {  	s1 =	sld [smem:$0x7EE]  }
0x37d: {  	[sflag:s19] =	ssyncset.done $0x0  }
0x37e: {  	[sflag:s19] =	ssyncadd.s32 $0xFFFFC000  }
0x37f: {  	[hbm4b:s1+s2] =	stream.linear.scatter [tilespmem:s2], [sflag:$0x5], $0x4000, $0x38;
	[tilespmem:$0x14000] =	vst v63  }
0x380: {  	_ =	swait.ge [sflag:s31], $0x4000  }
0x381: {  	s1 =	sld [smem:$0x7EF]  }
0x382: {  	[sflag:s31] =	ssyncset.done $0x0  }
0x383: {  	[sflag:s31] =	ssyncadd.s32 $0xFFFFC000  }
0x384: {  	[tilespmem:s2], [sflag:$0x1] =	stream.linear.gather [hbm4b:s1+s2], $0x4000, $0x38;
	[tilespmem:$0x14000] =	vst v63  }
0x385: {  	_ =	swait.ge [sflag:s20], $0x4000  }
0x386: {  	s1 =	sld [smem:$0x7F0]  }
0x387: {  	[sflag:s20] =	ssyncset.done $0x0  }
0x388: {  	[sflag:s20] =	ssyncadd.s32 $0xFFFFC000  }
0x389: {  	[hbm4b:s1+s2] =	stream.linear.scatter [tilespmem:s11], [sflag:$0x6], $0x4000, $0x38;
	[tilespmem:$0x14000] =	vst v63  }
0x38a: {  	_ =	swait.ge [sflag:s12], $0x4000  }
0x38b: {  	s1 =	sld [smem:$0x7F1]  }
0x38c: {  	[sflag:s12] =	ssyncset.done $0x0  }
0x38d: {  	[sflag:s12] =	ssyncadd.s32 $0xFFFFC000  }
0x38e: {  	[tilespmem:s11], [sflag:$0x2] =	stream.linear.gather [hbm4b:s1+s2], $0x4000, $0x38;
	[tilespmem:$0x14000] =	vst v63  }
0x38f: {  	_ =	swait.ge [sflag:s17], $0x4000  }
0x390: {  	s1 =	sld [smem:$0x7F2]  }
0x391: {  	[sflag:s17] =	ssyncset.done $0x0  }
0x392: {  	[sflag:s17] =	ssyncadd.s32 $0xFFFFC000  }
0x393: {  	[hbm4b:s1+s2] =	stream.linear.scatter [tilespmem:s7], [sflag:$0x7], $0x4000, $0x38;
	[tilespmem:$0x14000] =	vst v63  }
0x394: {  	_ =	swait.ge [sflag:s10], $0x4000  }
0x395: {  	s1 =	sld [smem:$0x7F3]  }
0x396: {  	[sflag:s10] =	ssyncset.done $0x0  }
0x397: {  	[sflag:s10] =	ssyncadd.s32 $0xFFFFC000  }
0x398: {  	[tilespmem:s7], [sflag:$0x3] =	stream.linear.gather [hbm4b:s1+s2], $0x4000, $0x38;
	[tilespmem:$0x14000] =	vst v63  }
0x399: {  	_ =	swait.ge [sflag:s15], $0x4000  }
0x39a: {  	s0 =	sld [smem:$0x7F4]  }
0x39b: {  	[sflag:s15] =	ssyncset.done $0x0  }
0x39c: {  	s1 =	sld [smem:$0x7F5];
	[sflag:s15] =	ssyncadd.s32 $0xFFFFC000  }
0x39d: {  	[hbm4b:s0+s2] =	stream.linear.scatter [tilespmem:s6], [sflag:$0x8], $0x4000, $0x38;
	[tilespmem:$0x14000] =	vst v63  }
0x39e: {  	_ = 	snop  }
0x39f: {  	[tilespmem:s25], [sflag:$0x9] =	stream.linear.gather [hbm4b:s1+s2], $0x4000, $0x38;
	[tilespmem:$0x14000] =	vst v63  }
0x3a0: {  	_ =	swait.ge [sflag:s23], $0x4000  }
0x3a1: {  	[sflag:s23] =	ssyncset.done $0x0  }
0x3a2: {  	[sflag:s23] =	ssyncadd.s32 $0xFFFFC000  }
0x3a3: {  	_ =	swait.ge [sflag:s8], $0x4000  }
0x3a4: {  	s1 =	sld [smem:$0x7F6]  }
0x3a5: {  	[sflag:s8] =	ssyncset.done $0x0  }
0x3a6: {  	[sflag:s8] =	ssyncadd.s32 $0xFFFFC000  }
0x3a7: {  	[tilespmem:s6], [sflag:$0x4] =	stream.linear.gather [hbm4b:s1+s2], $0x4000, $0x38;
	[tilespmem:$0x14000] =	vst v63  }
0x3a8: {  	_ =	swait.ge [sflag:s19], $0x4000  }
0x3a9: {  	s1 =	sld [smem:$0x7F7]  }
0x3aa: {  	[sflag:s19] =	ssyncset.done $0x0  }
0x3ab: {  	[sflag:s19] =	ssyncadd.s32 $0xFFFFC000  }
0x3ac: {  	[hbm4b:s1+s2] =	stream.linear.scatter [tilespmem:s2], [sflag:$0x5], $0x4000, $0x38;
	[tilespmem:$0x14000] =	vst v63  }
0x3ad: {  	_ =	swait.ge [sflag:s31], $0x4000  }
0x3ae: {  	s1 =	sld [smem:$0x7F8]  }
0x3af: {  	[sflag:s31] =	ssyncset.done $0x0  }
0x3b0: {  	[sflag:s31] =	ssyncadd.s32 $0xFFFFC000  }
0x3b1: {  	[tilespmem:s2], [sflag:$0x1] =	stream.linear.gather [hbm4b:s1+s2], $0x4000, $0x38;
	[tilespmem:$0x14000] =	vst v63  }
0x3b2: {  	_ =	swait.ge [sflag:s20], $0x4000  }
0x3b3: {  	s1 =	sld [smem:$0x7F9]  }
0x3b4: {  	[sflag:s20] =	ssyncset.done $0x0  }
0x3b5: {  	[sflag:s20] =	ssyncadd.s32 $0xFFFFC000  }
0x3b6: {  	[hbm4b:s1+s2] =	stream.linear.scatter [tilespmem:s11], [sflag:$0x6], $0x4000, $0x38;
	[tilespmem:$0x14000] =	vst v63  }
0x3b7: {  	_ =	swait.ge [sflag:s12], $0x4000  }
0x3b8: {  	s1 =	sld [smem:$0x7FA]  }
0x3b9: {  	[sflag:s12] =	ssyncset.done $0x0  }
0x3ba: {  	[sflag:s12] =	ssyncadd.s32 $0xFFFFC000  }
0x3bb: {  	[tilespmem:s11], [sflag:$0x2] =	stream.linear.gather [hbm4b:s1+s2], $0x4000, $0x38;
	[tilespmem:$0x14000] =	vst v63  }
0x3bc: {  	_ =	swait.ge [sflag:s17], $0x4000  }
0x3bd: {  	s1 =	sld [smem:$0x7FB]  }
0x3be: {  	[sflag:s17] =	ssyncset.done $0x0  }
0x3bf: {  	[sflag:s17] =	ssyncadd.s32 $0xFFFFC000  }
0x3c0: {  	[hbm4b:s1+s2] =	stream.linear.scatter [tilespmem:s7], [sflag:$0x7], $0x4000, $0x38;
	[tilespmem:$0x14000] =	vst v63  }
0x3c1: {  	_ =	swait.ge [sflag:s10], $0x4000  }
0x3c2: {  	s1 =	sld [smem:$0x7FC]  }
0x3c3: {  	[sflag:s10] =	ssyncset.done $0x0  }
0x3c4: {  	[sflag:s10] =	ssyncadd.s32 $0xFFFFC000  }
0x3c5: {  	[tilespmem:s7], [sflag:$0x3] =	stream.linear.gather [hbm4b:s1+s2], $0x4000, $0x38;
	[tilespmem:$0x14000] =	vst v63  }
0x3c6: {  	_ =	swait.ge [sflag:s15], $0x4000  }
0x3c7: {  	s1 =	sld [smem:$0x7FD]  }
0x3c8: {  	[sflag:s15] =	ssyncset.done $0x0  }
0x3c9: {  	[sflag:s15] =	ssyncadd.s32 $0xFFFFC000  }
0x3ca: {  	[hbm4b:s1+s2] =	stream.linear.scatter [tilespmem:s6], [sflag:$0x8], $0x4000, $0x38;
	[tilespmem:$0x14000] =	vst v63  }
0x3cb: {  	_ = 	snop  }
0x3cc: {  	[tilespmem:s25], [sflag:$0x9] =	stream.linear.gather [hbm4b:s4+s2], $0x4000, $0x38;
	[tilespmem:$0x14000] =	vst v63  }
0x3cd: {  	_ =	swait.ge [sflag:s23], $0x4000  }
0x3ce: {  	[sflag:s23] =	ssyncset.done $0x0  }
0x3cf: {  	[sflag:s23] =	ssyncadd.s32 $0xFFFFC000  }
0x3d0: {  	_ =	swait.ge [sflag:s8], $0x4000  }
0x3d1: {  	[sflag:s8] =	ssyncset.done $0x0  }
0x3d2: {  	[sflag:s8] =	ssyncadd.s32 $0xFFFFC000  }
0x3d3: {  	[tilespmem:s6], [sflag:$0x4] =	stream.linear.gather [hbm4b:s29+s2], $0x4000, $0x38;
	[tilespmem:$0x14000] =	vst v63  }
0x3d4: {  	_ =	swait.ge [sflag:s19], $0x4000  }
0x3d5: {  	[sflag:s19] =	ssyncset.done $0x0  }
0x3d6: {  	[sflag:s19] =	ssyncadd.s32 $0xFFFFC000  }
0x3d7: {  	[hbm4b:s28+s2] =	stream.linear.scatter [tilespmem:s2], [sflag:$0x5], $0x4000, $0x38;
	[tilespmem:$0x14000] =	vst v63  }
0x3d8: {  	_ =	swait.ge [sflag:s31], $0x4000  }
0x3d9: {  	[sflag:s31] =	ssyncset.done $0x0  }
0x3da: {  	[sflag:s31] =	ssyncadd.s32 $0xFFFFC000  }
0x3db: {  	[tilespmem:s2], [sflag:$0x1] =	stream.linear.gather [hbm4b:s26+s2], $0x4000, $0x38;
	[tilespmem:$0x14000] =	vst v63  }
0x3dc: {  	_ =	swait.ge [sflag:s20], $0x4000  }
0x3dd: {  	[sflag:s20] =	ssyncset.done $0x0  }
0x3de: {  	[sflag:s20] =	ssyncadd.s32 $0xFFFFC000  }
0x3df: {  	[hbm4b:s24+s2] =	stream.linear.scatter [tilespmem:s11], [sflag:$0x6], $0x4000, $0x38;
	[tilespmem:$0x14000] =	vst v63  }
0x3e0: {  	_ =	swait.ge [sflag:s12], $0x4000  }
0x3e1: {  	[sflag:s12] =	ssyncset.done $0x0  }
0x3e2: {  	[sflag:s12] =	ssyncadd.s32 $0xFFFFC000  }
0x3e3: {  	[tilespmem:s11], [sflag:$0x2] =	stream.linear.gather [hbm4b:s22+s2], $0x4000, $0x38;
	[tilespmem:$0x14000] =	vst v63  }
0x3e4: {  	_ =	swait.ge [sflag:s17], $0x4000  }
0x3e5: {  	[sflag:s17] =	ssyncset.done $0x0  }
0x3e6: {  	[sflag:s17] =	ssyncadd.s32 $0xFFFFC000  }
0x3e7: {  	[hbm4b:s21+s2] =	stream.linear.scatter [tilespmem:s7], [sflag:$0x7], $0x4000, $0x38;
	[tilespmem:$0x14000] =	vst v63  }
0x3e8: {  	_ =	swait.ge [sflag:s10], $0x4000  }
0x3e9: {  	[sflag:s10] =	ssyncset.done $0x0  }
0x3ea: {  	[sflag:s10] =	ssyncadd.s32 $0xFFFFC000  }
0x3eb: {  	[tilespmem:s7], [sflag:$0x3] =	stream.linear.gather [hbm4b:s18+s2], $0x4000, $0x38;
	[tilespmem:$0x14000] =	vst v63  }
0x3ec: {  	_ =	swait.ge [sflag:s15], $0x4000  }
0x3ed: {  	[sflag:s15] =	ssyncset.done $0x0  }
0x3ee: {  	[sflag:s15] =	ssyncadd.s32 $0xFFFFC000  }
0x3ef: {  	[hbm4b:s14+s2] =	stream.linear.scatter [tilespmem:s6], [sflag:$0x8], $0x4000, $0x38;
	[tilespmem:$0x14000] =	vst v63  }
0x3f0: {  	_ = 	snop  }
0x3f1: {  	[tilespmem:s25], [sflag:$0x9] =	stream.linear.gather [hbm4b:s16+s2], $0x4000, $0x38;
	[tilespmem:$0x14000] =	vst v63  }
0x3f2: {  	_ =	swait.ge [sflag:s23], $0x4000  }
0x3f3: {  	[sflag:s23] =	ssyncset.done $0x0  }
0x3f4: {  	[sflag:s23] =	ssyncadd.s32 $0xFFFFC000  }
0x3f5: {  	_ =	swait.ge [sflag:s8], $0x4000  }
0x3f6: {  	[sflag:s8] =	ssyncset.done $0x0  }
0x3f7: {  	[sflag:s8] =	ssyncadd.s32 $0xFFFFC000  }
0x3f8: {  	[tilespmem:s6], [sflag:$0x4] =	stream.linear.gather [hbm4b:s13+s2], $0x4000, $0x38;
	[tilespmem:$0x14000] =	vst v63  }
0x3f9: {  	_ =	swait.ge [sflag:s19], $0x4000  }
0x3fa: {  	[sflag:s19] =	ssyncset.done $0x0  }
0x3fb: {  	[sflag:s19] =	ssyncadd.s32 $0xFFFFC000  }
0x3fc: {  	[hbm4b:s9+s2] =	stream.linear.scatter [tilespmem:s2], [sflag:$0x5], $0x4000, $0x38;
	[tilespmem:$0x14000] =	vst v63  }
0x3fd: {  	_ =	swait.ge [sflag:s20], $0x4000  }
0x3fe: {  	[sflag:s20] =	ssyncset.done $0x0  }
0x3ff: {  	[sflag:s20] =	ssyncadd.s32 $0xFFFFC000  }
0x400: {  	[hbm4b:s5+s2] =	stream.linear.scatter [tilespmem:s11], [sflag:$0x6], $0x4000, $0x38;
	[tilespmem:$0x14000] =	vst v63  }
0x401: {  	_ =	swait.ge [sflag:s17], $0x4000  }
0x402: {  	[sflag:s17] =	ssyncset.done $0x0  }
0x403: {  	[sflag:s17] =	ssyncadd.s32 $0xFFFFC000  }
0x404: {  	[hbm4b:s3+s2] =	stream.linear.scatter [tilespmem:s7], [sflag:$0x7], $0x4000, $0x38;
	[tilespmem:$0x14000] =	vst v63  }
0x405: {  	_ =	swait.ge [sflag:s15], $0x4000  }
0x406: {  	[sflag:s15] =	ssyncset.done $0x0  }
0x407: {  	[sflag:s15] =	ssyncadd.s32 $0xFFFFC000  }
0x408: {  	[hbm4b:s30+s2] =	stream.linear.scatter [tilespmem:s6], [sflag:$0x8], $0x4000, $0x38;
	[tilespmem:$0x14000] =	vst v63  }
0x409: {  	_ =	swait.ge [sflag:s12], $0x4000  }
0x40a: {  	[sflag:s12] =	ssyncset.done $0x0  }
0x40b: {  	[sflag:s12] =	ssyncadd.s32 $0xFFFFC000  }
0x40c: {  	_ =	swait.ge [sflag:s10], $0x4000  }
0x40d: {  	[sflag:s10] =	ssyncset.done $0x0  }
0x40e: {  	[sflag:s10] =	ssyncadd.s32 $0xFFFFC000  }
0x40f: {  	_ =	swait.ge [sflag:s8], $0x4000  }
0x410: {  	[sflag:s8] =	ssyncset.done $0x0  }
0x411: {  	[sflag:s8] =	ssyncadd.s32 $0xFFFFC000  }
0x412: {  	_ =	sfence.sel $0x180000  }
0x413: {  	[bflag:$0x0] =	sbarrier.arrive $0xFFFF  }
0x414: {  	_ =	strace $0x90000047  }
0x415: {  	s31 =	stileid.u32;
	[bflag:$0x2] =	sbarrier.arrive $0xFFFF  }
0x416: {  	p0 =	sne.s32 s31, $0x0;
	s0 =	rddreg [dreg:$0x3]  }
0x417: {  	s0 =	sadd.s32 @!p0 $0x100000, s0  }
0x418: {  	[sflag:s0] =	ssyncadd.tile.s32 @!p0 $0x1;
	_ =	shalt  }
.Lfunc_end2:
_tile_overlayer_lowered:
.L_overlay_start_2:
0x419: {  	(tag) =	ssettag $0x2  }
0x41a: {  	s0 =	rddreg [dreg:$0x0];
	s2 =	stileid.u32  }
0x41b: {  	s1 =	rddreg [dreg:$0x1];
	p0 =	sne.s32 s2, $0x0  }
0x41c: {  	s3 =	rddreg [dreg:$0x2];
	[bflag:$0x3] =	sbarrier.arrive $0xFFFF;
	s2 =	simm.s32 @!p0 $0x1C09  }
0x41d: {  	[timem:s3], [sflag:s2] =	dma.local @!p0 [hbm:s0], s1  }
0x41e: {  	s0 =	simm.s32 @!p0 $0x9  }
0x41f: {  	_ =	swait.ge @!p0 [sflag:s0], s1  }
0x420: {  	s1 =	ssub.s32 @!p0 $0x0, s1;
	[sflag:s0] =	ssyncset.done @!p0 $0x0  }
0x421: {  	[sflag:s0] =	ssyncadd.s32 @!p0 s1  }
0x422: {  	[bflag:$0x3] =	sbarrier.arrive $0xFFFF  }
0x423: {  	_ =	shalt  }

</sc_bundles>
